<compile_context>
chip_gen: v7x
topology: tpu7x:2x2x1
jax: 0.10.2.dev20260603
libtpu: 0.0.44.dev20260713+nightly
codegen_flags: <defaults>
</compile_context>

<pallas_src>
import functools

import jax
import jax.numpy as jnp
from jax import lax
from jax.experimental import pallas as pl
from jax.experimental.pallas import tpu as pltpu
from jax.experimental.pallas import tpu_sc as plsc

NC = 2
NS = 16
NW = NC * NS
K = 128
BLK = 8


def _sc_aggregate(h, src3, dst3, zeros, n_pad, cpt):
  D = h.shape[1]
  rpt = n_pad // NS

  mesh = plsc.VectorSubcoreMesh(core_axis_name="c", subcore_axis_name="s",
                                num_cores=NC, num_subcores=NS)

  @functools.partial(
      pl.kernel,
      out_type=[jax.ShapeDtypeStruct((n_pad, D), jnp.float32),
                jax.ShapeDtypeStruct((n_pad, D), jnp.float32)],
      mesh=mesh,
      scratch_types=[
          pltpu.VMEM((2, BLK, K), jnp.int32),
          pltpu.VMEM((2, BLK, K), jnp.int32),
          pltpu.VMEM((K, D), jnp.float32),
          pltpu.VMEM((K, D), jnp.float32),
          pltpu.VMEM_SHARED((n_pad, D), jnp.float32),
          pltpu.SemaphoreType.DMA,
          pltpu.SemaphoreType.DMA,
          pltpu.SemaphoreType.DMA,
          pltpu.SemaphoreType.DMA,
      ],
  )
  def agg_kernel(h_hbm, src_hbm, dst_hbm, zeros_hbm, out0_hbm, out1_hbm,
                 sidx, didx, rows_a, rows_b, acc_sh,
                 sem_a, sem_b, isem_s, isem_d):
    cid = lax.axis_index("c")
    sid = lax.axis_index("s")
    wid = cid * NS + sid
    nblk = cpt // BLK

    pltpu.sync_copy(zeros_hbm.at[pl.ds(sid * rpt, rpt)],
                    acc_sh.at[pl.ds(sid * rpt, rpt)])
    pltpu.sync_copy(src_hbm.at[wid, pl.ds(0, BLK)], sidx.at[0])
    pltpu.sync_copy(dst_hbm.at[wid, pl.ds(0, BLK)], didx.at[0])
    plsc.subcore_barrier()
    pltpu.async_copy(h_hbm.at[sidx.at[0, 0]], rows_a, sem_a)

    def blk_body(b, carry):
      p = b % 2
      pn = 1 - p

      @pl.when(b < nblk - 1)
      def _():
        pltpu.async_copy(src_hbm.at[wid, pl.ds((b + 1) * BLK, BLK)],
                         sidx.at[pn], isem_s)
        pltpu.async_copy(dst_hbm.at[wid, pl.ds((b + 1) * BLK, BLK)],
                         didx.at[pn], isem_d)

      for jj in range(BLK):
        rcur, scur = (rows_a, sem_a) if jj % 2 == 0 else (rows_b, sem_b)
        rnxt, snxt = (rows_b, sem_b) if jj % 2 == 0 else (rows_a, sem_a)
        pltpu.make_async_copy(h_hbm.at[sidx.at[p, jj]], rcur, scur).wait()
        if jj < BLK - 1:
          pltpu.async_copy(h_hbm.at[sidx.at[p, jj + 1]], rnxt, snxt)
        else:
          @pl.when(b < nblk - 1)
          def _():
            pltpu.make_async_copy(src_hbm.at[wid, pl.ds((b + 1) * BLK, BLK)],
                                  sidx.at[pn], isem_s).wait()
            pltpu.make_async_copy(dst_hbm.at[wid, pl.ds((b + 1) * BLK, BLK)],
                                  didx.at[pn], isem_d).wait()
            pltpu.async_copy(h_hbm.at[sidx.at[pn, 0]], rnxt, snxt)
        pltpu.sync_copy(rcur, acc_sh.at[didx.at[p, jj]], add=True)
      return carry

    lax.fori_loop(0, nblk, blk_body, 0, unroll=False)
    plsc.subcore_barrier()

    @pl.when(cid == 0)
    def _():
      pltpu.sync_copy(acc_sh.at[pl.ds(sid * rpt, rpt)],
                      out0_hbm.at[pl.ds(sid * rpt, rpt)])

    @pl.when(cid == 1)
    def _():
      pltpu.sync_copy(acc_sh.at[pl.ds(sid * rpt, rpt)],
                      out1_hbm.at[pl.ds(sid * rpt, rpt)])

  return agg_kernel(h, src3, dst3, zeros)


def _mlp_kernel(x_ref, a0_ref, a1_ref, wa_ref, ba_ref, wb_ref, bb_ref,
                o_ref, *, relu_out):
  z = x_ref[...] + a0_ref[...] + a1_ref[...]
  t = jnp.maximum(
      jnp.dot(z, wa_ref[...], preferred_element_type=jnp.float32)
      + ba_ref[...], 0.0)
  o = jnp.dot(t, wb_ref[...], preferred_element_type=jnp.float32) + bb_ref[...]
  if relu_out:
    o = jnp.maximum(o, 0.0)
  o_ref[...] = o


def _mlp(h, a0, a1, wa, ba, wb, bb, relu_out, rows):
  N, D = h.shape
  nblk = N // rows
  row_spec = pl.BlockSpec((rows, D), lambda i: (i, 0))
  full = pl.BlockSpec((D, D), lambda i: (0, 0))
  vec = pl.BlockSpec((1, D), lambda i: (0, 0))
  return pl.pallas_call(
      functools.partial(_mlp_kernel, relu_out=relu_out),
      grid=(nblk,),
      in_specs=[row_spec, row_spec, row_spec, full, vec, full, vec],
      out_specs=row_spec,
      out_shape=jax.ShapeDtypeStruct((N, D), jnp.float32),
  )(h, a0, a1, wa, ba.reshape(1, D), wb, bb.reshape(1, D))


def _mlp_pool_kernel(x_ref, a0_ref, a1_ref, wa_ref, ba_ref, wb_ref, bb_ref,
                     ids_ref, o_ref, acc_ref, cnt_ref, *, n_graphs, rows,
                     nblk):
  i = pl.program_id(0)

  @pl.when(i == 0)
  def _():
    acc_ref[...] = jnp.zeros_like(acc_ref)
    cnt_ref[...] = jnp.zeros_like(cnt_ref)

  z = x_ref[...] + a0_ref[...] + a1_ref[...]
  t = jnp.maximum(
      jnp.dot(z, wa_ref[...], preferred_element_type=jnp.float32)
      + ba_ref[...], 0.0)
  h2 = jnp.dot(t, wb_ref[...], preferred_element_type=jnp.float32) + bb_ref[...]

  ids = ids_ref[0]
  gid = lax.broadcasted_iota(jnp.int32, (n_graphs, rows), 0)
  onehot = (gid == ids).astype(jnp.float32)
  acc_ref[...] += jnp.dot(onehot, h2, preferred_element_type=jnp.float32)
  cnt_ref[...] += jnp.broadcast_to(
      jnp.sum(onehot, axis=1, keepdims=True), cnt_ref.shape)

  @pl.when(i == nblk - 1)
  def _():
    o_ref[...] = acc_ref[...] / jnp.maximum(cnt_ref[...], 1.0)


def _mlp_pool(h, a0, a1, wa, ba, wb, bb, ids3, n_graphs, rows):
  N, D = h.shape
  nblk = N // rows
  row_spec = pl.BlockSpec((rows, D), lambda i: (i, 0))
  full = pl.BlockSpec((D, D), lambda i: (0, 0))
  vec = pl.BlockSpec((1, D), lambda i: (0, 0))
  ids_spec = pl.BlockSpec((1, 1, rows), lambda i: (i, 0, 0))
  out_spec = pl.BlockSpec((n_graphs, D), lambda i: (0, 0))
  return pl.pallas_call(
      functools.partial(_mlp_pool_kernel, n_graphs=n_graphs, rows=rows,
                        nblk=nblk),
      grid=(nblk,),
      in_specs=[row_spec, row_spec, row_spec, full, vec, full, vec, ids_spec],
      out_specs=out_spec,
      out_shape=jax.ShapeDtypeStruct((n_graphs, D), jnp.float32),
      scratch_shapes=[
          pltpu.VMEM((n_graphs, D), jnp.float32),
          pltpu.VMEM((n_graphs, D), jnp.float32),
      ],
  )(h, a0, a1, wa, ba.reshape(1, D), wb, bb.reshape(1, D), ids3)


def kernel(x, edge_index, batch, W1a, b1a, W1b, b1b, W2a, b2a, W2b, b2b):
  N, D = x.shape
  E = edge_index.shape[1]
  n_graphs = 64
  rows = 1000

  n_pad = ((N + NW * 8 - 1) // (NW * 8)) * (NW * 8)
  if n_pad == N:
    n_pad = N + NW * 8
  ept = -(-E // NW)
  cpt = -(-ept // (K * BLK)) * BLK
  e_pad = NW * cpt * K

  src = edge_index[0].astype(jnp.int32)
  dst = edge_index[1].astype(jnp.int32)
  pad_src = jnp.arange(e_pad - E, dtype=jnp.int32) % N
  src3 = jnp.concatenate([src, pad_src]).reshape(NW, cpt, K)
  pad_dst = N + jnp.arange(e_pad - E, dtype=jnp.int32) % (n_pad - N)
  dst3 = jnp.concatenate([dst, pad_dst]).reshape(NW, cpt, K)
  zeros = jnp.zeros((n_pad, D), jnp.float32)
  ids3 = batch.astype(jnp.int32).reshape(N // rows, 1, rows)

  a1_0, a1_1 = _sc_aggregate(x, src3, dst3, zeros, n_pad, cpt)
  h1 = _mlp(x, a1_0, a1_1, W1a, b1a, W1b, b1b, relu_out=True, rows=rows)
  a2_0, a2_1 = _sc_aggregate(h1, src3, dst3, zeros, n_pad, cpt)
  return _mlp_pool(h1, a2_0, a2_1, W2a, b2a, W2b, b2b, ids3, n_graphs, rows)

# --- scband reference (transcript-rebuilt; emitter-appended) ---
"""Pipeline reference for scband-gin-encoder-82154134438098 (READ-ONLY COPY).

The authoritative reference and input builder live on the scoring server;
editing this copy changes nothing except your own understanding.
"""

import jax, jax.numpy as jnp
import numpy as np

N_NODES = 10000
N_EDGES = 320000
D_IN = 128
D_HID = 128
D_OUT = 128
N_GRAPHS = 64


def setup_inputs(seed: int = 0) -> dict:
    key = jax.random.key(seed)
    ks = jax.random.split(key, 12)
    x = jax.random.normal(ks[0], (N_NODES, D_IN), dtype=jnp.float32)
    edge_index = jax.random.randint(ks[1], (2, N_EDGES), 0, N_NODES, dtype=jnp.int64)
    batch = jnp.sort(jax.random.randint(ks[2], (N_NODES,), 0, N_GRAPHS, dtype=jnp.int64))
    s_in = 1.0 / np.sqrt(D_IN)
    s_hid = 1.0 / np.sqrt(D_HID)
    s_out = 1.0 / np.sqrt(D_OUT)
    W1a = jax.random.normal(ks[3], (D_IN, D_HID), dtype=jnp.float32) * s_in
    b1a = jnp.zeros((D_HID,), dtype=jnp.float32)
    W1b = jax.random.normal(ks[4], (D_HID, D_HID), dtype=jnp.float32) * s_hid
    b1b = jnp.zeros((D_HID,), dtype=jnp.float32)
    W2a = jax.random.normal(ks[5], (D_HID, D_OUT), dtype=jnp.float32) * s_hid
    b2a = jnp.zeros((D_OUT,), dtype=jnp.float32)
    W2b = jax.random.normal(ks[6], (D_OUT, D_OUT), dtype=jnp.float32) * s_out
    b2b = jnp.zeros((D_OUT,), dtype=jnp.float32)
    return {"x": x, "edge_index": edge_index, "batch": batch,
            "W1a": W1a, "b1a": b1a, "W1b": W1b, "b1b": b1b,
            "W2a": W2a, "b2a": b2a, "W2b": W2b, "b2b": b2b}


def _gin_conv(h, edge_index, Wa, ba, Wb, bb):
    # GINConv with eps=0 (default, train_eps=False):
    # out = MLP((1+eps)*h + sum_{j in N(i)} h_j)
    src = edge_index[0]
    dst = edge_index[1]
    msgs = jnp.take(h, src, axis=0)               # gather (SparseCore)
    agg = jnp.zeros_like(h).at[dst].add(msgs)      # scatter-add (SparseCore)
    z = h + agg
    z = jnp.maximum(z @ Wa + ba, 0.0)
    z = z @ Wb + bb
    return z


def reference(x, edge_index, batch, W1a, b1a, W1b, b1b, W2a, b2a, W2b, b2b):
    h = _gin_conv(x, edge_index, W1a, b1a, W1b, b1b)
    h = jnp.maximum(h, 0.0)  # F.relu after conv1
    h = _gin_conv(h, edge_index, W2a, b2a, W2b, b2b)
    # global_mean_pool over graph ids in `batch`
    sums = jax.ops.segment_sum(h, batch, num_segments=N_GRAPHS)
    counts = jax.ops.segment_sum(jnp.ones((h.shape[0],), dtype=h.dtype), batch, num_segments=N_GRAPHS)
    counts = jnp.clip(counts, 1.0, None)
    return sums / counts[:, None]

if __name__ == "__main__":
    import jax
    _d = setup_inputs()
    print(jax.jit(kernel)(*tuple(_d.values())))

</pallas_src>

<mosaic_0001>
#map = affine_map<(d0, d1) -> (0, 0)>
#map1 = affine_map<(d0, d1) -> (0, 0, 0)>
module attributes {stable_mosaic.version = 14 : i64} {
  func.func @agg_kernel(%arg0: i32, %arg1: i32, %arg2: memref<10000x128xf32, #tpu.memory_space<hbm>>, %arg3: memref<32x80x128xi32, #tpu.memory_space<hbm>>, %arg4: memref<32x80x128xi32, #tpu.memory_space<hbm>>, %arg5: memref<10240x128xf32, #tpu.memory_space<hbm>>, %arg6: memref<10240x128xf32, #tpu.memory_space<hbm>>, %arg7: memref<10240x128xf32, #tpu.memory_space<hbm>>, %arg8: memref<2x8x128xi32, #tpu.memory_space<vmem>>, %arg9: memref<2x8x128xi32, #tpu.memory_space<vmem>>, %arg10: memref<128x128xf32, #tpu.memory_space<vmem>>, %arg11: memref<128x128xf32, #tpu.memory_space<vmem>>, %arg12: memref<10240x128xf32, #tpu.memory_space<vmem_shared>>, %arg13: memref<!tpu.dma_semaphore, #tpu.memory_space<semaphore_mem>>, %arg14: memref<!tpu.dma_semaphore, #tpu.memory_space<semaphore_mem>>, %arg15: memref<!tpu.dma_semaphore, #tpu.memory_space<semaphore_mem>>, %arg16: memref<!tpu.dma_semaphore, #tpu.memory_space<semaphore_mem>>) attributes {dimension_semantics = [#tpu.dimension_semantics<core_parallel>, #tpu.dimension_semantics<subcore_parallel>], iteration_bounds = array<i64: 2, 16>, scalar_prefetch = 0 : i64, scratch_operands = 9 : i64, tpu.core_type = #tpu.core_type<sc_vector_subcore>, window_params = [{transform_indices = #map}, {transform_indices = #map1}, {transform_indices = #map1}, {transform_indices = #map}, {transform_indices = #map}, {transform_indices = #map}]} {
    %mul3A = arith.constant 16 : i32
    %mul3A_0 = arith.muli %arg0, %mul3A : i32
    %add3A = arith.addi %mul3A_0, %arg1 : i32
    %mul3A_1 = arith.constant 640 : i32
    %mul3A_2 = arith.muli %arg1, %mul3A_1 : i32
    %mul3A_3 = arith.constant 640 : i32
    %mul3A_4 = arith.muli %arg1, %mul3A_3 : i32
    "tpu.region"() ({
      %run_scoped3A_26 = tpu.sem_alloc : memref<!tpu.dma_semaphore, #tpu.memory_space<semaphore_mem>>
      %dma_start3A_27 = arith.constant 0 : i32
      %dma_start3A_28 = tpu.memref_slice %arg12[%mul3A_4, %dma_start3A_27] : memref<10240x128xf32, #tpu.memory_space<vmem_shared>> -> memref<640x128xf32, #tpu.memory_space<vmem_shared>>
      %dma_start3A_29 = arith.constant 0 : i32
      %dma_start3A_30 = tpu.memref_slice %arg5[%mul3A_2, %dma_start3A_29] : memref<10240x128xf32, #tpu.memory_space<hbm>> -> memref<640x128xf32, #tpu.memory_space<hbm>>
      tpu.enqueue_dma source(%dma_start3A_30 : memref<640x128xf32, #tpu.memory_space<hbm>>) target(%dma_start3A_28 : memref<640x128xf32, #tpu.memory_space<vmem_shared>>) target_semaphore(%run_scoped3A_26 : memref<!tpu.dma_semaphore, #tpu.memory_space<semaphore_mem>>)
      %dma_wait3A = arith.constant 0 : i32
      %dma_wait3A_31 = tpu.memref_slice %arg12[%mul3A_4, %dma_wait3A] : memref<10240x128xf32, #tpu.memory_space<vmem_shared>> -> memref<640x128xf32, #tpu.memory_space<vmem_shared>>
      %dma_wait3A_32 = arith.constant 0 : i32
      %dma_wait3A_33 = tpu.memref_slice %arg5[%mul3A_2, %dma_wait3A_32] : memref<10240x128xf32, #tpu.memory_space<hbm>> -> memref<640x128xf32, #tpu.memory_space<hbm>>
      tpu.wait_dma2 semaphore(%run_scoped3A_26 : memref<!tpu.dma_semaphore, #tpu.memory_space<semaphore_mem>>) src(%dma_wait3A_33 : memref<640x128xf32, #tpu.memory_space<hbm>>) dst(%dma_wait3A_31 : memref<640x128xf32, #tpu.memory_space<vmem_shared>>)
      tpu.yield
    }) : () -> ()
    %run_scoped3A = arith.constant 0 : i32
    "tpu.region"() ({
      %run_scoped3A_26 = tpu.sem_alloc : memref<!tpu.dma_semaphore, #tpu.memory_space<semaphore_mem>>
      %dma_start3A_27 = arith.constant 0 : i32
      %dma_start3A_28 = arith.constant 0 : i32
      %dma_start3A_29 = tpu.memref_slice %arg8[%run_scoped3A, %dma_start3A_27, %dma_start3A_28] : memref<2x8x128xi32, #tpu.memory_space<vmem>> -> memref<1x8x128xi32, #tpu.memory_space<vmem>>
      %dma_start3A_30 = tpu.memref_squeeze %dma_start3A_29 : memref<1x8x128xi32, #tpu.memory_space<vmem>> -> memref<8x128xi32, #tpu.memory_space<vmem>>
      %dma_start3A_31 = arith.constant 0 : i32
      %dma_start3A_32 = arith.constant 0 : i32
      %dma_start3A_33 = tpu.memref_slice %arg3[%add3A, %dma_start3A_31, %dma_start3A_32] : memref<32x80x128xi32, #tpu.memory_space<hbm>> -> memref<1x8x128xi32, #tpu.memory_space<hbm>>
      %dma_start3A_34 = tpu.memref_squeeze %dma_start3A_33 : memref<1x8x128xi32, #tpu.memory_space<hbm>> -> memref<8x128xi32, #tpu.memory_space<hbm>>
      %dma_start3A_35 = arith.constant 0 : i32
      %dma_start3A_36 = arith.constant 0 : i32
      %dma_start3A_37 = tpu.memref_slice %arg8[%run_scoped3A, %dma_start3A_35, %dma_start3A_36] : memref<2x8x128xi32, #tpu.memory_space<vmem>> -> memref<1x8x128xi32, #tpu.memory_space<vmem>>
      %dma_start3A_38 = tpu.memref_squeeze %dma_start3A_37 : memref<1x8x128xi32, #tpu.memory_space<vmem>> -> memref<8x128xi32, #tpu.memory_space<vmem>>
      %dma_start3A_39 = arith.constant 0 : i32
      %dma_start3A_40 = arith.constant 0 : i32
      %dma_start3A_41 = tpu.memref_slice %arg3[%add3A, %dma_start3A_39, %dma_start3A_40] : memref<32x80x128xi32, #tpu.memory_space<hbm>> -> memref<1x8x128xi32, #tpu.memory_space<hbm>>
      %dma_start3A_42 = tpu.memref_squeeze %dma_start3A_41 : memref<1x8x128xi32, #tpu.memory_space<hbm>> -> memref<8x128xi32, #tpu.memory_space<hbm>>
      tpu.enqueue_dma source(%dma_start3A_42 : memref<8x128xi32, #tpu.memory_space<hbm>>) target(%dma_start3A_38 : memref<8x128xi32, #tpu.memory_space<vmem>>) target_semaphore(%run_scoped3A_26 : memref<!tpu.dma_semaphore, #tpu.memory_space<semaphore_mem>>)
      %dma_wait3A = arith.constant 0 : i32
      %dma_wait3A_43 = arith.constant 0 : i32
      %dma_wait3A_44 = tpu.memref_slice %arg8[%run_scoped3A, %dma_wait3A, %dma_wait3A_43] : memref<2x8x128xi32, #tpu.memory_space<vmem>> -> memref<1x8x128xi32, #tpu.memory_space<vmem>>
      %dma_wait3A_45 = tpu.memref_squeeze %dma_wait3A_44 : memref<1x8x128xi32, #tpu.memory_space<vmem>> -> memref<8x128xi32, #tpu.memory_space<vmem>>
      %dma_wait3A_46 = arith.constant 0 : i32
      %dma_wait3A_47 = arith.constant 0 : i32
      %dma_wait3A_48 = tpu.memref_slice %arg3[%add3A, %dma_wait3A_46, %dma_wait3A_47] : memref<32x80x128xi32, #tpu.memory_space<hbm>> -> memref<1x8x128xi32, #tpu.memory_space<hbm>>
      %dma_wait3A_49 = tpu.memref_squeeze %dma_wait3A_48 : memref<1x8x128xi32, #tpu.memory_space<hbm>> -> memref<8x128xi32, #tpu.memory_space<hbm>>
      %dma_wait3A_50 = arith.constant 0 : i32
      %dma_wait3A_51 = arith.constant 0 : i32
      %dma_wait3A_52 = tpu.memref_slice %arg8[%run_scoped3A, %dma_wait3A_50, %dma_wait3A_51] : memref<2x8x128xi32, #tpu.memory_space<vmem>> -> memref<1x8x128xi32, #tpu.memory_space<vmem>>
      %dma_wait3A_53 = tpu.memref_squeeze %dma_wait3A_52 : memref<1x8x128xi32, #tpu.memory_space<vmem>> -> memref<8x128xi32, #tpu.memory_space<vmem>>
      %dma_wait3A_54 = arith.constant 0 : i32
      %dma_wait3A_55 = arith.constant 0 : i32
      %dma_wait3A_56 = tpu.memref_slice %arg3[%add3A, %dma_wait3A_54, %dma_wait3A_55] : memref<32x80x128xi32, #tpu.memory_space<hbm>> -> memref<1x8x128xi32, #tpu.memory_space<hbm>>
      %dma_wait3A_57 = tpu.memref_squeeze %dma_wait3A_56 : memref<1x8x128xi32, #tpu.memory_space<hbm>> -> memref<8x128xi32, #tpu.memory_space<hbm>>
      tpu.wait_dma2 semaphore(%run_scoped3A_26 : memref<!tpu.dma_semaphore, #tpu.memory_space<semaphore_mem>>) src(%dma_wait3A_57 : memref<8x128xi32, #tpu.memory_space<hbm>>) dst(%dma_wait3A_53 : memref<8x128xi32, #tpu.memory_space<vmem>>)
      tpu.yield
    }) : () -> ()
    %run_scoped3A_5 = arith.constant 0 : i32
    "tpu.region"() ({
      %run_scoped3A_26 = tpu.sem_alloc : memref<!tpu.dma_semaphore, #tpu.memory_space<semaphore_mem>>
      %dma_start3A_27 = arith.constant 0 : i32
      %dma_start3A_28 = arith.constant 0 : i32
      %dma_start3A_29 = tpu.memref_slice %arg9[%run_scoped3A_5, %dma_start3A_27, %dma_start3A_28] : memref<2x8x128xi32, #tpu.memory_space<vmem>> -> memref<1x8x128xi32, #tpu.memory_space<vmem>>
      %dma_start3A_30 = tpu.memref_squeeze %dma_start3A_29 : memref<1x8x128xi32, #tpu.memory_space<vmem>> -> memref<8x128xi32, #tpu.memory_space<vmem>>
      %dma_start3A_31 = arith.constant 0 : i32
      %dma_start3A_32 = arith.constant 0 : i32
      %dma_start3A_33 = tpu.memref_slice %arg4[%add3A, %dma_start3A_31, %dma_start3A_32] : memref<32x80x128xi32, #tpu.memory_space<hbm>> -> memref<1x8x128xi32, #tpu.memory_space<hbm>>
      %dma_start3A_34 = tpu.memref_squeeze %dma_start3A_33 : memref<1x8x128xi32, #tpu.memory_space<hbm>> -> memref<8x128xi32, #tpu.memory_space<hbm>>
      %dma_start3A_35 = arith.constant 0 : i32
      %dma_start3A_36 = arith.constant 0 : i32
      %dma_start3A_37 = tpu.memref_slice %arg9[%run_scoped3A_5, %dma_start3A_35, %dma_start3A_36] : memref<2x8x128xi32, #tpu.memory_space<vmem>> -> memref<1x8x128xi32, #tpu.memory_space<vmem>>
      %dma_start3A_38 = tpu.memref_squeeze %dma_start3A_37 : memref<1x8x128xi32, #tpu.memory_space<vmem>> -> memref<8x128xi32, #tpu.memory_space<vmem>>
      %dma_start3A_39 = arith.constant 0 : i32
      %dma_start3A_40 = arith.constant 0 : i32
      %dma_start3A_41 = tpu.memref_slice %arg4[%add3A, %dma_start3A_39, %dma_start3A_40] : memref<32x80x128xi32, #tpu.memory_space<hbm>> -> memref<1x8x128xi32, #tpu.memory_space<hbm>>
      %dma_start3A_42 = tpu.memref_squeeze %dma_start3A_41 : memref<1x8x128xi32, #tpu.memory_space<hbm>> -> memref<8x128xi32, #tpu.memory_space<hbm>>
      tpu.enqueue_dma source(%dma_start3A_42 : memref<8x128xi32, #tpu.memory_space<hbm>>) target(%dma_start3A_38 : memref<8x128xi32, #tpu.memory_space<vmem>>) target_semaphore(%run_scoped3A_26 : memref<!tpu.dma_semaphore, #tpu.memory_space<semaphore_mem>>)
      %dma_wait3A = arith.constant 0 : i32
      %dma_wait3A_43 = arith.constant 0 : i32
      %dma_wait3A_44 = tpu.memref_slice %arg9[%run_scoped3A_5, %dma_wait3A, %dma_wait3A_43] : memref<2x8x128xi32, #tpu.memory_space<vmem>> -> memref<1x8x128xi32, #tpu.memory_space<vmem>>
      %dma_wait3A_45 = tpu.memref_squeeze %dma_wait3A_44 : memref<1x8x128xi32, #tpu.memory_space<vmem>> -> memref<8x128xi32, #tpu.memory_space<vmem>>
      %dma_wait3A_46 = arith.constant 0 : i32
      %dma_wait3A_47 = arith.constant 0 : i32
      %dma_wait3A_48 = tpu.memref_slice %arg4[%add3A, %dma_wait3A_46, %dma_wait3A_47] : memref<32x80x128xi32, #tpu.memory_space<hbm>> -> memref<1x8x128xi32, #tpu.memory_space<hbm>>
      %dma_wait3A_49 = tpu.memref_squeeze %dma_wait3A_48 : memref<1x8x128xi32, #tpu.memory_space<hbm>> -> memref<8x128xi32, #tpu.memory_space<hbm>>
      %dma_wait3A_50 = arith.constant 0 : i32
      %dma_wait3A_51 = arith.constant 0 : i32
      %dma_wait3A_52 = tpu.memref_slice %arg9[%run_scoped3A_5, %dma_wait3A_50, %dma_wait3A_51] : memref<2x8x128xi32, #tpu.memory_space<vmem>> -> memref<1x8x128xi32, #tpu.memory_space<vmem>>
      %dma_wait3A_53 = tpu.memref_squeeze %dma_wait3A_52 : memref<1x8x128xi32, #tpu.memory_space<vmem>> -> memref<8x128xi32, #tpu.memory_space<vmem>>
      %dma_wait3A_54 = arith.constant 0 : i32
      %dma_wait3A_55 = arith.constant 0 : i32
      %dma_wait3A_56 = tpu.memref_slice %arg4[%add3A, %dma_wait3A_54, %dma_wait3A_55] : memref<32x80x128xi32, #tpu.memory_space<hbm>> -> memref<1x8x128xi32, #tpu.memory_space<hbm>>
      %dma_wait3A_57 = tpu.memref_squeeze %dma_wait3A_56 : memref<1x8x128xi32, #tpu.memory_space<hbm>> -> memref<8x128xi32, #tpu.memory_space<hbm>>
      tpu.wait_dma2 semaphore(%run_scoped3A_26 : memref<!tpu.dma_semaphore, #tpu.memory_space<semaphore_mem>>) src(%dma_wait3A_57 : memref<8x128xi32, #tpu.memory_space<hbm>>) dst(%dma_wait3A_53 : memref<8x128xi32, #tpu.memory_space<vmem>>)
      tpu.yield
    }) : () -> ()
    %barrier3A = arith.constant 0 : index
    tpu.barrier barrier_id(%barrier3A)
    %dma_start3A = arith.constant 0 : i32
    %dma_start3A_6 = arith.constant 0 : i32
    %dma_start3A_7 = arith.constant 0 : i32
    %dma_start3A_8 = tpu.memref_slice %arg8[%dma_start3A, %dma_start3A_6, %dma_start3A_7] : memref<2x8x128xi32, #tpu.memory_space<vmem>> -> memref<1x1x128xi32, #tpu.memory_space<vmem>>
    %dma_start3A_9 = tpu.memref_squeeze %dma_start3A_8 : memref<1x1x128xi32, #tpu.memory_space<vmem>> -> memref<128xi32, #tpu.memory_space<vmem>>
    %dma_start3A_10 = arith.constant 0 : i32
    %dma_start3A_11 = arith.constant 0 : i32
    %dma_start3A_12 = tpu.memref_slice %arg2[%dma_start3A_10, %dma_start3A_11] : memref<10000x128xf32, #tpu.memory_space<hbm>> -> memref<10000x128xf32, #tpu.memory_space<hbm>>
    tpu.enqueue_indirect_dma source(%dma_start3A_12 : memref<10000x128xf32, #tpu.memory_space<hbm>>) target(%arg10 : memref<128x128xf32, #tpu.memory_space<vmem>>) offsets(%dma_start3A_9 : memref<128xi32, #tpu.memory_space<vmem>>) semaphore(%arg13 : memref<!tpu.dma_semaphore, #tpu.memory_space<semaphore_mem>>)
    %scan3A = arith.constant 0 : i32
    %scan3A_13 = arith.constant 0 : i32
    %scan3A_14 = arith.constant 10 : i32
    %scan3A_15 = arith.addi %scan3A_13, %scan3A_14 : i32
    %scan3A_16 = arith.constant 1 : i32
    scf.for %scan3A_26 = %scan3A_13 to %scan3A_15 step %scan3A_16  : i32 {
      %jit3A = arith.constant 2 : i32
      %eq3A_27 = arith.constant 0 : i32
      %eq3A_28 = arith.cmpi eq, %jit3A, %eq3A_27 : i32
      %jit3A_29 = arith.constant 1 : i32
      %select_n3A = arith.select %eq3A_28, %jit3A_29, %jit3A : i32
      %rem3A = arith.remsi %scan3A_26, %select_n3A : i32
      %ne3A = arith.constant 0 : i32
      %ne3A_30 = arith.cmpi ne, %rem3A, %ne3A : i32
      %lt3A = arith.constant 0 : i32
      %lt3A_31 = arith.cmpi slt, %rem3A, %lt3A : i32
      %lt3A_32 = arith.constant 0 : i32
      %lt3A_33 = arith.cmpi slt, %select_n3A, %lt3A_32 : i32
      %ne3A_34 = arith.xori %lt3A_31, %lt3A_33 : i1
      %and3A = arith.andi %ne3A_34, %ne3A_30 : i1
      %add3A_35 = arith.addi %rem3A, %select_n3A : i32
      %select_n3A_36 = arith.select %and3A, %add3A_35, %rem3A : i32
      %sub3A = arith.constant 1 : i32
      %sub3A_37 = arith.subi %sub3A, %select_n3A_36 : i32
      %lt3A_38 = arith.constant 9 : i32
      %lt3A_39 = arith.cmpi slt, %scan3A_26, %lt3A_38 : i32
      %convert_element_type3A_40 = arith.extui %lt3A_39 : i1 to i32
      %cond3A_41 = arith.constant 0 : i32
      %cond3A_42 = arith.cmpi ne, %convert_element_type3A_40, %cond3A_41 : i32
      scf.if %cond3A_42 {
        %add3A_160 = arith.constant 1 : i32
        %add3A_161 = arith.addi %scan3A_26, %add3A_160 : i32
        %mul3A_162 = arith.constant 8 : i32
        %mul3A_163 = arith.muli %add3A_161, %mul3A_162 : i32
        %dma_start3A_164 = arith.constant 0 : i32
        %dma_start3A_165 = arith.constant 0 : i32
        %dma_start3A_166 = tpu.memref_slice %arg8[%sub3A_37, %dma_start3A_164, %dma_start3A_165] : memref<2x8x128xi32, #tpu.memory_space<vmem>> -> memref<1x8x128xi32, #tpu.memory_space<vmem>>
        %dma_start3A_167 = tpu.memref_squeeze %dma_start3A_166 : memref<1x8x128xi32, #tpu.memory_space<vmem>> -> memref<8x128xi32, #tpu.memory_space<vmem>>
        %dma_start3A_168 = arith.constant 0 : i32
        %dma_start3A_169 = tpu.memref_slice %arg3[%add3A, %mul3A_163, %dma_start3A_168] : memref<32x80x128xi32, #tpu.memory_space<hbm>> -> memref<1x8x128xi32, #tpu.memory_space<hbm>>
        %dma_start3A_170 = tpu.memref_squeeze %dma_start3A_169 : memref<1x8x128xi32, #tpu.memory_space<hbm>> -> memref<8x128xi32, #tpu.memory_space<hbm>>
        %dma_start3A_171 = arith.constant 0 : i32
        %dma_start3A_172 = arith.constant 0 : i32
        %dma_start3A_173 = tpu.memref_slice %arg8[%sub3A_37, %dma_start3A_171, %dma_start3A_172] : memref<2x8x128xi32, #tpu.memory_space<vmem>> -> memref<1x8x128xi32, #tpu.memory_space<vmem>>
        %dma_start3A_174 = tpu.memref_squeeze %dma_start3A_173 : memref<1x8x128xi32, #tpu.memory_space<vmem>> -> memref<8x128xi32, #tpu.memory_space<vmem>>
        %dma_start3A_175 = arith.constant 0 : i32
        %dma_start3A_176 = tpu.memref_slice %arg3[%add3A, %mul3A_163, %dma_start3A_175] : memref<32x80x128xi32, #tpu.memory_space<hbm>> -> memref<1x8x128xi32, #tpu.memory_space<hbm>>
        %dma_start3A_177 = tpu.memref_squeeze %dma_start3A_176 : memref<1x8x128xi32, #tpu.memory_space<hbm>> -> memref<8x128xi32, #tpu.memory_space<hbm>>
        tpu.enqueue_dma source(%dma_start3A_177 : memref<8x128xi32, #tpu.memory_space<hbm>>) target(%dma_start3A_174 : memref<8x128xi32, #tpu.memory_space<vmem>>) target_semaphore(%arg15 : memref<!tpu.dma_semaphore, #tpu.memory_space<semaphore_mem>>)
        %add3A_178 = arith.constant 1 : i32
        %add3A_179 = arith.addi %scan3A_26, %add3A_178 : i32
        %mul3A_180 = arith.constant 8 : i32
        %mul3A_181 = arith.muli %add3A_179, %mul3A_180 : i32
        %dma_start3A_182 = arith.constant 0 : i32
        %dma_start3A_183 = arith.constant 0 : i32
        %dma_start3A_184 = tpu.memref_slice %arg9[%sub3A_37, %dma_start3A_182, %dma_start3A_183] : memref<2x8x128xi32, #tpu.memory_space<vmem>> -> memref<1x8x128xi32, #tpu.memory_space<vmem>>
        %dma_start3A_185 = tpu.memref_squeeze %dma_start3A_184 : memref<1x8x128xi32, #tpu.memory_space<vmem>> -> memref<8x128xi32, #tpu.memory_space<vmem>>
        %dma_start3A_186 = arith.constant 0 : i32
        %dma_start3A_187 = tpu.memref_slice %arg4[%add3A, %mul3A_181, %dma_start3A_186] : memref<32x80x128xi32, #tpu.memory_space<hbm>> -> memref<1x8x128xi32, #tpu.memory_space<hbm>>
        %dma_start3A_188 = tpu.memref_squeeze %dma_start3A_187 : memref<1x8x128xi32, #tpu.memory_space<hbm>> -> memref<8x128xi32, #tpu.memory_space<hbm>>
        %dma_start3A_189 = arith.constant 0 : i32
        %dma_start3A_190 = arith.constant 0 : i32
        %dma_start3A_191 = tpu.memref_slice %arg9[%sub3A_37, %dma_start3A_189, %dma_start3A_190] : memref<2x8x128xi32, #tpu.memory_space<vmem>> -> memref<1x8x128xi32, #tpu.memory_space<vmem>>
        %dma_start3A_192 = tpu.memref_squeeze %dma_start3A_191 : memref<1x8x128xi32, #tpu.memory_space<vmem>> -> memref<8x128xi32, #tpu.memory_space<vmem>>
        %dma_start3A_193 = arith.constant 0 : i32
        %dma_start3A_194 = tpu.memref_slice %arg4[%add3A, %mul3A_181, %dma_start3A_193] : memref<32x80x128xi32, #tpu.memory_space<hbm>> -> memref<1x8x128xi32, #tpu.memory_space<hbm>>
        %dma_start3A_195 = tpu.memref_squeeze %dma_start3A_194 : memref<1x8x128xi32, #tpu.memory_space<hbm>> -> memref<8x128xi32, #tpu.memory_space<hbm>>
        tpu.enqueue_dma source(%dma_start3A_195 : memref<8x128xi32, #tpu.memory_space<hbm>>) target(%dma_start3A_192 : memref<8x128xi32, #tpu.memory_space<vmem>>) target_semaphore(%arg16 : memref<!tpu.dma_semaphore, #tpu.memory_space<semaphore_mem>>)
      } else {
      }
      %dma_wait3A = arith.constant 0 : i32
      %dma_wait3A_43 = arith.constant 0 : i32
      %dma_wait3A_44 = tpu.memref_slice %arg8[%select_n3A_36, %dma_wait3A, %dma_wait3A_43] : memref<2x8x128xi32, #tpu.memory_space<vmem>> -> memref<1x1x128xi32, #tpu.memory_space<vmem>>
      %dma_wait3A_45 = tpu.memref_squeeze %dma_wait3A_44 : memref<1x1x128xi32, #tpu.memory_space<vmem>> -> memref<128xi32, #tpu.memory_space<vmem>>
      %dma_wait3A_46 = arith.constant 0 : i32
      %dma_wait3A_47 = arith.constant 0 : i32
      %dma_wait3A_48 = tpu.memref_slice %arg2[%dma_wait3A_46, %dma_wait3A_47] : memref<10000x128xf32, #tpu.memory_space<hbm>> -> memref<10000x128xf32, #tpu.memory_space<hbm>>
      tpu.wait_indirect_dma semaphore(%arg13 : memref<!tpu.dma_semaphore, #tpu.memory_space<semaphore_mem>>) src(%dma_wait3A_48 : memref<10000x128xf32, #tpu.memory_space<hbm>>) dst(%arg10 : memref<128x128xf32, #tpu.memory_space<vmem>>)
      %dma_start3A_49 = arith.constant 1 : i32
      %dma_start3A_50 = arith.constant 0 : i32
      %dma_start3A_51 = tpu.memref_slice %arg8[%select_n3A_36, %dma_start3A_49, %dma_start3A_50] : memref<2x8x128xi32, #tpu.memory_space<vmem>> -> memref<1x1x128xi32, #tpu.memory_space<vmem>>
      %dma_start3A_52 = tpu.memref_squeeze %dma_start3A_51 : memref<1x1x128xi32, #tpu.memory_space<vmem>> -> memref<128xi32, #tpu.memory_space<vmem>>
      %dma_start3A_53 = arith.constant 0 : i32
      %dma_start3A_54 = arith.constant 0 : i32
      %dma_start3A_55 = tpu.memref_slice %arg2[%dma_start3A_53, %dma_start3A_54] : memref<10000x128xf32, #tpu.memory_space<hbm>> -> memref<10000x128xf32, #tpu.memory_space<hbm>>
      tpu.enqueue_indirect_dma source(%dma_start3A_55 : memref<10000x128xf32, #tpu.memory_space<hbm>>) target(%arg11 : memref<128x128xf32, #tpu.memory_space<vmem>>) offsets(%dma_start3A_52 : memref<128xi32, #tpu.memory_space<vmem>>) semaphore(%arg14 : memref<!tpu.dma_semaphore, #tpu.memory_space<semaphore_mem>>)
      %run_scoped3A_56 = arith.constant 0 : i32
      "tpu.region"() ({
        %run_scoped3A_160 = tpu.sem_alloc : memref<!tpu.dma_semaphore, #tpu.memory_space<semaphore_mem>>
        %dma_start3A_161 = arith.constant 0 : i32
        %dma_start3A_162 = tpu.memref_slice %arg9[%select_n3A_36, %run_scoped3A_56, %dma_start3A_161] : memref<2x8x128xi32, #tpu.memory_space<vmem>> -> memref<1x1x128xi32, #tpu.memory_space<vmem>>
        %dma_start3A_163 = tpu.memref_squeeze %dma_start3A_162 : memref<1x1x128xi32, #tpu.memory_space<vmem>> -> memref<128xi32, #tpu.memory_space<vmem>>
        %dma_start3A_164 = arith.constant 0 : i32
        %dma_start3A_165 = arith.constant 0 : i32
        %dma_start3A_166 = tpu.memref_slice %arg12[%dma_start3A_164, %dma_start3A_165] : memref<10240x128xf32, #tpu.memory_space<vmem_shared>> -> memref<10240x128xf32, #tpu.memory_space<vmem_shared>>
        tpu.enqueue_indirect_dma source(%arg10 : memref<128x128xf32, #tpu.memory_space<vmem>>) target(%dma_start3A_166 : memref<10240x128xf32, #tpu.memory_space<vmem_shared>>) offsets(%dma_start3A_163 : memref<128xi32, #tpu.memory_space<vmem>>) semaphore(%run_scoped3A_160 : memref<!tpu.dma_semaphore, #tpu.memory_space<semaphore_mem>>) {add = true}
        %dma_wait3A_167 = arith.constant 0 : i32
        %dma_wait3A_168 = tpu.memref_slice %arg9[%select_n3A_36, %run_scoped3A_56, %dma_wait3A_167] : memref<2x8x128xi32, #tpu.memory_space<vmem>> -> memref<1x1x128xi32, #tpu.memory_space<vmem>>
        %dma_wait3A_169 = tpu.memref_squeeze %dma_wait3A_168 : memref<1x1x128xi32, #tpu.memory_space<vmem>> -> memref<128xi32, #tpu.memory_space<vmem>>
        %dma_wait3A_170 = arith.constant 0 : i32
        %dma_wait3A_171 = arith.constant 0 : i32
        %dma_wait3A_172 = tpu.memref_slice %arg12[%dma_wait3A_170, %dma_wait3A_171] : memref<10240x128xf32, #tpu.memory_space<vmem_shared>> -> memref<10240x128xf32, #tpu.memory_space<vmem_shared>>
        tpu.wait_indirect_dma semaphore(%run_scoped3A_160 : memref<!tpu.dma_semaphore, #tpu.memory_space<semaphore_mem>>) src(%arg10 : memref<128x128xf32, #tpu.memory_space<vmem>>) dst(%dma_wait3A_172 : memref<10240x128xf32, #tpu.memory_space<vmem_shared>>)
        tpu.yield
      }) : () -> ()
      %dma_wait3A_57 = arith.constant 1 : i32
      %dma_wait3A_58 = arith.constant 0 : i32
      %dma_wait3A_59 = tpu.memref_slice %arg8[%select_n3A_36, %dma_wait3A_57, %dma_wait3A_58] : memref<2x8x128xi32, #tpu.memory_space<vmem>> -> memref<1x1x128xi32, #tpu.memory_space<vmem>>
      %dma_wait3A_60 = tpu.memref_squeeze %dma_wait3A_59 : memref<1x1x128xi32, #tpu.memory_space<vmem>> -> memref<128xi32, #tpu.memory_space<vmem>>
      %dma_wait3A_61 = arith.constant 0 : i32
      %dma_wait3A_62 = arith.constant 0 : i32
      %dma_wait3A_63 = tpu.memref_slice %arg2[%dma_wait3A_61, %dma_wait3A_62] : memref<10000x128xf32, #tpu.memory_space<hbm>> -> memref<10000x128xf32, #tpu.memory_space<hbm>>
      tpu.wait_indirect_dma semaphore(%arg14 : memref<!tpu.dma_semaphore, #tpu.memory_space<semaphore_mem>>) src(%dma_wait3A_63 : memref<10000x128xf32, #tpu.memory_space<hbm>>) dst(%arg11 : memref<128x128xf32, #tpu.memory_space<vmem>>)
      %dma_start3A_64 = arith.constant 2 : i32
      %dma_start3A_65 = arith.constant 0 : i32
      %dma_start3A_66 = tpu.memref_slice %arg8[%select_n3A_36, %dma_start3A_64, %dma_start3A_65] : memref<2x8x128xi32, #tpu.memory_space<vmem>> -> memref<1x1x128xi32, #tpu.memory_space<vmem>>
      %dma_start3A_67 = tpu.memref_squeeze %dma_start3A_66 : memref<1x1x128xi32, #tpu.memory_space<vmem>> -> memref<128xi32, #tpu.memory_space<vmem>>
      %dma_start3A_68 = arith.constant 0 : i32
      %dma_start3A_69 = arith.constant 0 : i32
      %dma_start3A_70 = tpu.memref_slice %arg2[%dma_start3A_68, %dma_start3A_69] : memref<10000x128xf32, #tpu.memory_space<hbm>> -> memref<10000x128xf32, #tpu.memory_space<hbm>>
      tpu.enqueue_indirect_dma source(%dma_start3A_70 : memref<10000x128xf32, #tpu.memory_space<hbm>>) target(%arg10 : memref<128x128xf32, #tpu.memory_space<vmem>>) offsets(%dma_start3A_67 : memref<128xi32, #tpu.memory_space<vmem>>) semaphore(%arg13 : memref<!tpu.dma_semaphore, #tpu.memory_space<semaphore_mem>>)
      %run_scoped3A_71 = arith.constant 1 : i32
      "tpu.region"() ({
        %run_scoped3A_160 = tpu.sem_alloc : memref<!tpu.dma_semaphore, #tpu.memory_space<semaphore_mem>>
        %dma_start3A_161 = arith.constant 0 : i32
        %dma_start3A_162 = tpu.memref_slice %arg9[%select_n3A_36, %run_scoped3A_71, %dma_start3A_161] : memref<2x8x128xi32, #tpu.memory_space<vmem>> -> memref<1x1x128xi32, #tpu.memory_space<vmem>>
        %dma_start3A_163 = tpu.memref_squeeze %dma_start3A_162 : memref<1x1x128xi32, #tpu.memory_space<vmem>> -> memref<128xi32, #tpu.memory_space<vmem>>
        %dma_start3A_164 = arith.constant 0 : i32
        %dma_start3A_165 = arith.constant 0 : i32
        %dma_start3A_166 = tpu.memref_slice %arg12[%dma_start3A_164, %dma_start3A_165] : memref<10240x128xf32, #tpu.memory_space<vmem_shared>> -> memref<10240x128xf32, #tpu.memory_space<vmem_shared>>
        tpu.enqueue_indirect_dma source(%arg11 : memref<128x128xf32, #tpu.memory_space<vmem>>) target(%dma_start3A_166 : memref<10240x128xf32, #tpu.memory_space<vmem_shared>>) offsets(%dma_start3A_163 : memref<128xi32, #tpu.memory_space<vmem>>) semaphore(%run_scoped3A_160 : memref<!tpu.dma_semaphore, #tpu.memory_space<semaphore_mem>>) {add = true}
        %dma_wait3A_167 = arith.constant 0 : i32
        %dma_wait3A_168 = tpu.memref_slice %arg9[%select_n3A_36, %run_scoped3A_71, %dma_wait3A_167] : memref<2x8x128xi32, #tpu.memory_space<vmem>> -> memref<1x1x128xi32, #tpu.memory_space<vmem>>
        %dma_wait3A_169 = tpu.memref_squeeze %dma_wait3A_168 : memref<1x1x128xi32, #tpu.memory_space<vmem>> -> memref<128xi32, #tpu.memory_space<vmem>>
        %dma_wait3A_170 = arith.constant 0 : i32
        %dma_wait3A_171 = arith.constant 0 : i32
        %dma_wait3A_172 = tpu.memref_slice %arg12[%dma_wait3A_170, %dma_wait3A_171] : memref<10240x128xf32, #tpu.memory_space<vmem_shared>> -> memref<10240x128xf32, #tpu.memory_space<vmem_shared>>
        tpu.wait_indirect_dma semaphore(%run_scoped3A_160 : memref<!tpu.dma_semaphore, #tpu.memory_space<semaphore_mem>>) src(%arg11 : memref<128x128xf32, #tpu.memory_space<vmem>>) dst(%dma_wait3A_172 : memref<10240x128xf32, #tpu.memory_space<vmem_shared>>)
        tpu.yield
      }) : () -> ()
      %dma_wait3A_72 = arith.constant 2 : i32
      %dma_wait3A_73 = arith.constant 0 : i32
      %dma_wait3A_74 = tpu.memref_slice %arg8[%select_n3A_36, %dma_wait3A_72, %dma_wait3A_73] : memref<2x8x128xi32, #tpu.memory_space<vmem>> -> memref<1x1x128xi32, #tpu.memory_space<vmem>>
      %dma_wait3A_75 = tpu.memref_squeeze %dma_wait3A_74 : memref<1x1x128xi32, #tpu.memory_space<vmem>> -> memref<128xi32, #tpu.memory_space<vmem>>
      %dma_wait3A_76 = arith.constant 0 : i32
      %dma_wait3A_77 = arith.constant 0 : i32
      %dma_wait3A_78 = tpu.memref_slice %arg2[%dma_wait3A_76, %dma_wait3A_77] : memref<10000x128xf32, #tpu.memory_space<hbm>> -> memref<10000x128xf32, #tpu.memory_space<hbm>>
      tpu.wait_indirect_dma semaphore(%arg13 : memref<!tpu.dma_semaphore, #tpu.memory_space<semaphore_mem>>) src(%dma_wait3A_78 : memref<10000x128xf32, #tpu.memory_space<hbm>>) dst(%arg10 : memref<128x128xf32, #tpu.memory_space<vmem>>)
      %dma_start3A_79 = arith.constant 3 : i32
      %dma_start3A_80 = arith.constant 0 : i32
      %dma_start3A_81 = tpu.memref_slice %arg8[%select_n3A_36, %dma_start3A_79, %dma_start3A_80] : memref<2x8x128xi32, #tpu.memory_space<vmem>> -> memref<1x1x128xi32, #tpu.memory_space<vmem>>
      %dma_start3A_82 = tpu.memref_squeeze %dma_start3A_81 : memref<1x1x128xi32, #tpu.memory_space<vmem>> -> memref<128xi32, #tpu.memory_space<vmem>>
      %dma_start3A_83 = arith.constant 0 : i32
      %dma_start3A_84 = arith.constant 0 : i32
      %dma_start3A_85 = tpu.memref_slice %arg2[%dma_start3A_83, %dma_start3A_84] : memref<10000x128xf32, #tpu.memory_space<hbm>> -> memref<10000x128xf32, #tpu.memory_space<hbm>>
      tpu.enqueue_indirect_dma source(%dma_start3A_85 : memref<10000x128xf32, #tpu.memory_space<hbm>>) target(%arg11 : memref<128x128xf32, #tpu.memory_space<vmem>>) offsets(%dma_start3A_82 : memref<128xi32, #tpu.memory_space<vmem>>) semaphore(%arg14 : memref<!tpu.dma_semaphore, #tpu.memory_space<semaphore_mem>>)
      %run_scoped3A_86 = arith.constant 2 : i32
      "tpu.region"() ({
        %run_scoped3A_160 = tpu.sem_alloc : memref<!tpu.dma_semaphore, #tpu.memory_space<semaphore_mem>>
        %dma_start3A_161 = arith.constant 0 : i32
        %dma_start3A_162 = tpu.memref_slice %arg9[%select_n3A_36, %run_scoped3A_86, %dma_start3A_161] : memref<2x8x128xi32, #tpu.memory_space<vmem>> -> memref<1x1x128xi32, #tpu.memory_space<vmem>>
        %dma_start3A_163 = tpu.memref_squeeze %dma_start3A_162 : memref<1x1x128xi32, #tpu.memory_space<vmem>> -> memref<128xi32, #tpu.memory_space<vmem>>
        %dma_start3A_164 = arith.constant 0 : i32
        %dma_start3A_165 = arith.constant 0 : i32
        %dma_start3A_166 = tpu.memref_slice %arg12[%dma_start3A_164, %dma_start3A_165] : memref<10240x128xf32, #tpu.memory_space<vmem_shared>> -> memref<10240x128xf32, #tpu.memory_space<vmem_shared>>
        tpu.enqueue_indirect_dma source(%arg10 : memref<128x128xf32, #tpu.memory_space<vmem>>) target(%dma_start3A_166 : memref<10240x128xf32, #tpu.memory_space<vmem_shared>>) offsets(%dma_start3A_163 : memref<128xi32, #tpu.memory_space<vmem>>) semaphore(%run_scoped3A_160 : memref<!tpu.dma_semaphore, #tpu.memory_space<semaphore_mem>>) {add = true}
        %dma_wait3A_167 = arith.constant 0 : i32
        %dma_wait3A_168 = tpu.memref_slice %arg9[%select_n3A_36, %run_scoped3A_86, %dma_wait3A_167] : memref<2x8x128xi32, #tpu.memory_space<vmem>> -> memref<1x1x128xi32, #tpu.memory_space<vmem>>
        %dma_wait3A_169 = tpu.memref_squeeze %dma_wait3A_168 : memref<1x1x128xi32, #tpu.memory_space<vmem>> -> memref<128xi32, #tpu.memory_space<vmem>>
        %dma_wait3A_170 = arith.constant 0 : i32
        %dma_wait3A_171 = arith.constant 0 : i32
        %dma_wait3A_172 = tpu.memref_slice %arg12[%dma_wait3A_170, %dma_wait3A_171] : memref<10240x128xf32, #tpu.memory_space<vmem_shared>> -> memref<10240x128xf32, #tpu.memory_space<vmem_shared>>
        tpu.wait_indirect_dma semaphore(%run_scoped3A_160 : memref<!tpu.dma_semaphore, #tpu.memory_space<semaphore_mem>>) src(%arg10 : memref<128x128xf32, #tpu.memory_space<vmem>>) dst(%dma_wait3A_172 : memref<10240x128xf32, #tpu.memory_space<vmem_shared>>)
        tpu.yield
      }) : () -> ()
      %dma_wait3A_87 = arith.constant 3 : i32
      %dma_wait3A_88 = arith.constant 0 : i32
      %dma_wait3A_89 = tpu.memref_slice %arg8[%select_n3A_36, %dma_wait3A_87, %dma_wait3A_88] : memref<2x8x128xi32, #tpu.memory_space<vmem>> -> memref<1x1x128xi32, #tpu.memory_space<vmem>>
      %dma_wait3A_90 = tpu.memref_squeeze %dma_wait3A_89 : memref<1x1x128xi32, #tpu.memory_space<vmem>> -> memref<128xi32, #tpu.memory_space<vmem>>
      %dma_wait3A_91 = arith.constant 0 : i32
      %dma_wait3A_92 = arith.constant 0 : i32
      %dma_wait3A_93 = tpu.memref_slice %arg2[%dma_wait3A_91, %dma_wait3A_92] : memref<10000x128xf32, #tpu.memory_space<hbm>> -> memref<10000x128xf32, #tpu.memory_space<hbm>>
      tpu.wait_indirect_dma semaphore(%arg14 : memref<!tpu.dma_semaphore, #tpu.memory_space<semaphore_mem>>) src(%dma_wait3A_93 : memref<10000x128xf32, #tpu.memory_space<hbm>>) dst(%arg11 : memref<128x128xf32, #tpu.memory_space<vmem>>)
      %dma_start3A_94 = arith.constant 4 : i32
      %dma_start3A_95 = arith.constant 0 : i32
      %dma_start3A_96 = tpu.memref_slice %arg8[%select_n3A_36, %dma_start3A_94, %dma_start3A_95] : memref<2x8x128xi32, #tpu.memory_space<vmem>> -> memref<1x1x128xi32, #tpu.memory_space<vmem>>
      %dma_start3A_97 = tpu.memref_squeeze %dma_start3A_96 : memref<1x1x128xi32, #tpu.memory_space<vmem>> -> memref<128xi32, #tpu.memory_space<vmem>>
      %dma_start3A_98 = arith.constant 0 : i32
      %dma_start3A_99 = arith.constant 0 : i32
      %dma_start3A_100 = tpu.memref_slice %arg2[%dma_start3A_98, %dma_start3A_99] : memref<10000x128xf32, #tpu.memory_space<hbm>> -> memref<10000x128xf32, #tpu.memory_space<hbm>>
      tpu.enqueue_indirect_dma source(%dma_start3A_100 : memref<10000x128xf32, #tpu.memory_space<hbm>>) target(%arg10 : memref<128x128xf32, #tpu.memory_space<vmem>>) offsets(%dma_start3A_97 : memref<128xi32, #tpu.memory_space<vmem>>) semaphore(%arg13 : memref<!tpu.dma_semaphore, #tpu.memory_space<semaphore_mem>>)
      %run_scoped3A_101 = arith.constant 3 : i32
      "tpu.region"() ({
        %run_scoped3A_160 = tpu.sem_alloc : memref<!tpu.dma_semaphore, #tpu.memory_space<semaphore_mem>>
        %dma_start3A_161 = arith.constant 0 : i32
        %dma_start3A_162 = tpu.memref_slice %arg9[%select_n3A_36, %run_scoped3A_101, %dma_start3A_161] : memref<2x8x128xi32, #tpu.memory_space<vmem>> -> memref<1x1x128xi32, #tpu.memory_space<vmem>>
        %dma_start3A_163 = tpu.memref_squeeze %dma_start3A_162 : memref<1x1x128xi32, #tpu.memory_space<vmem>> -> memref<128xi32, #tpu.memory_space<vmem>>
        %dma_start3A_164 = arith.constant 0 : i32
        %dma_start3A_165 = arith.constant 0 : i32
        %dma_start3A_166 = tpu.memref_slice %arg12[%dma_start3A_164, %dma_start3A_165] : memref<10240x128xf32, #tpu.memory_space<vmem_shared>> -> memref<10240x128xf32, #tpu.memory_space<vmem_shared>>
        tpu.enqueue_indirect_dma source(%arg11 : memref<128x128xf32, #tpu.memory_space<vmem>>) target(%dma_start3A_166 : memref<10240x128xf32, #tpu.memory_space<vmem_shared>>) offsets(%dma_start3A_163 : memref<128xi32, #tpu.memory_space<vmem>>) semaphore(%run_scoped3A_160 : memref<!tpu.dma_semaphore, #tpu.memory_space<semaphore_mem>>) {add = true}
        %dma_wait3A_167 = arith.constant 0 : i32
        %dma_wait3A_168 = tpu.memref_slice %arg9[%select_n3A_36, %run_scoped3A_101, %dma_wait3A_167] : memref<2x8x128xi32, #tpu.memory_space<vmem>> -> memref<1x1x128xi32, #tpu.memory_space<vmem>>
        %dma_wait3A_169 = tpu.memref_squeeze %dma_wait3A_168 : memref<1x1x128xi32, #tpu.memory_space<vmem>> -> memref<128xi32, #tpu.memory_space<vmem>>
        %dma_wait3A_170 = arith.constant 0 : i32
        %dma_wait3A_171 = arith.constant 0 : i32
        %dma_wait3A_172 = tpu.memref_slice %arg12[%dma_wait3A_170, %dma_wait3A_171] : memref<10240x128xf32, #tpu.memory_space<vmem_shared>> -> memref<10240x128xf32, #tpu.memory_space<vmem_shared>>
        tpu.wait_indirect_dma semaphore(%run_scoped3A_160 : memref<!tpu.dma_semaphore, #tpu.memory_space<semaphore_mem>>) src(%arg11 : memref<128x128xf32, #tpu.memory_space<vmem>>) dst(%dma_wait3A_172 : memref<10240x128xf32, #tpu.memory_space<vmem_shared>>)
        tpu.yield
      }) : () -> ()
      %dma_wait3A_102 = arith.constant 4 : i32
      %dma_wait3A_103 = arith.constant 0 : i32
      %dma_wait3A_104 = tpu.memref_slice %arg8[%select_n3A_36, %dma_wait3A_102, %dma_wait3A_103] : memref<2x8x128xi32, #tpu.memory_space<vmem>> -> memref<1x1x128xi32, #tpu.memory_space<vmem>>
      %dma_wait3A_105 = tpu.memref_squeeze %dma_wait3A_104 : memref<1x1x128xi32, #tpu.memory_space<vmem>> -> memref<128xi32, #tpu.memory_space<vmem>>
      %dma_wait3A_106 = arith.constant 0 : i32
      %dma_wait3A_107 = arith.constant 0 : i32
      %dma_wait3A_108 = tpu.memref_slice %arg2[%dma_wait3A_106, %dma_wait3A_107] : memref<10000x128xf32, #tpu.memory_space<hbm>> -> memref<10000x128xf32, #tpu.memory_space<hbm>>
      tpu.wait_indirect_dma semaphore(%arg13 : memref<!tpu.dma_semaphore, #tpu.memory_space<semaphore_mem>>) src(%dma_wait3A_108 : memref<10000x128xf32, #tpu.memory_space<hbm>>) dst(%arg10 : memref<128x128xf32, #tpu.memory_space<vmem>>)
      %dma_start3A_109 = arith.constant 5 : i32
      %dma_start3A_110 = arith.constant 0 : i32
      %dma_start3A_111 = tpu.memref_slice %arg8[%select_n3A_36, %dma_start3A_109, %dma_start3A_110] : memref<2x8x128xi32, #tpu.memory_space<vmem>> -> memref<1x1x128xi32, #tpu.memory_space<vmem>>
      %dma_start3A_112 = tpu.memref_squeeze %dma_start3A_111 : memref<1x1x128xi32, #tpu.memory_space<vmem>> -> memref<128xi32, #tpu.memory_space<vmem>>
      %dma_start3A_113 = arith.constant 0 : i32
      %dma_start3A_114 = arith.constant 0 : i32
      %dma_start3A_115 = tpu.memref_slice %arg2[%dma_start3A_113, %dma_start3A_114] : memref<10000x128xf32, #tpu.memory_space<hbm>> -> memref<10000x128xf32, #tpu.memory_space<hbm>>
      tpu.enqueue_indirect_dma source(%dma_start3A_115 : memref<10000x128xf32, #tpu.memory_space<hbm>>) target(%arg11 : memref<128x128xf32, #tpu.memory_space<vmem>>) offsets(%dma_start3A_112 : memref<128xi32, #tpu.memory_space<vmem>>) semaphore(%arg14 : memref<!tpu.dma_semaphore, #tpu.memory_space<semaphore_mem>>)
      %run_scoped3A_116 = arith.constant 4 : i32
      "tpu.region"() ({
        %run_scoped3A_160 = tpu.sem_alloc : memref<!tpu.dma_semaphore, #tpu.memory_space<semaphore_mem>>
        %dma_start3A_161 = arith.constant 0 : i32
        %dma_start3A_162 = tpu.memref_slice %arg9[%select_n3A_36, %run_scoped3A_116, %dma_start3A_161] : memref<2x8x128xi32, #tpu.memory_space<vmem>> -> memref<1x1x128xi32, #tpu.memory_space<vmem>>
        %dma_start3A_163 = tpu.memref_squeeze %dma_start3A_162 : memref<1x1x128xi32, #tpu.memory_space<vmem>> -> memref<128xi32, #tpu.memory_space<vmem>>
        %dma_start3A_164 = arith.constant 0 : i32
        %dma_start3A_165 = arith.constant 0 : i32
        %dma_start3A_166 = tpu.memref_slice %arg12[%dma_start3A_164, %dma_start3A_165] : memref<10240x128xf32, #tpu.memory_space<vmem_shared>> -> memref<10240x128xf32, #tpu.memory_space<vmem_shared>>
        tpu.enqueue_indirect_dma source(%arg10 : memref<128x128xf32, #tpu.memory_space<vmem>>) target(%dma_start3A_166 : memref<10240x128xf32, #tpu.memory_space<vmem_shared>>) offsets(%dma_start3A_163 : memref<128xi32, #tpu.memory_space<vmem>>) semaphore(%run_scoped3A_160 : memref<!tpu.dma_semaphore, #tpu.memory_space<semaphore_mem>>) {add = true}
        %dma_wait3A_167 = arith.constant 0 : i32
        %dma_wait3A_168 = tpu.memref_slice %arg9[%select_n3A_36, %run_scoped3A_116, %dma_wait3A_167] : memref<2x8x128xi32, #tpu.memory_space<vmem>> -> memref<1x1x128xi32, #tpu.memory_space<vmem>>
        %dma_wait3A_169 = tpu.memref_squeeze %dma_wait3A_168 : memref<1x1x128xi32, #tpu.memory_space<vmem>> -> memref<128xi32, #tpu.memory_space<vmem>>
        %dma_wait3A_170 = arith.constant 0 : i32
        %dma_wait3A_171 = arith.constant 0 : i32
        %dma_wait3A_172 = tpu.memref_slice %arg12[%dma_wait3A_170, %dma_wait3A_171] : memref<10240x128xf32, #tpu.memory_space<vmem_shared>> -> memref<10240x128xf32, #tpu.memory_space<vmem_shared>>
        tpu.wait_indirect_dma semaphore(%run_scoped3A_160 : memref<!tpu.dma_semaphore, #tpu.memory_space<semaphore_mem>>) src(%arg10 : memref<128x128xf32, #tpu.memory_space<vmem>>) dst(%dma_wait3A_172 : memref<10240x128xf32, #tpu.memory_space<vmem_shared>>)
        tpu.yield
      }) : () -> ()
      %dma_wait3A_117 = arith.constant 5 : i32
      %dma_wait3A_118 = arith.constant 0 : i32
      %dma_wait3A_119 = tpu.memref_slice %arg8[%select_n3A_36, %dma_wait3A_117, %dma_wait3A_118] : memref<2x8x128xi32, #tpu.memory_space<vmem>> -> memref<1x1x128xi32, #tpu.memory_space<vmem>>
      %dma_wait3A_120 = tpu.memref_squeeze %dma_wait3A_119 : memref<1x1x128xi32, #tpu.memory_space<vmem>> -> memref<128xi32, #tpu.memory_space<vmem>>
      %dma_wait3A_121 = arith.constant 0 : i32
      %dma_wait3A_122 = arith.constant 0 : i32
      %dma_wait3A_123 = tpu.memref_slice %arg2[%dma_wait3A_121, %dma_wait3A_122] : memref<10000x128xf32, #tpu.memory_space<hbm>> -> memref<10000x128xf32, #tpu.memory_space<hbm>>
      tpu.wait_indirect_dma semaphore(%arg14 : memref<!tpu.dma_semaphore, #tpu.memory_space<semaphore_mem>>) src(%dma_wait3A_123 : memref<10000x128xf32, #tpu.memory_space<hbm>>) dst(%arg11 : memref<128x128xf32, #tpu.memory_space<vmem>>)
      %dma_start3A_124 = arith.constant 6 : i32
      %dma_start3A_125 = arith.constant 0 : i32
      %dma_start3A_126 = tpu.memref_slice %arg8[%select_n3A_36, %dma_start3A_124, %dma_start3A_125] : memref<2x8x128xi32, #tpu.memory_space<vmem>> -> memref<1x1x128xi32, #tpu.memory_space<vmem>>
      %dma_start3A_127 = tpu.memref_squeeze %dma_start3A_126 : memref<1x1x128xi32, #tpu.memory_space<vmem>> -> memref<128xi32, #tpu.memory_space<vmem>>
      %dma_start3A_128 = arith.constant 0 : i32
      %dma_start3A_129 = arith.constant 0 : i32
      %dma_start3A_130 = tpu.memref_slice %arg2[%dma_start3A_128, %dma_start3A_129] : memref<10000x128xf32, #tpu.memory_space<hbm>> -> memref<10000x128xf32, #tpu.memory_space<hbm>>
      tpu.enqueue_indirect_dma source(%dma_start3A_130 : memref<10000x128xf32, #tpu.memory_space<hbm>>) target(%arg10 : memref<128x128xf32, #tpu.memory_space<vmem>>) offsets(%dma_start3A_127 : memref<128xi32, #tpu.memory_space<vmem>>) semaphore(%arg13 : memref<!tpu.dma_semaphore, #tpu.memory_space<semaphore_mem>>)
      %run_scoped3A_131 = arith.constant 5 : i32
      "tpu.region"() ({
        %run_scoped3A_160 = tpu.sem_alloc : memref<!tpu.dma_semaphore, #tpu.memory_space<semaphore_mem>>
        %dma_start3A_161 = arith.constant 0 : i32
        %dma_start3A_162 = tpu.memref_slice %arg9[%select_n3A_36, %run_scoped3A_131, %dma_start3A_161] : memref<2x8x128xi32, #tpu.memory_space<vmem>> -> memref<1x1x128xi32, #tpu.memory_space<vmem>>
        %dma_start3A_163 = tpu.memref_squeeze %dma_start3A_162 : memref<1x1x128xi32, #tpu.memory_space<vmem>> -> memref<128xi32, #tpu.memory_space<vmem>>
        %dma_start3A_164 = arith.constant 0 : i32
        %dma_start3A_165 = arith.constant 0 : i32
        %dma_start3A_166 = tpu.memref_slice %arg12[%dma_start3A_164, %dma_start3A_165] : memref<10240x128xf32, #tpu.memory_space<vmem_shared>> -> memref<10240x128xf32, #tpu.memory_space<vmem_shared>>
        tpu.enqueue_indirect_dma source(%arg11 : memref<128x128xf32, #tpu.memory_space<vmem>>) target(%dma_start3A_166 : memref<10240x128xf32, #tpu.memory_space<vmem_shared>>) offsets(%dma_start3A_163 : memref<128xi32, #tpu.memory_space<vmem>>) semaphore(%run_scoped3A_160 : memref<!tpu.dma_semaphore, #tpu.memory_space<semaphore_mem>>) {add = true}
        %dma_wait3A_167 = arith.constant 0 : i32
        %dma_wait3A_168 = tpu.memref_slice %arg9[%select_n3A_36, %run_scoped3A_131, %dma_wait3A_167] : memref<2x8x128xi32, #tpu.memory_space<vmem>> -> memref<1x1x128xi32, #tpu.memory_space<vmem>>
        %dma_wait3A_169 = tpu.memref_squeeze %dma_wait3A_168 : memref<1x1x128xi32, #tpu.memory_space<vmem>> -> memref<128xi32, #tpu.memory_space<vmem>>
        %dma_wait3A_170 = arith.constant 0 : i32
        %dma_wait3A_171 = arith.constant 0 : i32
        %dma_wait3A_172 = tpu.memref_slice %arg12[%dma_wait3A_170, %dma_wait3A_171] : memref<10240x128xf32, #tpu.memory_space<vmem_shared>> -> memref<10240x128xf32, #tpu.memory_space<vmem_shared>>
        tpu.wait_indirect_dma semaphore(%run_scoped3A_160 : memref<!tpu.dma_semaphore, #tpu.memory_space<semaphore_mem>>) src(%arg11 : memref<128x128xf32, #tpu.memory_space<vmem>>) dst(%dma_wait3A_172 : memref<10240x128xf32, #tpu.memory_space<vmem_shared>>)
        tpu.yield
      }) : () -> ()
      %dma_wait3A_132 = arith.constant 6 : i32
      %dma_wait3A_133 = arith.constant 0 : i32
      %dma_wait3A_134 = tpu.memref_slice %arg8[%select_n3A_36, %dma_wait3A_132, %dma_wait3A_133] : memref<2x8x128xi32, #tpu.memory_space<vmem>> -> memref<1x1x128xi32, #tpu.memory_space<vmem>>
      %dma_wait3A_135 = tpu.memref_squeeze %dma_wait3A_134 : memref<1x1x128xi32, #tpu.memory_space<vmem>> -> memref<128xi32, #tpu.memory_space<vmem>>
      %dma_wait3A_136 = arith.constant 0 : i32
      %dma_wait3A_137 = arith.constant 0 : i32
      %dma_wait3A_138 = tpu.memref_slice %arg2[%dma_wait3A_136, %dma_wait3A_137] : memref<10000x128xf32, #tpu.memory_space<hbm>> -> memref<10000x128xf32, #tpu.memory_space<hbm>>
      tpu.wait_indirect_dma semaphore(%arg13 : memref<!tpu.dma_semaphore, #tpu.memory_space<semaphore_mem>>) src(%dma_wait3A_138 : memref<10000x128xf32, #tpu.memory_space<hbm>>) dst(%arg10 : memref<128x128xf32, #tpu.memory_space<vmem>>)
      %dma_start3A_139 = arith.constant 7 : i32
      %dma_start3A_140 = arith.constant 0 : i32
      %dma_start3A_141 = tpu.memref_slice %arg8[%select_n3A_36, %dma_start3A_139, %dma_start3A_140] : memref<2x8x128xi32, #tpu.memory_space<vmem>> -> memref<1x1x128xi32, #tpu.memory_space<vmem>>
      %dma_start3A_142 = tpu.memref_squeeze %dma_start3A_141 : memref<1x1x128xi32, #tpu.memory_space<vmem>> -> memref<128xi32, #tpu.memory_space<vmem>>
      %dma_start3A_143 = arith.constant 0 : i32
      %dma_start3A_144 = arith.constant 0 : i32
      %dma_start3A_145 = tpu.memref_slice %arg2[%dma_start3A_143, %dma_start3A_144] : memref<10000x128xf32, #tpu.memory_space<hbm>> -> memref<10000x128xf32, #tpu.memory_space<hbm>>
      tpu.enqueue_indirect_dma source(%dma_start3A_145 : memref<10000x128xf32, #tpu.memory_space<hbm>>) target(%arg11 : memref<128x128xf32, #tpu.memory_space<vmem>>) offsets(%dma_start3A_142 : memref<128xi32, #tpu.memory_space<vmem>>) semaphore(%arg14 : memref<!tpu.dma_semaphore, #tpu.memory_space<semaphore_mem>>)
      %run_scoped3A_146 = arith.constant 6 : i32
      "tpu.region"() ({
        %run_scoped3A_160 = tpu.sem_alloc : memref<!tpu.dma_semaphore, #tpu.memory_space<semaphore_mem>>
        %dma_start3A_161 = arith.constant 0 : i32
        %dma_start3A_162 = tpu.memref_slice %arg9[%select_n3A_36, %run_scoped3A_146, %dma_start3A_161] : memref<2x8x128xi32, #tpu.memory_space<vmem>> -> memref<1x1x128xi32, #tpu.memory_space<vmem>>
        %dma_start3A_163 = tpu.memref_squeeze %dma_start3A_162 : memref<1x1x128xi32, #tpu.memory_space<vmem>> -> memref<128xi32, #tpu.memory_space<vmem>>
        %dma_start3A_164 = arith.constant 0 : i32
        %dma_start3A_165 = arith.constant 0 : i32
        %dma_start3A_166 = tpu.memref_slice %arg12[%dma_start3A_164, %dma_start3A_165] : memref<10240x128xf32, #tpu.memory_space<vmem_shared>> -> memref<10240x128xf32, #tpu.memory_space<vmem_shared>>
        tpu.enqueue_indirect_dma source(%arg10 : memref<128x128xf32, #tpu.memory_space<vmem>>) target(%dma_start3A_166 : memref<10240x128xf32, #tpu.memory_space<vmem_shared>>) offsets(%dma_start3A_163 : memref<128xi32, #tpu.memory_space<vmem>>) semaphore(%run_scoped3A_160 : memref<!tpu.dma_semaphore, #tpu.memory_space<semaphore_mem>>) {add = true}
        %dma_wait3A_167 = arith.constant 0 : i32
        %dma_wait3A_168 = tpu.memref_slice %arg9[%select_n3A_36, %run_scoped3A_146, %dma_wait3A_167] : memref<2x8x128xi32, #tpu.memory_space<vmem>> -> memref<1x1x128xi32, #tpu.memory_space<vmem>>
        %dma_wait3A_169 = tpu.memref_squeeze %dma_wait3A_168 : memref<1x1x128xi32, #tpu.memory_space<vmem>> -> memref<128xi32, #tpu.memory_space<vmem>>
        %dma_wait3A_170 = arith.constant 0 : i32
        %dma_wait3A_171 = arith.constant 0 : i32
        %dma_wait3A_172 = tpu.memref_slice %arg12[%dma_wait3A_170, %dma_wait3A_171] : memref<10240x128xf32, #tpu.memory_space<vmem_shared>> -> memref<10240x128xf32, #tpu.memory_space<vmem_shared>>
        tpu.wait_indirect_dma semaphore(%run_scoped3A_160 : memref<!tpu.dma_semaphore, #tpu.memory_space<semaphore_mem>>) src(%arg10 : memref<128x128xf32, #tpu.memory_space<vmem>>) dst(%dma_wait3A_172 : memref<10240x128xf32, #tpu.memory_space<vmem_shared>>)
        tpu.yield
      }) : () -> ()
      %dma_wait3A_147 = arith.constant 7 : i32
      %dma_wait3A_148 = arith.constant 0 : i32
      %dma_wait3A_149 = tpu.memref_slice %arg8[%select_n3A_36, %dma_wait3A_147, %dma_wait3A_148] : memref<2x8x128xi32, #tpu.memory_space<vmem>> -> memref<1x1x128xi32, #tpu.memory_space<vmem>>
      %dma_wait3A_150 = tpu.memref_squeeze %dma_wait3A_149 : memref<1x1x128xi32, #tpu.memory_space<vmem>> -> memref<128xi32, #tpu.memory_space<vmem>>
      %dma_wait3A_151 = arith.constant 0 : i32
      %dma_wait3A_152 = arith.constant 0 : i32
      %dma_wait3A_153 = tpu.memref_slice %arg2[%dma_wait3A_151, %dma_wait3A_152] : memref<10000x128xf32, #tpu.memory_space<hbm>> -> memref<10000x128xf32, #tpu.memory_space<hbm>>
      tpu.wait_indirect_dma semaphore(%arg14 : memref<!tpu.dma_semaphore, #tpu.memory_space<semaphore_mem>>) src(%dma_wait3A_153 : memref<10000x128xf32, #tpu.memory_space<hbm>>) dst(%arg11 : memref<128x128xf32, #tpu.memory_space<vmem>>)
      %lt3A_154 = arith.constant 9 : i32
      %lt3A_155 = arith.cmpi slt, %scan3A_26, %lt3A_154 : i32
      %convert_element_type3A_156 = arith.extui %lt3A_155 : i1 to i32
      %cond3A_157 = arith.constant 0 : i32
      %cond3A_158 = arith.cmpi ne, %convert_element_type3A_156, %cond3A_157 : i32
      scf.if %cond3A_158 {
        %add3A_160 = arith.constant 1 : i32
        %add3A_161 = arith.addi %scan3A_26, %add3A_160 : i32
        %mul3A_162 = arith.constant 8 : i32
        %mul3A_163 = arith.muli %add3A_161, %mul3A_162 : i32
        %dma_wait3A_164 = arith.constant 0 : i32
        %dma_wait3A_165 = arith.constant 0 : i32
        %dma_wait3A_166 = tpu.memref_slice %arg8[%sub3A_37, %dma_wait3A_164, %dma_wait3A_165] : memref<2x8x128xi32, #tpu.memory_space<vmem>> -> memref<1x8x128xi32, #tpu.memory_space<vmem>>
        %dma_wait3A_167 = tpu.memref_squeeze %dma_wait3A_166 : memref<1x8x128xi32, #tpu.memory_space<vmem>> -> memref<8x128xi32, #tpu.memory_space<vmem>>
        %dma_wait3A_168 = arith.constant 0 : i32
        %dma_wait3A_169 = tpu.memref_slice %arg3[%add3A, %mul3A_163, %dma_wait3A_168] : memref<32x80x128xi32, #tpu.memory_space<hbm>> -> memref<1x8x128xi32, #tpu.memory_space<hbm>>
        %dma_wait3A_170 = tpu.memref_squeeze %dma_wait3A_169 : memref<1x8x128xi32, #tpu.memory_space<hbm>> -> memref<8x128xi32, #tpu.memory_space<hbm>>
        %dma_wait3A_171 = arith.constant 0 : i32
        %dma_wait3A_172 = arith.constant 0 : i32
        %dma_wait3A_173 = tpu.memref_slice %arg8[%sub3A_37, %dma_wait3A_171, %dma_wait3A_172] : memref<2x8x128xi32, #tpu.memory_space<vmem>> -> memref<1x8x128xi32, #tpu.memory_space<vmem>>
        %dma_wait3A_174 = tpu.memref_squeeze %dma_wait3A_173 : memref<1x8x128xi32, #tpu.memory_space<vmem>> -> memref<8x128xi32, #tpu.memory_space<vmem>>
        %dma_wait3A_175 = arith.constant 0 : i32
        %dma_wait3A_176 = tpu.memref_slice %arg3[%add3A, %mul3A_163, %dma_wait3A_175] : memref<32x80x128xi32, #tpu.memory_space<hbm>> -> memref<1x8x128xi32, #tpu.memory_space<hbm>>
        %dma_wait3A_177 = tpu.memref_squeeze %dma_wait3A_176 : memref<1x8x128xi32, #tpu.memory_space<hbm>> -> memref<8x128xi32, #tpu.memory_space<hbm>>
        tpu.wait_dma2 semaphore(%arg15 : memref<!tpu.dma_semaphore, #tpu.memory_space<semaphore_mem>>) src(%dma_wait3A_177 : memref<8x128xi32, #tpu.memory_space<hbm>>) dst(%dma_wait3A_174 : memref<8x128xi32, #tpu.memory_space<vmem>>)
        %add3A_178 = arith.constant 1 : i32
        %add3A_179 = arith.addi %scan3A_26, %add3A_178 : i32
        %mul3A_180 = arith.constant 8 : i32
        %mul3A_181 = arith.muli %add3A_179, %mul3A_180 : i32
        %dma_wait3A_182 = arith.constant 0 : i32
        %dma_wait3A_183 = arith.constant 0 : i32
        %dma_wait3A_184 = tpu.memref_slice %arg9[%sub3A_37, %dma_wait3A_182, %dma_wait3A_183] : memref<2x8x128xi32, #tpu.memory_space<vmem>> -> memref<1x8x128xi32, #tpu.memory_space<vmem>>
        %dma_wait3A_185 = tpu.memref_squeeze %dma_wait3A_184 : memref<1x8x128xi32, #tpu.memory_space<vmem>> -> memref<8x128xi32, #tpu.memory_space<vmem>>
        %dma_wait3A_186 = arith.constant 0 : i32
        %dma_wait3A_187 = tpu.memref_slice %arg4[%add3A, %mul3A_181, %dma_wait3A_186] : memref<32x80x128xi32, #tpu.memory_space<hbm>> -> memref<1x8x128xi32, #tpu.memory_space<hbm>>
        %dma_wait3A_188 = tpu.memref_squeeze %dma_wait3A_187 : memref<1x8x128xi32, #tpu.memory_space<hbm>> -> memref<8x128xi32, #tpu.memory_space<hbm>>
        %dma_wait3A_189 = arith.constant 0 : i32
        %dma_wait3A_190 = arith.constant 0 : i32
        %dma_wait3A_191 = tpu.memref_slice %arg9[%sub3A_37, %dma_wait3A_189, %dma_wait3A_190] : memref<2x8x128xi32, #tpu.memory_space<vmem>> -> memref<1x8x128xi32, #tpu.memory_space<vmem>>
        %dma_wait3A_192 = tpu.memref_squeeze %dma_wait3A_191 : memref<1x8x128xi32, #tpu.memory_space<vmem>> -> memref<8x128xi32, #tpu.memory_space<vmem>>
        %dma_wait3A_193 = arith.constant 0 : i32
        %dma_wait3A_194 = tpu.memref_slice %arg4[%add3A, %mul3A_181, %dma_wait3A_193] : memref<32x80x128xi32, #tpu.memory_space<hbm>> -> memref<1x8x128xi32, #tpu.memory_space<hbm>>
        %dma_wait3A_195 = tpu.memref_squeeze %dma_wait3A_194 : memref<1x8x128xi32, #tpu.memory_space<hbm>> -> memref<8x128xi32, #tpu.memory_space<hbm>>
        tpu.wait_dma2 semaphore(%arg16 : memref<!tpu.dma_semaphore, #tpu.memory_space<semaphore_mem>>) src(%dma_wait3A_195 : memref<8x128xi32, #tpu.memory_space<hbm>>) dst(%dma_wait3A_192 : memref<8x128xi32, #tpu.memory_space<vmem>>)
        %dma_start3A_196 = arith.constant 0 : i32
        %dma_start3A_197 = arith.constant 0 : i32
        %dma_start3A_198 = tpu.memref_slice %arg8[%sub3A_37, %dma_start3A_196, %dma_start3A_197] : memref<2x8x128xi32, #tpu.memory_space<vmem>> -> memref<1x1x128xi32, #tpu.memory_space<vmem>>
        %dma_start3A_199 = tpu.memref_squeeze %dma_start3A_198 : memref<1x1x128xi32, #tpu.memory_space<vmem>> -> memref<128xi32, #tpu.memory_space<vmem>>
        %dma_start3A_200 = arith.constant 0 : i32
        %dma_start3A_201 = arith.constant 0 : i32
        %dma_start3A_202 = tpu.memref_slice %arg2[%dma_start3A_200, %dma_start3A_201] : memref<10000x128xf32, #tpu.memory_space<hbm>> -> memref<10000x128xf32, #tpu.memory_space<hbm>>
        tpu.enqueue_indirect_dma source(%dma_start3A_202 : memref<10000x128xf32, #tpu.memory_space<hbm>>) target(%arg10 : memref<128x128xf32, #tpu.memory_space<vmem>>) offsets(%dma_start3A_199 : memref<128xi32, #tpu.memory_space<vmem>>) semaphore(%arg13 : memref<!tpu.dma_semaphore, #tpu.memory_space<semaphore_mem>>)
      } else {
      }
      %run_scoped3A_159 = arith.constant 7 : i32
      "tpu.region"() ({
        %run_scoped3A_160 = tpu.sem_alloc : memref<!tpu.dma_semaphore, #tpu.memory_space<semaphore_mem>>
        %dma_start3A_161 = arith.constant 0 : i32
        %dma_start3A_162 = tpu.memref_slice %arg9[%select_n3A_36, %run_scoped3A_159, %dma_start3A_161] : memref<2x8x128xi32, #tpu.memory_space<vmem>> -> memref<1x1x128xi32, #tpu.memory_space<vmem>>
        %dma_start3A_163 = tpu.memref_squeeze %dma_start3A_162 : memref<1x1x128xi32, #tpu.memory_space<vmem>> -> memref<128xi32, #tpu.memory_space<vmem>>
        %dma_start3A_164 = arith.constant 0 : i32
        %dma_start3A_165 = arith.constant 0 : i32
        %dma_start3A_166 = tpu.memref_slice %arg12[%dma_start3A_164, %dma_start3A_165] : memref<10240x128xf32, #tpu.memory_space<vmem_shared>> -> memref<10240x128xf32, #tpu.memory_space<vmem_shared>>
        tpu.enqueue_indirect_dma source(%arg11 : memref<128x128xf32, #tpu.memory_space<vmem>>) target(%dma_start3A_166 : memref<10240x128xf32, #tpu.memory_space<vmem_shared>>) offsets(%dma_start3A_163 : memref<128xi32, #tpu.memory_space<vmem>>) semaphore(%run_scoped3A_160 : memref<!tpu.dma_semaphore, #tpu.memory_space<semaphore_mem>>) {add = true}
        %dma_wait3A_167 = arith.constant 0 : i32
        %dma_wait3A_168 = tpu.memref_slice %arg9[%select_n3A_36, %run_scoped3A_159, %dma_wait3A_167] : memref<2x8x128xi32, #tpu.memory_space<vmem>> -> memref<1x1x128xi32, #tpu.memory_space<vmem>>
        %dma_wait3A_169 = tpu.memref_squeeze %dma_wait3A_168 : memref<1x1x128xi32, #tpu.memory_space<vmem>> -> memref<128xi32, #tpu.memory_space<vmem>>
        %dma_wait3A_170 = arith.constant 0 : i32
        %dma_wait3A_171 = arith.constant 0 : i32
        %dma_wait3A_172 = tpu.memref_slice %arg12[%dma_wait3A_170, %dma_wait3A_171] : memref<10240x128xf32, #tpu.memory_space<vmem_shared>> -> memref<10240x128xf32, #tpu.memory_space<vmem_shared>>
        tpu.wait_indirect_dma semaphore(%run_scoped3A_160 : memref<!tpu.dma_semaphore, #tpu.memory_space<semaphore_mem>>) src(%arg11 : memref<128x128xf32, #tpu.memory_space<vmem>>) dst(%dma_wait3A_172 : memref<10240x128xf32, #tpu.memory_space<vmem_shared>>)
        tpu.yield
      }) : () -> ()
    }
    %scan3A_17 = arith.constant 10 : i32
    %barrier3A_18 = arith.constant 0 : index
    tpu.barrier barrier_id(%barrier3A_18)
    %eq3A = arith.constant 0 : i32
    %eq3A_19 = arith.cmpi eq, %arg0, %eq3A : i32
    %convert_element_type3A = arith.extui %eq3A_19 : i1 to i32
    %cond3A = arith.constant 0 : i32
    %cond3A_20 = arith.cmpi ne, %convert_element_type3A, %cond3A : i32
    scf.if %cond3A_20 {
      %mul3A_26 = arith.constant 640 : i32
      %mul3A_27 = arith.muli %arg1, %mul3A_26 : i32
      %mul3A_28 = arith.constant 640 : i32
      %mul3A_29 = arith.muli %arg1, %mul3A_28 : i32
      "tpu.region"() ({
        %run_scoped3A_30 = tpu.sem_alloc : memref<!tpu.dma_semaphore, #tpu.memory_space<semaphore_mem>>
        %dma_start3A_31 = arith.constant 0 : i32
        %dma_start3A_32 = tpu.memref_slice %arg6[%mul3A_29, %dma_start3A_31] : memref<10240x128xf32, #tpu.memory_space<hbm>> -> memref<640x128xf32, #tpu.memory_space<hbm>>
        %dma_start3A_33 = arith.constant 0 : i32
        %dma_start3A_34 = tpu.memref_slice %arg12[%mul3A_27, %dma_start3A_33] : memref<10240x128xf32, #tpu.memory_space<vmem_shared>> -> memref<640x128xf32, #tpu.memory_space<vmem_shared>>
        tpu.enqueue_dma source(%dma_start3A_34 : memref<640x128xf32, #tpu.memory_space<vmem_shared>>) target(%dma_start3A_32 : memref<640x128xf32, #tpu.memory_space<hbm>>) target_semaphore(%run_scoped3A_30 : memref<!tpu.dma_semaphore, #tpu.memory_space<semaphore_mem>>)
        %dma_wait3A = arith.constant 0 : i32
        %dma_wait3A_35 = tpu.memref_slice %arg6[%mul3A_29, %dma_wait3A] : memref<10240x128xf32, #tpu.memory_space<hbm>> -> memref<640x128xf32, #tpu.memory_space<hbm>>
        %dma_wait3A_36 = arith.constant 0 : i32
        %dma_wait3A_37 = tpu.memref_slice %arg12[%mul3A_27, %dma_wait3A_36] : memref<10240x128xf32, #tpu.memory_space<vmem_shared>> -> memref<640x128xf32, #tpu.memory_space<vmem_shared>>
        tpu.wait_dma2 semaphore(%run_scoped3A_30 : memref<!tpu.dma_semaphore, #tpu.memory_space<semaphore_mem>>) src(%dma_wait3A_37 : memref<640x128xf32, #tpu.memory_space<vmem_shared>>) dst(%dma_wait3A_35 : memref<640x128xf32, #tpu.memory_space<hbm>>)
        tpu.yield
      }) : () -> ()
    } else {
    }
    %eq3A_21 = arith.constant 1 : i32
    %eq3A_22 = arith.cmpi eq, %arg0, %eq3A_21 : i32
    %convert_element_type3A_23 = arith.extui %eq3A_22 : i1 to i32
    %cond3A_24 = arith.constant 0 : i32
    %cond3A_25 = arith.cmpi ne, %convert_element_type3A_23, %cond3A_24 : i32
    scf.if %cond3A_25 {
      %mul3A_26 = arith.constant 640 : i32
      %mul3A_27 = arith.muli %arg1, %mul3A_26 : i32
      %mul3A_28 = arith.constant 640 : i32
      %mul3A_29 = arith.muli %arg1, %mul3A_28 : i32
      "tpu.region"() ({
        %run_scoped3A_30 = tpu.sem_alloc : memref<!tpu.dma_semaphore, #tpu.memory_space<semaphore_mem>>
        %dma_start3A_31 = arith.constant 0 : i32
        %dma_start3A_32 = tpu.memref_slice %arg7[%mul3A_29, %dma_start3A_31] : memref<10240x128xf32, #tpu.memory_space<hbm>> -> memref<640x128xf32, #tpu.memory_space<hbm>>
        %dma_start3A_33 = arith.constant 0 : i32
        %dma_start3A_34 = tpu.memref_slice %arg12[%mul3A_27, %dma_start3A_33] : memref<10240x128xf32, #tpu.memory_space<vmem_shared>> -> memref<640x128xf32, #tpu.memory_space<vmem_shared>>
        tpu.enqueue_dma source(%dma_start3A_34 : memref<640x128xf32, #tpu.memory_space<vmem_shared>>) target(%dma_start3A_32 : memref<640x128xf32, #tpu.memory_space<hbm>>) target_semaphore(%run_scoped3A_30 : memref<!tpu.dma_semaphore, #tpu.memory_space<semaphore_mem>>)
        %dma_wait3A = arith.constant 0 : i32
        %dma_wait3A_35 = tpu.memref_slice %arg7[%mul3A_29, %dma_wait3A] : memref<10240x128xf32, #tpu.memory_space<hbm>> -> memref<640x128xf32, #tpu.memory_space<hbm>>
        %dma_wait3A_36 = arith.constant 0 : i32
        %dma_wait3A_37 = tpu.memref_slice %arg12[%mul3A_27, %dma_wait3A_36] : memref<10240x128xf32, #tpu.memory_space<vmem_shared>> -> memref<640x128xf32, #tpu.memory_space<vmem_shared>>
        tpu.wait_dma2 semaphore(%run_scoped3A_30 : memref<!tpu.dma_semaphore, #tpu.memory_space<semaphore_mem>>) src(%dma_wait3A_37 : memref<640x128xf32, #tpu.memory_space<vmem_shared>>) dst(%dma_wait3A_35 : memref<640x128xf32, #tpu.memory_space<hbm>>)
        tpu.yield
      }) : () -> ()
    } else {
    }
    return
  }
}

#map = affine_map<(d0, d1) -> (0, 0)>
#map1 = affine_map<(d0, d1) -> (0, 0, 0)>
module attributes {stable_mosaic.version = 14 : i64} {
  func.func @agg_kernel(%arg0: i32, %arg1: i32, %arg2: memref<10000x128xf32, #tpu.memory_space<hbm>>, %arg3: memref<32x80x128xi32, #tpu.memory_space<hbm>>, %arg4: memref<32x80x128xi32, #tpu.memory_space<hbm>>, %arg5: memref<10240x128xf32, #tpu.memory_space<hbm>>, %arg6: memref<10240x128xf32, #tpu.memory_space<hbm>>, %arg7: memref<10240x128xf32, #tpu.memory_space<hbm>>, %arg8: memref<2x8x128xi32, #tpu.memory_space<vmem>>, %arg9: memref<2x8x128xi32, #tpu.memory_space<vmem>>, %arg10: memref<128x128xf32, #tpu.memory_space<vmem>>, %arg11: memref<128x128xf32, #tpu.memory_space<vmem>>, %arg12: memref<10240x128xf32, #tpu.memory_space<vmem_shared>>, %arg13: memref<!tpu.dma_semaphore, #tpu.memory_space<semaphore_mem>>, %arg14: memref<!tpu.dma_semaphore, #tpu.memory_space<semaphore_mem>>, %arg15: memref<!tpu.dma_semaphore, #tpu.memory_space<semaphore_mem>>, %arg16: memref<!tpu.dma_semaphore, #tpu.memory_space<semaphore_mem>>) attributes {dimension_semantics = [#tpu.dimension_semantics<core_parallel>, #tpu.dimension_semantics<subcore_parallel>], iteration_bounds = array<i64: 2, 16>, scalar_prefetch = 0 : i64, scratch_operands = 9 : i64, tpu.core_type = #tpu.core_type<sc_vector_subcore>, window_params = [{transform_indices = #map}, {transform_indices = #map1}, {transform_indices = #map1}, {transform_indices = #map}, {transform_indices = #map}, {transform_indices = #map}]} {
    %mul3A = arith.constant 16 : i32
    %mul3A_0 = arith.muli %arg0, %mul3A : i32
    %add3A = arith.addi %mul3A_0, %arg1 : i32
    %mul3A_1 = arith.constant 640 : i32
    %mul3A_2 = arith.muli %arg1, %mul3A_1 : i32
    %mul3A_3 = arith.constant 640 : i32
    %mul3A_4 = arith.muli %arg1, %mul3A_3 : i32
    "tpu.region"() ({
      %run_scoped3A_26 = tpu.sem_alloc : memref<!tpu.dma_semaphore, #tpu.memory_space<semaphore_mem>>
      %dma_start3A_27 = arith.constant 0 : i32
      %dma_start3A_28 = tpu.memref_slice %arg12[%mul3A_4, %dma_start3A_27] : memref<10240x128xf32, #tpu.memory_space<vmem_shared>> -> memref<640x128xf32, #tpu.memory_space<vmem_shared>>
      %dma_start3A_29 = arith.constant 0 : i32
      %dma_start3A_30 = tpu.memref_slice %arg5[%mul3A_2, %dma_start3A_29] : memref<10240x128xf32, #tpu.memory_space<hbm>> -> memref<640x128xf32, #tpu.memory_space<hbm>>
      tpu.enqueue_dma source(%dma_start3A_30 : memref<640x128xf32, #tpu.memory_space<hbm>>) target(%dma_start3A_28 : memref<640x128xf32, #tpu.memory_space<vmem_shared>>) target_semaphore(%run_scoped3A_26 : memref<!tpu.dma_semaphore, #tpu.memory_space<semaphore_mem>>)
      %dma_wait3A = arith.constant 0 : i32
      %dma_wait3A_31 = tpu.memref_slice %arg12[%mul3A_4, %dma_wait3A] : memref<10240x128xf32, #tpu.memory_space<vmem_shared>> -> memref<640x128xf32, #tpu.memory_space<vmem_shared>>
      %dma_wait3A_32 = arith.constant 0 : i32
      %dma_wait3A_33 = tpu.memref_slice %arg5[%mul3A_2, %dma_wait3A_32] : memref<10240x128xf32, #tpu.memory_space<hbm>> -> memref<640x128xf32, #tpu.memory_space<hbm>>
      tpu.wait_dma2 semaphore(%run_scoped3A_26 : memref<!tpu.dma_semaphore, #tpu.memory_space<semaphore_mem>>) src(%dma_wait3A_33 : memref<640x128xf32, #tpu.memory_space<hbm>>) dst(%dma_wait3A_31 : memref<640x128xf32, #tpu.memory_space<vmem_shared>>)
      tpu.yield
    }) : () -> ()
    %run_scoped3A = arith.constant 0 : i32
    "tpu.region"() ({
      %run_scoped3A_26 = tpu.sem_alloc : memref<!tpu.dma_semaphore, #tpu.memory_space<semaphore_mem>>
      %dma_start3A_27 = arith.constant 0 : i32
      %dma_start3A_28 = arith.constant 0 : i32
      %dma_start3A_29 = tpu.memref_slice %arg8[%run_scoped3A, %dma_start3A_27, %dma_start3A_28] : memref<2x8x128xi32, #tpu.memory_space<vmem>> -> memref<1x8x128xi32, #tpu.memory_space<vmem>>
      %dma_start3A_30 = tpu.memref_squeeze %dma_start3A_29 : memref<1x8x128xi32, #tpu.memory_space<vmem>> -> memref<8x128xi32, #tpu.memory_space<vmem>>
      %dma_start3A_31 = arith.constant 0 : i32
      %dma_start3A_32 = arith.constant 0 : i32
      %dma_start3A_33 = tpu.memref_slice %arg3[%add3A, %dma_start3A_31, %dma_start3A_32] : memref<32x80x128xi32, #tpu.memory_space<hbm>> -> memref<1x8x128xi32, #tpu.memory_space<hbm>>
      %dma_start3A_34 = tpu.memref_squeeze %dma_start3A_33 : memref<1x8x128xi32, #tpu.memory_space<hbm>> -> memref<8x128xi32, #tpu.memory_space<hbm>>
      %dma_start3A_35 = arith.constant 0 : i32
      %dma_start3A_36 = arith.constant 0 : i32
      %dma_start3A_37 = tpu.memref_slice %arg8[%run_scoped3A, %dma_start3A_35, %dma_start3A_36] : memref<2x8x128xi32, #tpu.memory_space<vmem>> -> memref<1x8x128xi32, #tpu.memory_space<vmem>>
      %dma_start3A_38 = tpu.memref_squeeze %dma_start3A_37 : memref<1x8x128xi32, #tpu.memory_space<vmem>> -> memref<8x128xi32, #tpu.memory_space<vmem>>
      %dma_start3A_39 = arith.constant 0 : i32
      %dma_start3A_40 = arith.constant 0 : i32
      %dma_start3A_41 = tpu.memref_slice %arg3[%add3A, %dma_start3A_39, %dma_start3A_40] : memref<32x80x128xi32, #tpu.memory_space<hbm>> -> memref<1x8x128xi32, #tpu.memory_space<hbm>>
      %dma_start3A_42 = tpu.memref_squeeze %dma_start3A_41 : memref<1x8x128xi32, #tpu.memory_space<hbm>> -> memref<8x128xi32, #tpu.memory_space<hbm>>
      tpu.enqueue_dma source(%dma_start3A_42 : memref<8x128xi32, #tpu.memory_space<hbm>>) target(%dma_start3A_38 : memref<8x128xi32, #tpu.memory_space<vmem>>) target_semaphore(%run_scoped3A_26 : memref<!tpu.dma_semaphore, #tpu.memory_space<semaphore_mem>>)
      %dma_wait3A = arith.constant 0 : i32
      %dma_wait3A_43 = arith.constant 0 : i32
      %dma_wait3A_44 = tpu.memref_slice %arg8[%run_scoped3A, %dma_wait3A, %dma_wait3A_43] : memref<2x8x128xi32, #tpu.memory_space<vmem>> -> memref<1x8x128xi32, #tpu.memory_space<vmem>>
      %dma_wait3A_45 = tpu.memref_squeeze %dma_wait3A_44 : memref<1x8x128xi32, #tpu.memory_space<vmem>> -> memref<8x128xi32, #tpu.memory_space<vmem>>
      %dma_wait3A_46 = arith.constant 0 : i32
      %dma_wait3A_47 = arith.constant 0 : i32
      %dma_wait3A_48 = tpu.memref_slice %arg3[%add3A, %dma_wait3A_46, %dma_wait3A_47] : memref<32x80x128xi32, #tpu.memory_space<hbm>> -> memref<1x8x128xi32, #tpu.memory_space<hbm>>
      %dma_wait3A_49 = tpu.memref_squeeze %dma_wait3A_48 : memref<1x8x128xi32, #tpu.memory_space<hbm>> -> memref<8x128xi32, #tpu.memory_space<hbm>>
      %dma_wait3A_50 = arith.constant 0 : i32
      %dma_wait3A_51 = arith.constant 0 : i32
      %dma_wait3A_52 = tpu.memref_slice %arg8[%run_scoped3A, %dma_wait3A_50, %dma_wait3A_51] : memref<2x8x128xi32, #tpu.memory_space<vmem>> -> memref<1x8x128xi32, #tpu.memory_space<vmem>>
      %dma_wait3A_53 = tpu.memref_squeeze %dma_wait3A_52 : memref<1x8x128xi32, #tpu.memory_space<vmem>> -> memref<8x128xi32, #tpu.memory_space<vmem>>
      %dma_wait3A_54 = arith.constant 0 : i32
      %dma_wait3A_55 = arith.constant 0 : i32
      %dma_wait3A_56 = tpu.memref_slice %arg3[%add3A, %dma_wait3A_54, %dma_wait3A_55] : memref<32x80x128xi32, #tpu.memory_space<hbm>> -> memref<1x8x128xi32, #tpu.memory_space<hbm>>
      %dma_wait3A_57 = tpu.memref_squeeze %dma_wait3A_56 : memref<1x8x128xi32, #tpu.memory_space<hbm>> -> memref<8x128xi32, #tpu.memory_space<hbm>>
      tpu.wait_dma2 semaphore(%run_scoped3A_26 : memref<!tpu.dma_semaphore, #tpu.memory_space<semaphore_mem>>) src(%dma_wait3A_57 : memref<8x128xi32, #tpu.memory_space<hbm>>) dst(%dma_wait3A_53 : memref<8x128xi32, #tpu.memory_space<vmem>>)
      tpu.yield
    }) : () -> ()
    %run_scoped3A_5 = arith.constant 0 : i32
    "tpu.region"() ({
      %run_scoped3A_26 = tpu.sem_alloc : memref<!tpu.dma_semaphore, #tpu.memory_space<semaphore_mem>>
      %dma_start3A_27 = arith.constant 0 : i32
      %dma_start3A_28 = arith.constant 0 : i32
      %dma_start3A_29 = tpu.memref_slice %arg9[%run_scoped3A_5, %dma_start3A_27, %dma_start3A_28] : memref<2x8x128xi32, #tpu.memory_space<vmem>> -> memref<1x8x128xi32, #tpu.memory_space<vmem>>
      %dma_start3A_30 = tpu.memref_squeeze %dma_start3A_29 : memref<1x8x128xi32, #tpu.memory_space<vmem>> -> memref<8x128xi32, #tpu.memory_space<vmem>>
      %dma_start3A_31 = arith.constant 0 : i32
      %dma_start3A_32 = arith.constant 0 : i32
      %dma_start3A_33 = tpu.memref_slice %arg4[%add3A, %dma_start3A_31, %dma_start3A_32] : memref<32x80x128xi32, #tpu.memory_space<hbm>> -> memref<1x8x128xi32, #tpu.memory_space<hbm>>
      %dma_start3A_34 = tpu.memref_squeeze %dma_start3A_33 : memref<1x8x128xi32, #tpu.memory_space<hbm>> -> memref<8x128xi32, #tpu.memory_space<hbm>>
      %dma_start3A_35 = arith.constant 0 : i32
      %dma_start3A_36 = arith.constant 0 : i32
      %dma_start3A_37 = tpu.memref_slice %arg9[%run_scoped3A_5, %dma_start3A_35, %dma_start3A_36] : memref<2x8x128xi32, #tpu.memory_space<vmem>> -> memref<1x8x128xi32, #tpu.memory_space<vmem>>
      %dma_start3A_38 = tpu.memref_squeeze %dma_start3A_37 : memref<1x8x128xi32, #tpu.memory_space<vmem>> -> memref<8x128xi32, #tpu.memory_space<vmem>>
      %dma_start3A_39 = arith.constant 0 : i32
      %dma_start3A_40 = arith.constant 0 : i32
      %dma_start3A_41 = tpu.memref_slice %arg4[%add3A, %dma_start3A_39, %dma_start3A_40] : memref<32x80x128xi32, #tpu.memory_space<hbm>> -> memref<1x8x128xi32, #tpu.memory_space<hbm>>
      %dma_start3A_42 = tpu.memref_squeeze %dma_start3A_41 : memref<1x8x128xi32, #tpu.memory_space<hbm>> -> memref<8x128xi32, #tpu.memory_space<hbm>>
      tpu.enqueue_dma source(%dma_start3A_42 : memref<8x128xi32, #tpu.memory_space<hbm>>) target(%dma_start3A_38 : memref<8x128xi32, #tpu.memory_space<vmem>>) target_semaphore(%run_scoped3A_26 : memref<!tpu.dma_semaphore, #tpu.memory_space<semaphore_mem>>)
      %dma_wait3A = arith.constant 0 : i32
      %dma_wait3A_43 = arith.constant 0 : i32
      %dma_wait3A_44 = tpu.memref_slice %arg9[%run_scoped3A_5, %dma_wait3A, %dma_wait3A_43] : memref<2x8x128xi32, #tpu.memory_space<vmem>> -> memref<1x8x128xi32, #tpu.memory_space<vmem>>
      %dma_wait3A_45 = tpu.memref_squeeze %dma_wait3A_44 : memref<1x8x128xi32, #tpu.memory_space<vmem>> -> memref<8x128xi32, #tpu.memory_space<vmem>>
      %dma_wait3A_46 = arith.constant 0 : i32
      %dma_wait3A_47 = arith.constant 0 : i32
      %dma_wait3A_48 = tpu.memref_slice %arg4[%add3A, %dma_wait3A_46, %dma_wait3A_47] : memref<32x80x128xi32, #tpu.memory_space<hbm>> -> memref<1x8x128xi32, #tpu.memory_space<hbm>>
      %dma_wait3A_49 = tpu.memref_squeeze %dma_wait3A_48 : memref<1x8x128xi32, #tpu.memory_space<hbm>> -> memref<8x128xi32, #tpu.memory_space<hbm>>
      %dma_wait3A_50 = arith.constant 0 : i32
      %dma_wait3A_51 = arith.constant 0 : i32
      %dma_wait3A_52 = tpu.memref_slice %arg9[%run_scoped3A_5, %dma_wait3A_50, %dma_wait3A_51] : memref<2x8x128xi32, #tpu.memory_space<vmem>> -> memref<1x8x128xi32, #tpu.memory_space<vmem>>
      %dma_wait3A_53 = tpu.memref_squeeze %dma_wait3A_52 : memref<1x8x128xi32, #tpu.memory_space<vmem>> -> memref<8x128xi32, #tpu.memory_space<vmem>>
      %dma_wait3A_54 = arith.constant 0 : i32
      %dma_wait3A_55 = arith.constant 0 : i32
      %dma_wait3A_56 = tpu.memref_slice %arg4[%add3A, %dma_wait3A_54, %dma_wait3A_55] : memref<32x80x128xi32, #tpu.memory_space<hbm>> -> memref<1x8x128xi32, #tpu.memory_space<hbm>>
      %dma_wait3A_57 = tpu.memref_squeeze %dma_wait3A_56 : memref<1x8x128xi32, #tpu.memory_space<hbm>> -> memref<8x128xi32, #tpu.memory_space<hbm>>
      tpu.wait_dma2 semaphore(%run_scoped3A_26 : memref<!tpu.dma_semaphore, #tpu.memory_space<semaphore_mem>>) src(%dma_wait3A_57 : memref<8x128xi32, #tpu.memory_space<hbm>>) dst(%dma_wait3A_53 : memref<8x128xi32, #tpu.memory_space<vmem>>)
      tpu.yield
    }) : () -> ()
    %barrier3A = arith.constant 0 : index
    tpu.barrier barrier_id(%barrier3A)
    %dma_start3A = arith.constant 0 : i32
    %dma_start3A_6 = arith.constant 0 : i32
    %dma_start3A_7 = arith.constant 0 : i32
    %dma_start3A_8 = tpu.memref_slice %arg8[%dma_start3A, %dma_start3A_6, %dma_start3A_7] : memref<2x8x128xi32, #tpu.memory_space<vmem>> -> memref<1x1x128xi32, #tpu.memory_space<vmem>>
    %dma_start3A_9 = tpu.memref_squeeze %dma_start3A_8 : memref<1x1x128xi32, #tpu.memory_space<vmem>> -> memref<128xi32, #tpu.memory_space<vmem>>
    %dma_start3A_10 = arith.constant 0 : i32
    %dma_start3A_11 = arith.constant 0 : i32
    %dma_start3A_12 = tpu.memref_slice %arg2[%dma_start3A_10, %dma_start3A_11] : memref<10000x128xf32, #tpu.memory_space<hbm>> -> memref<10000x128xf32, #tpu.memory_space<hbm>>
    tpu.enqueue_indirect_dma source(%dma_start3A_12 : memref<10000x128xf32, #tpu.memory_space<hbm>>) target(%arg10 : memref<128x128xf32, #tpu.memory_space<vmem>>) offsets(%dma_start3A_9 : memref<128xi32, #tpu.memory_space<vmem>>) semaphore(%arg13 : memref<!tpu.dma_semaphore, #tpu.memory_space<semaphore_mem>>)
    %scan3A = arith.constant 0 : i32
    %scan3A_13 = arith.constant 0 : i32
    %scan3A_14 = arith.constant 10 : i32
    %scan3A_15 = arith.addi %scan3A_13, %scan3A_14 : i32
    %scan3A_16 = arith.constant 1 : i32
    scf.for %scan3A_26 = %scan3A_13 to %scan3A_15 step %scan3A_16  : i32 {
      %jit3A = arith.constant 2 : i32
      %eq3A_27 = arith.constant 0 : i32
      %eq3A_28 = arith.cmpi eq, %jit3A, %eq3A_27 : i32
      %jit3A_29 = arith.constant 1 : i32
      %select_n3A = arith.select %eq3A_28, %jit3A_29, %jit3A : i32
      %rem3A = arith.remsi %scan3A_26, %select_n3A : i32
      %ne3A = arith.constant 0 : i32
      %ne3A_30 = arith.cmpi ne, %rem3A, %ne3A : i32
      %lt3A = arith.constant 0 : i32
      %lt3A_31 = arith.cmpi slt, %rem3A, %lt3A : i32
      %lt3A_32 = arith.constant 0 : i32
      %lt3A_33 = arith.cmpi slt, %select_n3A, %lt3A_32 : i32
      %ne3A_34 = arith.xori %lt3A_31, %lt3A_33 : i1
      %and3A = arith.andi %ne3A_34, %ne3A_30 : i1
      %add3A_35 = arith.addi %rem3A, %select_n3A : i32
      %select_n3A_36 = arith.select %and3A, %add3A_35, %rem3A : i32
      %sub3A = arith.constant 1 : i32
      %sub3A_37 = arith.subi %sub3A, %select_n3A_36 : i32
      %lt3A_38 = arith.constant 9 : i32
      %lt3A_39 = arith.cmpi slt, %scan3A_26, %lt3A_38 : i32
      %convert_element_type3A_40 = arith.extui %lt3A_39 : i1 to i32
      %cond3A_41 = arith.constant 0 : i32
      %cond3A_42 = arith.cmpi ne, %convert_element_type3A_40, %cond3A_41 : i32
      scf.if %cond3A_42 {
        %add3A_160 = arith.constant 1 : i32
        %add3A_161 = arith.addi %scan3A_26, %add3A_160 : i32
        %mul3A_162 = arith.constant 8 : i32
        %mul3A_163 = arith.muli %add3A_161, %mul3A_162 : i32
        %dma_start3A_164 = arith.constant 0 : i32
        %dma_start3A_165 = arith.constant 0 : i32
        %dma_start3A_166 = tpu.memref_slice %arg8[%sub3A_37, %dma_start3A_164, %dma_start3A_165] : memref<2x8x128xi32, #tpu.memory_space<vmem>> -> memref<1x8x128xi32, #tpu.memory_space<vmem>>
        %dma_start3A_167 = tpu.memref_squeeze %dma_start3A_166 : memref<1x8x128xi32, #tpu.memory_space<vmem>> -> memref<8x128xi32, #tpu.memory_space<vmem>>
        %dma_start3A_168 = arith.constant 0 : i32
        %dma_start3A_169 = tpu.memref_slice %arg3[%add3A, %mul3A_163, %dma_start3A_168] : memref<32x80x128xi32, #tpu.memory_space<hbm>> -> memref<1x8x128xi32, #tpu.memory_space<hbm>>
        %dma_start3A_170 = tpu.memref_squeeze %dma_start3A_169 : memref<1x8x128xi32, #tpu.memory_space<hbm>> -> memref<8x128xi32, #tpu.memory_space<hbm>>
        %dma_start3A_171 = arith.constant 0 : i32
        %dma_start3A_172 = arith.constant 0 : i32
        %dma_start3A_173 = tpu.memref_slice %arg8[%sub3A_37, %dma_start3A_171, %dma_start3A_172] : memref<2x8x128xi32, #tpu.memory_space<vmem>> -> memref<1x8x128xi32, #tpu.memory_space<vmem>>
        %dma_start3A_174 = tpu.memref_squeeze %dma_start3A_173 : memref<1x8x128xi32, #tpu.memory_space<vmem>> -> memref<8x128xi32, #tpu.memory_space<vmem>>
        %dma_start3A_175 = arith.constant 0 : i32
        %dma_start3A_176 = tpu.memref_slice %arg3[%add3A, %mul3A_163, %dma_start3A_175] : memref<32x80x128xi32, #tpu.memory_space<hbm>> -> memref<1x8x128xi32, #tpu.memory_space<hbm>>
        %dma_start3A_177 = tpu.memref_squeeze %dma_start3A_176 : memref<1x8x128xi32, #tpu.memory_space<hbm>> -> memref<8x128xi32, #tpu.memory_space<hbm>>
        tpu.enqueue_dma source(%dma_start3A_177 : memref<8x128xi32, #tpu.memory_space<hbm>>) target(%dma_start3A_174 : memref<8x128xi32, #tpu.memory_space<vmem>>) target_semaphore(%arg15 : memref<!tpu.dma_semaphore, #tpu.memory_space<semaphore_mem>>)
        %add3A_178 = arith.constant 1 : i32
        %add3A_179 = arith.addi %scan3A_26, %add3A_178 : i32
        %mul3A_180 = arith.constant 8 : i32
        %mul3A_181 = arith.muli %add3A_179, %mul3A_180 : i32
        %dma_start3A_182 = arith.constant 0 : i32
        %dma_start3A_183 = arith.constant 0 : i32
        %dma_start3A_184 = tpu.memref_slice %arg9[%sub3A_37, %dma_start3A_182, %dma_start3A_183] : memref<2x8x128xi32, #tpu.memory_space<vmem>> -> memref<1x8x128xi32, #tpu.memory_space<vmem>>
        %dma_start3A_185 = tpu.memref_squeeze %dma_start3A_184 : memref<1x8x128xi32, #tpu.memory_space<vmem>> -> memref<8x128xi32, #tpu.memory_space<vmem>>
        %dma_start3A_186 = arith.constant 0 : i32
        %dma_start3A_187 = tpu.memref_slice %arg4[%add3A, %mul3A_181, %dma_start3A_186] : memref<32x80x128xi32, #tpu.memory_space<hbm>> -> memref<1x8x128xi32, #tpu.memory_space<hbm>>
        %dma_start3A_188 = tpu.memref_squeeze %dma_start3A_187 : memref<1x8x128xi32, #tpu.memory_space<hbm>> -> memref<8x128xi32, #tpu.memory_space<hbm>>
        %dma_start3A_189 = arith.constant 0 : i32
        %dma_start3A_190 = arith.constant 0 : i32
        %dma_start3A_191 = tpu.memref_slice %arg9[%sub3A_37, %dma_start3A_189, %dma_start3A_190] : memref<2x8x128xi32, #tpu.memory_space<vmem>> -> memref<1x8x128xi32, #tpu.memory_space<vmem>>
        %dma_start3A_192 = tpu.memref_squeeze %dma_start3A_191 : memref<1x8x128xi32, #tpu.memory_space<vmem>> -> memref<8x128xi32, #tpu.memory_space<vmem>>
        %dma_start3A_193 = arith.constant 0 : i32
        %dma_start3A_194 = tpu.memref_slice %arg4[%add3A, %mul3A_181, %dma_start3A_193] : memref<32x80x128xi32, #tpu.memory_space<hbm>> -> memref<1x8x128xi32, #tpu.memory_space<hbm>>
        %dma_start3A_195 = tpu.memref_squeeze %dma_start3A_194 : memref<1x8x128xi32, #tpu.memory_space<hbm>> -> memref<8x128xi32, #tpu.memory_space<hbm>>
        tpu.enqueue_dma source(%dma_start3A_195 : memref<8x128xi32, #tpu.memory_space<hbm>>) target(%dma_start3A_192 : memref<8x128xi32, #tpu.memory_space<vmem>>) target_semaphore(%arg16 : memref<!tpu.dma_semaphore, #tpu.memory_space<semaphore_mem>>)
      } else {
      }
      %dma_wait3A = arith.constant 0 : i32
      %dma_wait3A_43 = arith.constant 0 : i32
      %dma_wait3A_44 = tpu.memref_slice %arg8[%select_n3A_36, %dma_wait3A, %dma_wait3A_43] : memref<2x8x128xi32, #tpu.memory_space<vmem>> -> memref<1x1x128xi32, #tpu.memory_space<vmem>>
      %dma_wait3A_45 = tpu.memref_squeeze %dma_wait3A_44 : memref<1x1x128xi32, #tpu.memory_space<vmem>> -> memref<128xi32, #tpu.memory_space<vmem>>
      %dma_wait3A_46 = arith.constant 0 : i32
      %dma_wait3A_47 = arith.constant 0 : i32
      %dma_wait3A_48 = tpu.memref_slice %arg2[%dma_wait3A_46, %dma_wait3A_47] : memref<10000x128xf32, #tpu.memory_space<hbm>> -> memref<10000x128xf32, #tpu.memory_space<hbm>>
      tpu.wait_indirect_dma semaphore(%arg13 : memref<!tpu.dma_semaphore, #tpu.memory_space<semaphore_mem>>) src(%dma_wait3A_48 : memref<10000x128xf32, #tpu.memory_space<hbm>>) dst(%arg10 : memref<128x128xf32, #tpu.memory_space<vmem>>)
      %dma_start3A_49 = arith.constant 1 : i32
      %dma_start3A_50 = arith.constant 0 : i32
      %dma_start3A_51 = tpu.memref_slice %arg8[%select_n3A_36, %dma_start3A_49, %dma_start3A_50] : memref<2x8x128xi32, #tpu.memory_space<vmem>> -> memref<1x1x128xi32, #tpu.memory_space<vmem>>
      %dma_start3A_52 = tpu.memref_squeeze %dma_start3A_51 : memref<1x1x128xi32, #tpu.memory_space<vmem>> -> memref<128xi32, #tpu.memory_space<vmem>>
      %dma_start3A_53 = arith.constant 0 : i32
      %dma_start3A_54 = arith.constant 0 : i32
      %dma_start3A_55 = tpu.memref_slice %arg2[%dma_start3A_53, %dma_start3A_54] : memref<10000x128xf32, #tpu.memory_space<hbm>> -> memref<10000x128xf32, #tpu.memory_space<hbm>>
      tpu.enqueue_indirect_dma source(%dma_start3A_55 : memref<10000x128xf32, #tpu.memory_space<hbm>>) target(%arg11 : memref<128x128xf32, #tpu.memory_space<vmem>>) offsets(%dma_start3A_52 : memref<128xi32, #tpu.memory_space<vmem>>) semaphore(%arg14 : memref<!tpu.dma_semaphore, #tpu.memory_space<semaphore_mem>>)
      %run_scoped3A_56 = arith.constant 0 : i32
      "tpu.region"() ({
        %run_scoped3A_160 = tpu.sem_alloc : memref<!tpu.dma_semaphore, #tpu.memory_space<semaphore_mem>>
        %dma_start3A_161 = arith.constant 0 : i32
        %dma_start3A_162 = tpu.memref_slice %arg9[%select_n3A_36, %run_scoped3A_56, %dma_start3A_161] : memref<2x8x128xi32, #tpu.memory_space<vmem>> -> memref<1x1x128xi32, #tpu.memory_space<vmem>>
        %dma_start3A_163 = tpu.memref_squeeze %dma_start3A_162 : memref<1x1x128xi32, #tpu.memory_space<vmem>> -> memref<128xi32, #tpu.memory_space<vmem>>
        %dma_start3A_164 = arith.constant 0 : i32
        %dma_start3A_165 = arith.constant 0 : i32
        %dma_start3A_166 = tpu.memref_slice %arg12[%dma_start3A_164, %dma_start3A_165] : memref<10240x128xf32, #tpu.memory_space<vmem_shared>> -> memref<10240x128xf32, #tpu.memory_space<vmem_shared>>
        tpu.enqueue_indirect_dma source(%arg10 : memref<128x128xf32, #tpu.memory_space<vmem>>) target(%dma_start3A_166 : memref<10240x128xf32, #tpu.memory_space<vmem_shared>>) offsets(%dma_start3A_163 : memref<128xi32, #tpu.memory_space<vmem>>) semaphore(%run_scoped3A_160 : memref<!tpu.dma_semaphore, #tpu.memory_space<semaphore_mem>>) {add = true}
        %dma_wait3A_167 = arith.constant 0 : i32
        %dma_wait3A_168 = tpu.memref_slice %arg9[%select_n3A_36, %run_scoped3A_56, %dma_wait3A_167] : memref<2x8x128xi32, #tpu.memory_space<vmem>> -> memref<1x1x128xi32, #tpu.memory_space<vmem>>
        %dma_wait3A_169 = tpu.memref_squeeze %dma_wait3A_168 : memref<1x1x128xi32, #tpu.memory_space<vmem>> -> memref<128xi32, #tpu.memory_space<vmem>>
        %dma_wait3A_170 = arith.constant 0 : i32
        %dma_wait3A_171 = arith.constant 0 : i32
        %dma_wait3A_172 = tpu.memref_slice %arg12[%dma_wait3A_170, %dma_wait3A_171] : memref<10240x128xf32, #tpu.memory_space<vmem_shared>> -> memref<10240x128xf32, #tpu.memory_space<vmem_shared>>
        tpu.wait_indirect_dma semaphore(%run_scoped3A_160 : memref<!tpu.dma_semaphore, #tpu.memory_space<semaphore_mem>>) src(%arg10 : memref<128x128xf32, #tpu.memory_space<vmem>>) dst(%dma_wait3A_172 : memref<10240x128xf32, #tpu.memory_space<vmem_shared>>)
        tpu.yield
      }) : () -> ()
      %dma_wait3A_57 = arith.constant 1 : i32
      %dma_wait3A_58 = arith.constant 0 : i32
      %dma_wait3A_59 = tpu.memref_slice %arg8[%select_n3A_36, %dma_wait3A_57, %dma_wait3A_58] : memref<2x8x128xi32, #tpu.memory_space<vmem>> -> memref<1x1x128xi32, #tpu.memory_space<vmem>>
      %dma_wait3A_60 = tpu.memref_squeeze %dma_wait3A_59 : memref<1x1x128xi32, #tpu.memory_space<vmem>> -> memref<128xi32, #tpu.memory_space<vmem>>
      %dma_wait3A_61 = arith.constant 0 : i32
      %dma_wait3A_62 = arith.constant 0 : i32
      %dma_wait3A_63 = tpu.memref_slice %arg2[%dma_wait3A_61, %dma_wait3A_62] : memref<10000x128xf32, #tpu.memory_space<hbm>> -> memref<10000x128xf32, #tpu.memory_space<hbm>>
      tpu.wait_indirect_dma semaphore(%arg14 : memref<!tpu.dma_semaphore, #tpu.memory_space<semaphore_mem>>) src(%dma_wait3A_63 : memref<10000x128xf32, #tpu.memory_space<hbm>>) dst(%arg11 : memref<128x128xf32, #tpu.memory_space<vmem>>)
      %dma_start3A_64 = arith.constant 2 : i32
      %dma_start3A_65 = arith.constant 0 : i32
      %dma_start3A_66 = tpu.memref_slice %arg8[%select_n3A_36, %dma_start3A_64, %dma_start3A_65] : memref<2x8x128xi32, #tpu.memory_space<vmem>> -> memref<1x1x128xi32, #tpu.memory_space<vmem>>
      %dma_start3A_67 = tpu.memref_squeeze %dma_start3A_66 : memref<1x1x128xi32, #tpu.memory_space<vmem>> -> memref<128xi32, #tpu.memory_space<vmem>>
      %dma_start3A_68 = arith.constant 0 : i32
      %dma_start3A_69 = arith.constant 0 : i32
      %dma_start3A_70 = tpu.memref_slice %arg2[%dma_start3A_68, %dma_start3A_69] : memref<10000x128xf32, #tpu.memory_space<hbm>> -> memref<10000x128xf32, #tpu.memory_space<hbm>>
      tpu.enqueue_indirect_dma source(%dma_start3A_70 : memref<10000x128xf32, #tpu.memory_space<hbm>>) target(%arg10 : memref<128x128xf32, #tpu.memory_space<vmem>>) offsets(%dma_start3A_67 : memref<128xi32, #tpu.memory_space<vmem>>) semaphore(%arg13 : memref<!tpu.dma_semaphore, #tpu.memory_space<semaphore_mem>>)
      %run_scoped3A_71 = arith.constant 1 : i32
      "tpu.region"() ({
        %run_scoped3A_160 = tpu.sem_alloc : memref<!tpu.dma_semaphore, #tpu.memory_space<semaphore_mem>>
        %dma_start3A_161 = arith.constant 0 : i32
        %dma_start3A_162 = tpu.memref_slice %arg9[%select_n3A_36, %run_scoped3A_71, %dma_start3A_161] : memref<2x8x128xi32, #tpu.memory_space<vmem>> -> memref<1x1x128xi32, #tpu.memory_space<vmem>>
        %dma_start3A_163 = tpu.memref_squeeze %dma_start3A_162 : memref<1x1x128xi32, #tpu.memory_space<vmem>> -> memref<128xi32, #tpu.memory_space<vmem>>
        %dma_start3A_164 = arith.constant 0 : i32
        %dma_start3A_165 = arith.constant 0 : i32
        %dma_start3A_166 = tpu.memref_slice %arg12[%dma_start3A_164, %dma_start3A_165] : memref<10240x128xf32, #tpu.memory_space<vmem_shared>> -> memref<10240x128xf32, #tpu.memory_space<vmem_shared>>
        tpu.enqueue_indirect_dma source(%arg11 : memref<128x128xf32, #tpu.memory_space<vmem>>) target(%dma_start3A_166 : memref<10240x128xf32, #tpu.memory_space<vmem_shared>>) offsets(%dma_start3A_163 : memref<128xi32, #tpu.memory_space<vmem>>) semaphore(%run_scoped3A_160 : memref<!tpu.dma_semaphore, #tpu.memory_space<semaphore_mem>>) {add = true}
        %dma_wait3A_167 = arith.constant 0 : i32
        %dma_wait3A_168 = tpu.memref_slice %arg9[%select_n3A_36, %run_scoped3A_71, %dma_wait3A_167] : memref<2x8x128xi32, #tpu.memory_space<vmem>> -> memref<1x1x128xi32, #tpu.memory_space<vmem>>
        %dma_wait3A_169 = tpu.memref_squeeze %dma_wait3A_168 : memref<1x1x128xi32, #tpu.memory_space<vmem>> -> memref<128xi32, #tpu.memory_space<vmem>>
        %dma_wait3A_170 = arith.constant 0 : i32
        %dma_wait3A_171 = arith.constant 0 : i32
        %dma_wait3A_172 = tpu.memref_slice %arg12[%dma_wait3A_170, %dma_wait3A_171] : memref<10240x128xf32, #tpu.memory_space<vmem_shared>> -> memref<10240x128xf32, #tpu.memory_space<vmem_shared>>
        tpu.wait_indirect_dma semaphore(%run_scoped3A_160 : memref<!tpu.dma_semaphore, #tpu.memory_space<semaphore_mem>>) src(%arg11 : memref<128x128xf32, #tpu.memory_space<vmem>>) dst(%dma_wait3A_172 : memref<10240x128xf32, #tpu.memory_space<vmem_shared>>)
        tpu.yield
      }) : () -> ()
      %dma_wait3A_72 = arith.constant 2 : i32
      %dma_wait3A_73 = arith.constant 0 : i32
      %dma_wait3A_74 = tpu.memref_slice %arg8[%select_n3A_36, %dma_wait3A_72, %dma_wait3A_73] : memref<2x8x128xi32, #tpu.memory_space<vmem>> -> memref<1x1x128xi32, #tpu.memory_space<vmem>>
      %dma_wait3A_75 = tpu.memref_squeeze %dma_wait3A_74 : memref<1x1x128xi32, #tpu.memory_space<vmem>> -> memref<128xi32, #tpu.memory_space<vmem>>
      %dma_wait3A_76 = arith.constant 0 : i32
      %dma_wait3A_77 = arith.constant 0 : i32
      %dma_wait3A_78 = tpu.memref_slice %arg2[%dma_wait3A_76, %dma_wait3A_77] : memref<10000x128xf32, #tpu.memory_space<hbm>> -> memref<10000x128xf32, #tpu.memory_space<hbm>>
      tpu.wait_indirect_dma semaphore(%arg13 : memref<!tpu.dma_semaphore, #tpu.memory_space<semaphore_mem>>) src(%dma_wait3A_78 : memref<10000x128xf32, #tpu.memory_space<hbm>>) dst(%arg10 : memref<128x128xf32, #tpu.memory_space<vmem>>)
      %dma_start3A_79 = arith.constant 3 : i32
      %dma_start3A_80 = arith.constant 0 : i32
      %dma_start3A_81 = tpu.memref_slice %arg8[%select_n3A_36, %dma_start3A_79, %dma_start3A_80] : memref<2x8x128xi32, #tpu.memory_space<vmem>> -> memref<1x1x128xi32, #tpu.memory_space<vmem>>
      %dma_start3A_82 = tpu.memref_squeeze %dma_start3A_81 : memref<1x1x128xi32, #tpu.memory_space<vmem>> -> memref<128xi32, #tpu.memory_space<vmem>>
      %dma_start3A_83 = arith.constant 0 : i32
      %dma_start3A_84 = arith.constant 0 : i32
      %dma_start3A_85 = tpu.memref_slice %arg2[%dma_start3A_83, %dma_start3A_84] : memref<10000x128xf32, #tpu.memory_space<hbm>> -> memref<10000x128xf32, #tpu.memory_space<hbm>>
      tpu.enqueue_indirect_dma source(%dma_start3A_85 : memref<10000x128xf32, #tpu.memory_space<hbm>>) target(%arg11 : memref<128x128xf32, #tpu.memory_space<vmem>>) offsets(%dma_start3A_82 : memref<128xi32, #tpu.memory_space<vmem>>) semaphore(%arg14 : memref<!tpu.dma_semaphore, #tpu.memory_space<semaphore_mem>>)
      %run_scoped3A_86 = arith.constant 2 : i32
      "tpu.region"() ({
        %run_scoped3A_160 = tpu.sem_alloc : memref<!tpu.dma_semaphore, #tpu.memory_space<semaphore_mem>>
        %dma_start3A_161 = arith.constant 0 : i32
        %dma_start3A_162 = tpu.memref_slice %arg9[%select_n3A_36, %run_scoped3A_86, %dma_start3A_161] : memref<2x8x128xi32, #tpu.memory_space<vmem>> -> memref<1x1x128xi32, #tpu.memory_space<vmem>>
        %dma_start3A_163 = tpu.memref_squeeze %dma_start3A_162 : memref<1x1x128xi32, #tpu.memory_space<vmem>> -> memref<128xi32, #tpu.memory_space<vmem>>
        %dma_start3A_164 = arith.constant 0 : i32
        %dma_start3A_165 = arith.constant 0 : i32
        %dma_start3A_166 = tpu.memref_slice %arg12[%dma_start3A_164, %dma_start3A_165] : memref<10240x128xf32, #tpu.memory_space<vmem_shared>> -> memref<10240x128xf32, #tpu.memory_space<vmem_shared>>
        tpu.enqueue_indirect_dma source(%arg10 : memref<128x128xf32, #tpu.memory_space<vmem>>) target(%dma_start3A_166 : memref<10240x128xf32, #tpu.memory_space<vmem_shared>>) offsets(%dma_start3A_163 : memref<128xi32, #tpu.memory_space<vmem>>) semaphore(%run_scoped3A_160 : memref<!tpu.dma_semaphore, #tpu.memory_space<semaphore_mem>>) {add = true}
        %dma_wait3A_167 = arith.constant 0 : i32
        %dma_wait3A_168 = tpu.memref_slice %arg9[%select_n3A_36, %run_scoped3A_86, %dma_wait3A_167] : memref<2x8x128xi32, #tpu.memory_space<vmem>> -> memref<1x1x128xi32, #tpu.memory_space<vmem>>
        %dma_wait3A_169 = tpu.memref_squeeze %dma_wait3A_168 : memref<1x1x128xi32, #tpu.memory_space<vmem>> -> memref<128xi32, #tpu.memory_space<vmem>>
        %dma_wait3A_170 = arith.constant 0 : i32
        %dma_wait3A_171 = arith.constant 0 : i32
        %dma_wait3A_172 = tpu.memref_slice %arg12[%dma_wait3A_170, %dma_wait3A_171] : memref<10240x128xf32, #tpu.memory_space<vmem_shared>> -> memref<10240x128xf32, #tpu.memory_space<vmem_shared>>
        tpu.wait_indirect_dma semaphore(%run_scoped3A_160 : memref<!tpu.dma_semaphore, #tpu.memory_space<semaphore_mem>>) src(%arg10 : memref<128x128xf32, #tpu.memory_space<vmem>>) dst(%dma_wait3A_172 : memref<10240x128xf32, #tpu.memory_space<vmem_shared>>)
        tpu.yield
      }) : () -> ()
      %dma_wait3A_87 = arith.constant 3 : i32
      %dma_wait3A_88 = arith.constant 0 : i32
      %dma_wait3A_89 = tpu.memref_slice %arg8[%select_n3A_36, %dma_wait3A_87, %dma_wait3A_88] : memref<2x8x128xi32, #tpu.memory_space<vmem>> -> memref<1x1x128xi32, #tpu.memory_space<vmem>>
      %dma_wait3A_90 = tpu.memref_squeeze %dma_wait3A_89 : memref<1x1x128xi32, #tpu.memory_space<vmem>> -> memref<128xi32, #tpu.memory_space<vmem>>
      %dma_wait3A_91 = arith.constant 0 : i32
      %dma_wait3A_92 = arith.constant 0 : i32
      %dma_wait3A_93 = tpu.memref_slice %arg2[%dma_wait3A_91, %dma_wait3A_92] : memref<10000x128xf32, #tpu.memory_space<hbm>> -> memref<10000x128xf32, #tpu.memory_space<hbm>>
      tpu.wait_indirect_dma semaphore(%arg14 : memref<!tpu.dma_semaphore, #tpu.memory_space<semaphore_mem>>) src(%dma_wait3A_93 : memref<10000x128xf32, #tpu.memory_space<hbm>>) dst(%arg11 : memref<128x128xf32, #tpu.memory_space<vmem>>)
      %dma_start3A_94 = arith.constant 4 : i32
      %dma_start3A_95 = arith.constant 0 : i32
      %dma_start3A_96 = tpu.memref_slice %arg8[%select_n3A_36, %dma_start3A_94, %dma_start3A_95] : memref<2x8x128xi32, #tpu.memory_space<vmem>> -> memref<1x1x128xi32, #tpu.memory_space<vmem>>
      %dma_start3A_97 = tpu.memref_squeeze %dma_start3A_96 : memref<1x1x128xi32, #tpu.memory_space<vmem>> -> memref<128xi32, #tpu.memory_space<vmem>>
      %dma_start3A_98 = arith.constant 0 : i32
      %dma_start3A_99 = arith.constant 0 : i32
      %dma_start3A_100 = tpu.memref_slice %arg2[%dma_start3A_98, %dma_start3A_99] : memref<10000x128xf32, #tpu.memory_space<hbm>> -> memref<10000x128xf32, #tpu.memory_space<hbm>>
      tpu.enqueue_indirect_dma source(%dma_start3A_100 : memref<10000x128xf32, #tpu.memory_space<hbm>>) target(%arg10 : memref<128x128xf32, #tpu.memory_space<vmem>>) offsets(%dma_start3A_97 : memref<128xi32, #tpu.memory_space<vmem>>) semaphore(%arg13 : memref<!tpu.dma_semaphore, #tpu.memory_space<semaphore_mem>>)
      %run_scoped3A_101 = arith.constant 3 : i32
      "tpu.region"() ({
        %run_scoped3A_160 = tpu.sem_alloc : memref<!tpu.dma_semaphore, #tpu.memory_space<semaphore_mem>>
        %dma_start3A_161 = arith.constant 0 : i32
        %dma_start3A_162 = tpu.memref_slice %arg9[%select_n3A_36, %run_scoped3A_101, %dma_start3A_161] : memref<2x8x128xi32, #tpu.memory_space<vmem>> -> memref<1x1x128xi32, #tpu.memory_space<vmem>>
        %dma_start3A_163 = tpu.memref_squeeze %dma_start3A_162 : memref<1x1x128xi32, #tpu.memory_space<vmem>> -> memref<128xi32, #tpu.memory_space<vmem>>
        %dma_start3A_164 = arith.constant 0 : i32
        %dma_start3A_165 = arith.constant 0 : i32
        %dma_start3A_166 = tpu.memref_slice %arg12[%dma_start3A_164, %dma_start3A_165] : memref<10240x128xf32, #tpu.memory_space<vmem_shared>> -> memref<10240x128xf32, #tpu.memory_space<vmem_shared>>
        tpu.enqueue_indirect_dma source(%arg11 : memref<128x128xf32, #tpu.memory_space<vmem>>) target(%dma_start3A_166 : memref<10240x128xf32, #tpu.memory_space<vmem_shared>>) offsets(%dma_start3A_163 : memref<128xi32, #tpu.memory_space<vmem>>) semaphore(%run_scoped3A_160 : memref<!tpu.dma_semaphore, #tpu.memory_space<semaphore_mem>>) {add = true}
        %dma_wait3A_167 = arith.constant 0 : i32
        %dma_wait3A_168 = tpu.memref_slice %arg9[%select_n3A_36, %run_scoped3A_101, %dma_wait3A_167] : memref<2x8x128xi32, #tpu.memory_space<vmem>> -> memref<1x1x128xi32, #tpu.memory_space<vmem>>
        %dma_wait3A_169 = tpu.memref_squeeze %dma_wait3A_168 : memref<1x1x128xi32, #tpu.memory_space<vmem>> -> memref<128xi32, #tpu.memory_space<vmem>>
        %dma_wait3A_170 = arith.constant 0 : i32
        %dma_wait3A_171 = arith.constant 0 : i32
        %dma_wait3A_172 = tpu.memref_slice %arg12[%dma_wait3A_170, %dma_wait3A_171] : memref<10240x128xf32, #tpu.memory_space<vmem_shared>> -> memref<10240x128xf32, #tpu.memory_space<vmem_shared>>
        tpu.wait_indirect_dma semaphore(%run_scoped3A_160 : memref<!tpu.dma_semaphore, #tpu.memory_space<semaphore_mem>>) src(%arg11 : memref<128x128xf32, #tpu.memory_space<vmem>>) dst(%dma_wait3A_172 : memref<10240x128xf32, #tpu.memory_space<vmem_shared>>)
        tpu.yield
      }) : () -> ()
      %dma_wait3A_102 = arith.constant 4 : i32
      %dma_wait3A_103 = arith.constant 0 : i32
      %dma_wait3A_104 = tpu.memref_slice %arg8[%select_n3A_36, %dma_wait3A_102, %dma_wait3A_103] : memref<2x8x128xi32, #tpu.memory_space<vmem>> -> memref<1x1x128xi32, #tpu.memory_space<vmem>>
      %dma_wait3A_105 = tpu.memref_squeeze %dma_wait3A_104 : memref<1x1x128xi32, #tpu.memory_space<vmem>> -> memref<128xi32, #tpu.memory_space<vmem>>
      %dma_wait3A_106 = arith.constant 0 : i32
      %dma_wait3A_107 = arith.constant 0 : i32
      %dma_wait3A_108 = tpu.memref_slice %arg2[%dma_wait3A_106, %dma_wait3A_107] : memref<10000x128xf32, #tpu.memory_space<hbm>> -> memref<10000x128xf32, #tpu.memory_space<hbm>>
      tpu.wait_indirect_dma semaphore(%arg13 : memref<!tpu.dma_semaphore, #tpu.memory_space<semaphore_mem>>) src(%dma_wait3A_108 : memref<10000x128xf32, #tpu.memory_space<hbm>>) dst(%arg10 : memref<128x128xf32, #tpu.memory_space<vmem>>)
      %dma_start3A_109 = arith.constant 5 : i32
      %dma_start3A_110 = arith.constant 0 : i32
      %dma_start3A_111 = tpu.memref_slice %arg8[%select_n3A_36, %dma_start3A_109, %dma_start3A_110] : memref<2x8x128xi32, #tpu.memory_space<vmem>> -> memref<1x1x128xi32, #tpu.memory_space<vmem>>
      %dma_start3A_112 = tpu.memref_squeeze %dma_start3A_111 : memref<1x1x128xi32, #tpu.memory_space<vmem>> -> memref<128xi32, #tpu.memory_space<vmem>>
      %dma_start3A_113 = arith.constant 0 : i32
      %dma_start3A_114 = arith.constant 0 : i32
      %dma_start3A_115 = tpu.memref_slice %arg2[%dma_start3A_113, %dma_start3A_114] : memref<10000x128xf32, #tpu.memory_space<hbm>> -> memref<10000x128xf32, #tpu.memory_space<hbm>>
      tpu.enqueue_indirect_dma source(%dma_start3A_115 : memref<10000x128xf32, #tpu.memory_space<hbm>>) target(%arg11 : memref<128x128xf32, #tpu.memory_space<vmem>>) offsets(%dma_start3A_112 : memref<128xi32, #tpu.memory_space<vmem>>) semaphore(%arg14 : memref<!tpu.dma_semaphore, #tpu.memory_space<semaphore_mem>>)
      %run_scoped3A_116 = arith.constant 4 : i32
      "tpu.region"() ({
        %run_scoped3A_160 = tpu.sem_alloc : memref<!tpu.dma_semaphore, #tpu.memory_space<semaphore_mem>>
        %dma_start3A_161 = arith.constant 0 : i32
        %dma_start3A_162 = tpu.memref_slice %arg9[%select_n3A_36, %run_scoped3A_116, %dma_start3A_161] : memref<2x8x128xi32, #tpu.memory_space<vmem>> -> memref<1x1x128xi32, #tpu.memory_space<vmem>>
        %dma_start3A_163 = tpu.memref_squeeze %dma_start3A_162 : memref<1x1x128xi32, #tpu.memory_space<vmem>> -> memref<128xi32, #tpu.memory_space<vmem>>
        %dma_start3A_164 = arith.constant 0 : i32
        %dma_start3A_165 = arith.constant 0 : i32
        %dma_start3A_166 = tpu.memref_slice %arg12[%dma_start3A_164, %dma_start3A_165] : memref<10240x128xf32, #tpu.memory_space<vmem_shared>> -> memref<10240x128xf32, #tpu.memory_space<vmem_shared>>
        tpu.enqueue_indirect_dma source(%arg10 : memref<128x128xf32, #tpu.memory_space<vmem>>) target(%dma_start3A_166 : memref<10240x128xf32, #tpu.memory_space<vmem_shared>>) offsets(%dma_start3A_163 : memref<128xi32, #tpu.memory_space<vmem>>) semaphore(%run_scoped3A_160 : memref<!tpu.dma_semaphore, #tpu.memory_space<semaphore_mem>>) {add = true}
        %dma_wait3A_167 = arith.constant 0 : i32
        %dma_wait3A_168 = tpu.memref_slice %arg9[%select_n3A_36, %run_scoped3A_116, %dma_wait3A_167] : memref<2x8x128xi32, #tpu.memory_space<vmem>> -> memref<1x1x128xi32, #tpu.memory_space<vmem>>
        %dma_wait3A_169 = tpu.memref_squeeze %dma_wait3A_168 : memref<1x1x128xi32, #tpu.memory_space<vmem>> -> memref<128xi32, #tpu.memory_space<vmem>>
        %dma_wait3A_170 = arith.constant 0 : i32
        %dma_wait3A_171 = arith.constant 0 : i32
        %dma_wait3A_172 = tpu.memref_slice %arg12[%dma_wait3A_170, %dma_wait3A_171] : memref<10240x128xf32, #tpu.memory_space<vmem_shared>> -> memref<10240x128xf32, #tpu.memory_space<vmem_shared>>
        tpu.wait_indirect_dma semaphore(%run_scoped3A_160 : memref<!tpu.dma_semaphore, #tpu.memory_space<semaphore_mem>>) src(%arg10 : memref<128x128xf32, #tpu.memory_space<vmem>>) dst(%dma_wait3A_172 : memref<10240x128xf32, #tpu.memory_space<vmem_shared>>)
        tpu.yield
      }) : () -> ()
      %dma_wait3A_117 = arith.constant 5 : i32
      %dma_wait3A_118 = arith.constant 0 : i32
      %dma_wait3A_119 = tpu.memref_slice %arg8[%select_n3A_36, %dma_wait3A_117, %dma_wait3A_118] : memref<2x8x128xi32, #tpu.memory_space<vmem>> -> memref<1x1x128xi32, #tpu.memory_space<vmem>>
      %dma_wait3A_120 = tpu.memref_squeeze %dma_wait3A_119 : memref<1x1x128xi32, #tpu.memory_space<vmem>> -> memref<128xi32, #tpu.memory_space<vmem>>
      %dma_wait3A_121 = arith.constant 0 : i32
      %dma_wait3A_122 = arith.constant 0 : i32
      %dma_wait3A_123 = tpu.memref_slice %arg2[%dma_wait3A_121, %dma_wait3A_122] : memref<10000x128xf32, #tpu.memory_space<hbm>> -> memref<10000x128xf32, #tpu.memory_space<hbm>>
      tpu.wait_indirect_dma semaphore(%arg14 : memref<!tpu.dma_semaphore, #tpu.memory_space<semaphore_mem>>) src(%dma_wait3A_123 : memref<10000x128xf32, #tpu.memory_space<hbm>>) dst(%arg11 : memref<128x128xf32, #tpu.memory_space<vmem>>)
      %dma_start3A_124 = arith.constant 6 : i32
      %dma_start3A_125 = arith.constant 0 : i32
      %dma_start3A_126 = tpu.memref_slice %arg8[%select_n3A_36, %dma_start3A_124, %dma_start3A_125] : memref<2x8x128xi32, #tpu.memory_space<vmem>> -> memref<1x1x128xi32, #tpu.memory_space<vmem>>
      %dma_start3A_127 = tpu.memref_squeeze %dma_start3A_126 : memref<1x1x128xi32, #tpu.memory_space<vmem>> -> memref<128xi32, #tpu.memory_space<vmem>>
      %dma_start3A_128 = arith.constant 0 : i32
      %dma_start3A_129 = arith.constant 0 : i32
      %dma_start3A_130 = tpu.memref_slice %arg2[%dma_start3A_128, %dma_start3A_129] : memref<10000x128xf32, #tpu.memory_space<hbm>> -> memref<10000x128xf32, #tpu.memory_space<hbm>>
      tpu.enqueue_indirect_dma source(%dma_start3A_130 : memref<10000x128xf32, #tpu.memory_space<hbm>>) target(%arg10 : memref<128x128xf32, #tpu.memory_space<vmem>>) offsets(%dma_start3A_127 : memref<128xi32, #tpu.memory_space<vmem>>) semaphore(%arg13 : memref<!tpu.dma_semaphore, #tpu.memory_space<semaphore_mem>>)
      %run_scoped3A_131 = arith.constant 5 : i32
      "tpu.region"() ({
        %run_scoped3A_160 = tpu.sem_alloc : memref<!tpu.dma_semaphore, #tpu.memory_space<semaphore_mem>>
        %dma_start3A_161 = arith.constant 0 : i32
        %dma_start3A_162 = tpu.memref_slice %arg9[%select_n3A_36, %run_scoped3A_131, %dma_start3A_161] : memref<2x8x128xi32, #tpu.memory_space<vmem>> -> memref<1x1x128xi32, #tpu.memory_space<vmem>>
        %dma_start3A_163 = tpu.memref_squeeze %dma_start3A_162 : memref<1x1x128xi32, #tpu.memory_space<vmem>> -> memref<128xi32, #tpu.memory_space<vmem>>
        %dma_start3A_164 = arith.constant 0 : i32
        %dma_start3A_165 = arith.constant 0 : i32
        %dma_start3A_166 = tpu.memref_slice %arg12[%dma_start3A_164, %dma_start3A_165] : memref<10240x128xf32, #tpu.memory_space<vmem_shared>> -> memref<10240x128xf32, #tpu.memory_space<vmem_shared>>
        tpu.enqueue_indirect_dma source(%arg11 : memref<128x128xf32, #tpu.memory_space<vmem>>) target(%dma_start3A_166 : memref<10240x128xf32, #tpu.memory_space<vmem_shared>>) offsets(%dma_start3A_163 : memref<128xi32, #tpu.memory_space<vmem>>) semaphore(%run_scoped3A_160 : memref<!tpu.dma_semaphore, #tpu.memory_space<semaphore_mem>>) {add = true}
        %dma_wait3A_167 = arith.constant 0 : i32
        %dma_wait3A_168 = tpu.memref_slice %arg9[%select_n3A_36, %run_scoped3A_131, %dma_wait3A_167] : memref<2x8x128xi32, #tpu.memory_space<vmem>> -> memref<1x1x128xi32, #tpu.memory_space<vmem>>
        %dma_wait3A_169 = tpu.memref_squeeze %dma_wait3A_168 : memref<1x1x128xi32, #tpu.memory_space<vmem>> -> memref<128xi32, #tpu.memory_space<vmem>>
        %dma_wait3A_170 = arith.constant 0 : i32
        %dma_wait3A_171 = arith.constant 0 : i32
        %dma_wait3A_172 = tpu.memref_slice %arg12[%dma_wait3A_170, %dma_wait3A_171] : memref<10240x128xf32, #tpu.memory_space<vmem_shared>> -> memref<10240x128xf32, #tpu.memory_space<vmem_shared>>
        tpu.wait_indirect_dma semaphore(%run_scoped3A_160 : memref<!tpu.dma_semaphore, #tpu.memory_space<semaphore_mem>>) src(%arg11 : memref<128x128xf32, #tpu.memory_space<vmem>>) dst(%dma_wait3A_172 : memref<10240x128xf32, #tpu.memory_space<vmem_shared>>)
        tpu.yield
      }) : () -> ()
      %dma_wait3A_132 = arith.constant 6 : i32
      %dma_wait3A_133 = arith.constant 0 : i32
      %dma_wait3A_134 = tpu.memref_slice %arg8[%select_n3A_36, %dma_wait3A_132, %dma_wait3A_133] : memref<2x8x128xi32, #tpu.memory_space<vmem>> -> memref<1x1x128xi32, #tpu.memory_space<vmem>>
      %dma_wait3A_135 = tpu.memref_squeeze %dma_wait3A_134 : memref<1x1x128xi32, #tpu.memory_space<vmem>> -> memref<128xi32, #tpu.memory_space<vmem>>
      %dma_wait3A_136 = arith.constant 0 : i32
      %dma_wait3A_137 = arith.constant 0 : i32
      %dma_wait3A_138 = tpu.memref_slice %arg2[%dma_wait3A_136, %dma_wait3A_137] : memref<10000x128xf32, #tpu.memory_space<hbm>> -> memref<10000x128xf32, #tpu.memory_space<hbm>>
      tpu.wait_indirect_dma semaphore(%arg13 : memref<!tpu.dma_semaphore, #tpu.memory_space<semaphore_mem>>) src(%dma_wait3A_138 : memref<10000x128xf32, #tpu.memory_space<hbm>>) dst(%arg10 : memref<128x128xf32, #tpu.memory_space<vmem>>)
      %dma_start3A_139 = arith.constant 7 : i32
      %dma_start3A_140 = arith.constant 0 : i32
      %dma_start3A_141 = tpu.memref_slice %arg8[%select_n3A_36, %dma_start3A_139, %dma_start3A_140] : memref<2x8x128xi32, #tpu.memory_space<vmem>> -> memref<1x1x128xi32, #tpu.memory_space<vmem>>
      %dma_start3A_142 = tpu.memref_squeeze %dma_start3A_141 : memref<1x1x128xi32, #tpu.memory_space<vmem>> -> memref<128xi32, #tpu.memory_space<vmem>>
      %dma_start3A_143 = arith.constant 0 : i32
      %dma_start3A_144 = arith.constant 0 : i32
      %dma_start3A_145 = tpu.memref_slice %arg2[%dma_start3A_143, %dma_start3A_144] : memref<10000x128xf32, #tpu.memory_space<hbm>> -> memref<10000x128xf32, #tpu.memory_space<hbm>>
      tpu.enqueue_indirect_dma source(%dma_start3A_145 : memref<10000x128xf32, #tpu.memory_space<hbm>>) target(%arg11 : memref<128x128xf32, #tpu.memory_space<vmem>>) offsets(%dma_start3A_142 : memref<128xi32, #tpu.memory_space<vmem>>) semaphore(%arg14 : memref<!tpu.dma_semaphore, #tpu.memory_space<semaphore_mem>>)
      %run_scoped3A_146 = arith.constant 6 : i32
      "tpu.region"() ({
        %run_scoped3A_160 = tpu.sem_alloc : memref<!tpu.dma_semaphore, #tpu.memory_space<semaphore_mem>>
        %dma_start3A_161 = arith.constant 0 : i32
        %dma_start3A_162 = tpu.memref_slice %arg9[%select_n3A_36, %run_scoped3A_146, %dma_start3A_161] : memref<2x8x128xi32, #tpu.memory_space<vmem>> -> memref<1x1x128xi32, #tpu.memory_space<vmem>>
        %dma_start3A_163 = tpu.memref_squeeze %dma_start3A_162 : memref<1x1x128xi32, #tpu.memory_space<vmem>> -> memref<128xi32, #tpu.memory_space<vmem>>
        %dma_start3A_164 = arith.constant 0 : i32
        %dma_start3A_165 = arith.constant 0 : i32
        %dma_start3A_166 = tpu.memref_slice %arg12[%dma_start3A_164, %dma_start3A_165] : memref<10240x128xf32, #tpu.memory_space<vmem_shared>> -> memref<10240x128xf32, #tpu.memory_space<vmem_shared>>
        tpu.enqueue_indirect_dma source(%arg10 : memref<128x128xf32, #tpu.memory_space<vmem>>) target(%dma_start3A_166 : memref<10240x128xf32, #tpu.memory_space<vmem_shared>>) offsets(%dma_start3A_163 : memref<128xi32, #tpu.memory_space<vmem>>) semaphore(%run_scoped3A_160 : memref<!tpu.dma_semaphore, #tpu.memory_space<semaphore_mem>>) {add = true}
        %dma_wait3A_167 = arith.constant 0 : i32
        %dma_wait3A_168 = tpu.memref_slice %arg9[%select_n3A_36, %run_scoped3A_146, %dma_wait3A_167] : memref<2x8x128xi32, #tpu.memory_space<vmem>> -> memref<1x1x128xi32, #tpu.memory_space<vmem>>
        %dma_wait3A_169 = tpu.memref_squeeze %dma_wait3A_168 : memref<1x1x128xi32, #tpu.memory_space<vmem>> -> memref<128xi32, #tpu.memory_space<vmem>>
        %dma_wait3A_170 = arith.constant 0 : i32
        %dma_wait3A_171 = arith.constant 0 : i32
        %dma_wait3A_172 = tpu.memref_slice %arg12[%dma_wait3A_170, %dma_wait3A_171] : memref<10240x128xf32, #tpu.memory_space<vmem_shared>> -> memref<10240x128xf32, #tpu.memory_space<vmem_shared>>
        tpu.wait_indirect_dma semaphore(%run_scoped3A_160 : memref<!tpu.dma_semaphore, #tpu.memory_space<semaphore_mem>>) src(%arg10 : memref<128x128xf32, #tpu.memory_space<vmem>>) dst(%dma_wait3A_172 : memref<10240x128xf32, #tpu.memory_space<vmem_shared>>)
        tpu.yield
      }) : () -> ()
      %dma_wait3A_147 = arith.constant 7 : i32
      %dma_wait3A_148 = arith.constant 0 : i32
      %dma_wait3A_149 = tpu.memref_slice %arg8[%select_n3A_36, %dma_wait3A_147, %dma_wait3A_148] : memref<2x8x128xi32, #tpu.memory_space<vmem>> -> memref<1x1x128xi32, #tpu.memory_space<vmem>>
      %dma_wait3A_150 = tpu.memref_squeeze %dma_wait3A_149 : memref<1x1x128xi32, #tpu.memory_space<vmem>> -> memref<128xi32, #tpu.memory_space<vmem>>
      %dma_wait3A_151 = arith.constant 0 : i32
      %dma_wait3A_152 = arith.constant 0 : i32
      %dma_wait3A_153 = tpu.memref_slice %arg2[%dma_wait3A_151, %dma_wait3A_152] : memref<10000x128xf32, #tpu.memory_space<hbm>> -> memref<10000x128xf32, #tpu.memory_space<hbm>>
      tpu.wait_indirect_dma semaphore(%arg14 : memref<!tpu.dma_semaphore, #tpu.memory_space<semaphore_mem>>) src(%dma_wait3A_153 : memref<10000x128xf32, #tpu.memory_space<hbm>>) dst(%arg11 : memref<128x128xf32, #tpu.memory_space<vmem>>)
      %lt3A_154 = arith.constant 9 : i32
      %lt3A_155 = arith.cmpi slt, %scan3A_26, %lt3A_154 : i32
      %convert_element_type3A_156 = arith.extui %lt3A_155 : i1 to i32
      %cond3A_157 = arith.constant 0 : i32
      %cond3A_158 = arith.cmpi ne, %convert_element_type3A_156, %cond3A_157 : i32
      scf.if %cond3A_158 {
        %add3A_160 = arith.constant 1 : i32
        %add3A_161 = arith.addi %scan3A_26, %add3A_160 : i32
        %mul3A_162 = arith.constant 8 : i32
        %mul3A_163 = arith.muli %add3A_161, %mul3A_162 : i32
        %dma_wait3A_164 = arith.constant 0 : i32
        %dma_wait3A_165 = arith.constant 0 : i32
        %dma_wait3A_166 = tpu.memref_slice %arg8[%sub3A_37, %dma_wait3A_164, %dma_wait3A_165] : memref<2x8x128xi32, #tpu.memory_space<vmem>> -> memref<1x8x128xi32, #tpu.memory_space<vmem>>
        %dma_wait3A_167 = tpu.memref_squeeze %dma_wait3A_166 : memref<1x8x128xi32, #tpu.memory_space<vmem>> -> memref<8x128xi32, #tpu.memory_space<vmem>>
        %dma_wait3A_168 = arith.constant 0 : i32
        %dma_wait3A_169 = tpu.memref_slice %arg3[%add3A, %mul3A_163, %dma_wait3A_168] : memref<32x80x128xi32, #tpu.memory_space<hbm>> -> memref<1x8x128xi32, #tpu.memory_space<hbm>>
        %dma_wait3A_170 = tpu.memref_squeeze %dma_wait3A_169 : memref<1x8x128xi32, #tpu.memory_space<hbm>> -> memref<8x128xi32, #tpu.memory_space<hbm>>
        %dma_wait3A_171 = arith.constant 0 : i32
        %dma_wait3A_172 = arith.constant 0 : i32
        %dma_wait3A_173 = tpu.memref_slice %arg8[%sub3A_37, %dma_wait3A_171, %dma_wait3A_172] : memref<2x8x128xi32, #tpu.memory_space<vmem>> -> memref<1x8x128xi32, #tpu.memory_space<vmem>>
        %dma_wait3A_174 = tpu.memref_squeeze %dma_wait3A_173 : memref<1x8x128xi32, #tpu.memory_space<vmem>> -> memref<8x128xi32, #tpu.memory_space<vmem>>
        %dma_wait3A_175 = arith.constant 0 : i32
        %dma_wait3A_176 = tpu.memref_slice %arg3[%add3A, %mul3A_163, %dma_wait3A_175] : memref<32x80x128xi32, #tpu.memory_space<hbm>> -> memref<1x8x128xi32, #tpu.memory_space<hbm>>
        %dma_wait3A_177 = tpu.memref_squeeze %dma_wait3A_176 : memref<1x8x128xi32, #tpu.memory_space<hbm>> -> memref<8x128xi32, #tpu.memory_space<hbm>>
        tpu.wait_dma2 semaphore(%arg15 : memref<!tpu.dma_semaphore, #tpu.memory_space<semaphore_mem>>) src(%dma_wait3A_177 : memref<8x128xi32, #tpu.memory_space<hbm>>) dst(%dma_wait3A_174 : memref<8x128xi32, #tpu.memory_space<vmem>>)
        %add3A_178 = arith.constant 1 : i32
        %add3A_179 = arith.addi %scan3A_26, %add3A_178 : i32
        %mul3A_180 = arith.constant 8 : i32
        %mul3A_181 = arith.muli %add3A_179, %mul3A_180 : i32
        %dma_wait3A_182 = arith.constant 0 : i32
        %dma_wait3A_183 = arith.constant 0 : i32
        %dma_wait3A_184 = tpu.memref_slice %arg9[%sub3A_37, %dma_wait3A_182, %dma_wait3A_183] : memref<2x8x128xi32, #tpu.memory_space<vmem>> -> memref<1x8x128xi32, #tpu.memory_space<vmem>>
        %dma_wait3A_185 = tpu.memref_squeeze %dma_wait3A_184 : memref<1x8x128xi32, #tpu.memory_space<vmem>> -> memref<8x128xi32, #tpu.memory_space<vmem>>
        %dma_wait3A_186 = arith.constant 0 : i32
        %dma_wait3A_187 = tpu.memref_slice %arg4[%add3A, %mul3A_181, %dma_wait3A_186] : memref<32x80x128xi32, #tpu.memory_space<hbm>> -> memref<1x8x128xi32, #tpu.memory_space<hbm>>
        %dma_wait3A_188 = tpu.memref_squeeze %dma_wait3A_187 : memref<1x8x128xi32, #tpu.memory_space<hbm>> -> memref<8x128xi32, #tpu.memory_space<hbm>>
        %dma_wait3A_189 = arith.constant 0 : i32
        %dma_wait3A_190 = arith.constant 0 : i32
        %dma_wait3A_191 = tpu.memref_slice %arg9[%sub3A_37, %dma_wait3A_189, %dma_wait3A_190] : memref<2x8x128xi32, #tpu.memory_space<vmem>> -> memref<1x8x128xi32, #tpu.memory_space<vmem>>
        %dma_wait3A_192 = tpu.memref_squeeze %dma_wait3A_191 : memref<1x8x128xi32, #tpu.memory_space<vmem>> -> memref<8x128xi32, #tpu.memory_space<vmem>>
        %dma_wait3A_193 = arith.constant 0 : i32
        %dma_wait3A_194 = tpu.memref_slice %arg4[%add3A, %mul3A_181, %dma_wait3A_193] : memref<32x80x128xi32, #tpu.memory_space<hbm>> -> memref<1x8x128xi32, #tpu.memory_space<hbm>>
        %dma_wait3A_195 = tpu.memref_squeeze %dma_wait3A_194 : memref<1x8x128xi32, #tpu.memory_space<hbm>> -> memref<8x128xi32, #tpu.memory_space<hbm>>
        tpu.wait_dma2 semaphore(%arg16 : memref<!tpu.dma_semaphore, #tpu.memory_space<semaphore_mem>>) src(%dma_wait3A_195 : memref<8x128xi32, #tpu.memory_space<hbm>>) dst(%dma_wait3A_192 : memref<8x128xi32, #tpu.memory_space<vmem>>)
        %dma_start3A_196 = arith.constant 0 : i32
        %dma_start3A_197 = arith.constant 0 : i32
        %dma_start3A_198 = tpu.memref_slice %arg8[%sub3A_37, %dma_start3A_196, %dma_start3A_197] : memref<2x8x128xi32, #tpu.memory_space<vmem>> -> memref<1x1x128xi32, #tpu.memory_space<vmem>>
        %dma_start3A_199 = tpu.memref_squeeze %dma_start3A_198 : memref<1x1x128xi32, #tpu.memory_space<vmem>> -> memref<128xi32, #tpu.memory_space<vmem>>
        %dma_start3A_200 = arith.constant 0 : i32
        %dma_start3A_201 = arith.constant 0 : i32
        %dma_start3A_202 = tpu.memref_slice %arg2[%dma_start3A_200, %dma_start3A_201] : memref<10000x128xf32, #tpu.memory_space<hbm>> -> memref<10000x128xf32, #tpu.memory_space<hbm>>
        tpu.enqueue_indirect_dma source(%dma_start3A_202 : memref<10000x128xf32, #tpu.memory_space<hbm>>) target(%arg10 : memref<128x128xf32, #tpu.memory_space<vmem>>) offsets(%dma_start3A_199 : memref<128xi32, #tpu.memory_space<vmem>>) semaphore(%arg13 : memref<!tpu.dma_semaphore, #tpu.memory_space<semaphore_mem>>)
      } else {
      }
      %run_scoped3A_159 = arith.constant 7 : i32
      "tpu.region"() ({
        %run_scoped3A_160 = tpu.sem_alloc : memref<!tpu.dma_semaphore, #tpu.memory_space<semaphore_mem>>
        %dma_start3A_161 = arith.constant 0 : i32
        %dma_start3A_162 = tpu.memref_slice %arg9[%select_n3A_36, %run_scoped3A_159, %dma_start3A_161] : memref<2x8x128xi32, #tpu.memory_space<vmem>> -> memref<1x1x128xi32, #tpu.memory_space<vmem>>
        %dma_start3A_163 = tpu.memref_squeeze %dma_start3A_162 : memref<1x1x128xi32, #tpu.memory_space<vmem>> -> memref<128xi32, #tpu.memory_space<vmem>>
        %dma_start3A_164 = arith.constant 0 : i32
        %dma_start3A_165 = arith.constant 0 : i32
        %dma_start3A_166 = tpu.memref_slice %arg12[%dma_start3A_164, %dma_start3A_165] : memref<10240x128xf32, #tpu.memory_space<vmem_shared>> -> memref<10240x128xf32, #tpu.memory_space<vmem_shared>>
        tpu.enqueue_indirect_dma source(%arg11 : memref<128x128xf32, #tpu.memory_space<vmem>>) target(%dma_start3A_166 : memref<10240x128xf32, #tpu.memory_space<vmem_shared>>) offsets(%dma_start3A_163 : memref<128xi32, #tpu.memory_space<vmem>>) semaphore(%run_scoped3A_160 : memref<!tpu.dma_semaphore, #tpu.memory_space<semaphore_mem>>) {add = true}
        %dma_wait3A_167 = arith.constant 0 : i32
        %dma_wait3A_168 = tpu.memref_slice %arg9[%select_n3A_36, %run_scoped3A_159, %dma_wait3A_167] : memref<2x8x128xi32, #tpu.memory_space<vmem>> -> memref<1x1x128xi32, #tpu.memory_space<vmem>>
        %dma_wait3A_169 = tpu.memref_squeeze %dma_wait3A_168 : memref<1x1x128xi32, #tpu.memory_space<vmem>> -> memref<128xi32, #tpu.memory_space<vmem>>
        %dma_wait3A_170 = arith.constant 0 : i32
        %dma_wait3A_171 = arith.constant 0 : i32
        %dma_wait3A_172 = tpu.memref_slice %arg12[%dma_wait3A_170, %dma_wait3A_171] : memref<10240x128xf32, #tpu.memory_space<vmem_shared>> -> memref<10240x128xf32, #tpu.memory_space<vmem_shared>>
        tpu.wait_indirect_dma semaphore(%run_scoped3A_160 : memref<!tpu.dma_semaphore, #tpu.memory_space<semaphore_mem>>) src(%arg11 : memref<128x128xf32, #tpu.memory_space<vmem>>) dst(%dma_wait3A_172 : memref<10240x128xf32, #tpu.memory_space<vmem_shared>>)
        tpu.yield
      }) : () -> ()
    }
    %scan3A_17 = arith.constant 10 : i32
    %barrier3A_18 = arith.constant 0 : index
    tpu.barrier barrier_id(%barrier3A_18)
    %eq3A = arith.constant 0 : i32
    %eq3A_19 = arith.cmpi eq, %arg0, %eq3A : i32
    %convert_element_type3A = arith.extui %eq3A_19 : i1 to i32
    %cond3A = arith.constant 0 : i32
    %cond3A_20 = arith.cmpi ne, %convert_element_type3A, %cond3A : i32
    scf.if %cond3A_20 {
      %mul3A_26 = arith.constant 640 : i32
      %mul3A_27 = arith.muli %arg1, %mul3A_26 : i32
      %mul3A_28 = arith.constant 640 : i32
      %mul3A_29 = arith.muli %arg1, %mul3A_28 : i32
      "tpu.region"() ({
        %run_scoped3A_30 = tpu.sem_alloc : memref<!tpu.dma_semaphore, #tpu.memory_space<semaphore_mem>>
        %dma_start3A_31 = arith.constant 0 : i32
        %dma_start3A_32 = tpu.memref_slice %arg6[%mul3A_29, %dma_start3A_31] : memref<10240x128xf32, #tpu.memory_space<hbm>> -> memref<640x128xf32, #tpu.memory_space<hbm>>
        %dma_start3A_33 = arith.constant 0 : i32
        %dma_start3A_34 = tpu.memref_slice %arg12[%mul3A_27, %dma_start3A_33] : memref<10240x128xf32, #tpu.memory_space<vmem_shared>> -> memref<640x128xf32, #tpu.memory_space<vmem_shared>>
        tpu.enqueue_dma source(%dma_start3A_34 : memref<640x128xf32, #tpu.memory_space<vmem_shared>>) target(%dma_start3A_32 : memref<640x128xf32, #tpu.memory_space<hbm>>) target_semaphore(%run_scoped3A_30 : memref<!tpu.dma_semaphore, #tpu.memory_space<semaphore_mem>>)
        %dma_wait3A = arith.constant 0 : i32
        %dma_wait3A_35 = tpu.memref_slice %arg6[%mul3A_29, %dma_wait3A] : memref<10240x128xf32, #tpu.memory_space<hbm>> -> memref<640x128xf32, #tpu.memory_space<hbm>>
        %dma_wait3A_36 = arith.constant 0 : i32
        %dma_wait3A_37 = tpu.memref_slice %arg12[%mul3A_27, %dma_wait3A_36] : memref<10240x128xf32, #tpu.memory_space<vmem_shared>> -> memref<640x128xf32, #tpu.memory_space<vmem_shared>>
        tpu.wait_dma2 semaphore(%run_scoped3A_30 : memref<!tpu.dma_semaphore, #tpu.memory_space<semaphore_mem>>) src(%dma_wait3A_37 : memref<640x128xf32, #tpu.memory_space<vmem_shared>>) dst(%dma_wait3A_35 : memref<640x128xf32, #tpu.memory_space<hbm>>)
        tpu.yield
      }) : () -> ()
    } else {
    }
    %eq3A_21 = arith.constant 1 : i32
    %eq3A_22 = arith.cmpi eq, %arg0, %eq3A_21 : i32
    %convert_element_type3A_23 = arith.extui %eq3A_22 : i1 to i32
    %cond3A_24 = arith.constant 0 : i32
    %cond3A_25 = arith.cmpi ne, %convert_element_type3A_23, %cond3A_24 : i32
    scf.if %cond3A_25 {
      %mul3A_26 = arith.constant 640 : i32
      %mul3A_27 = arith.muli %arg1, %mul3A_26 : i32
      %mul3A_28 = arith.constant 640 : i32
      %mul3A_29 = arith.muli %arg1, %mul3A_28 : i32
      "tpu.region"() ({
        %run_scoped3A_30 = tpu.sem_alloc : memref<!tpu.dma_semaphore, #tpu.memory_space<semaphore_mem>>
        %dma_start3A_31 = arith.constant 0 : i32
        %dma_start3A_32 = tpu.memref_slice %arg7[%mul3A_29, %dma_start3A_31] : memref<10240x128xf32, #tpu.memory_space<hbm>> -> memref<640x128xf32, #tpu.memory_space<hbm>>
        %dma_start3A_33 = arith.constant 0 : i32
        %dma_start3A_34 = tpu.memref_slice %arg12[%mul3A_27, %dma_start3A_33] : memref<10240x128xf32, #tpu.memory_space<vmem_shared>> -> memref<640x128xf32, #tpu.memory_space<vmem_shared>>
        tpu.enqueue_dma source(%dma_start3A_34 : memref<640x128xf32, #tpu.memory_space<vmem_shared>>) target(%dma_start3A_32 : memref<640x128xf32, #tpu.memory_space<hbm>>) target_semaphore(%run_scoped3A_30 : memref<!tpu.dma_semaphore, #tpu.memory_space<semaphore_mem>>)
        %dma_wait3A = arith.constant 0 : i32
        %dma_wait3A_35 = tpu.memref_slice %arg7[%mul3A_29, %dma_wait3A] : memref<10240x128xf32, #tpu.memory_space<hbm>> -> memref<640x128xf32, #tpu.memory_space<hbm>>
        %dma_wait3A_36 = arith.constant 0 : i32
        %dma_wait3A_37 = tpu.memref_slice %arg12[%mul3A_27, %dma_wait3A_36] : memref<10240x128xf32, #tpu.memory_space<vmem_shared>> -> memref<640x128xf32, #tpu.memory_space<vmem_shared>>
        tpu.wait_dma2 semaphore(%run_scoped3A_30 : memref<!tpu.dma_semaphore, #tpu.memory_space<semaphore_mem>>) src(%dma_wait3A_37 : memref<640x128xf32, #tpu.memory_space<vmem_shared>>) dst(%dma_wait3A_35 : memref<640x128xf32, #tpu.memory_space<hbm>>)
        tpu.yield
      }) : () -> ()
    } else {
    }
    return
  }
}

module attributes {stable_mosaic.version = 14 : i64} {
  func.func @_mlp_kernel(%arg0: i32, %arg1: memref<1000x128xf32, #tpu.memory_space<vmem>>, %arg2: memref<1000x128xf32, #tpu.memory_space<vmem>>, %arg3: memref<1000x128xf32, #tpu.memory_space<vmem>>, %arg4: memref<128x128xf32, #tpu.memory_space<vmem>>, %arg5: memref<1x128xf32, #tpu.memory_space<vmem>>, %arg6: memref<128x128xf32, #tpu.memory_space<vmem>>, %arg7: memref<1x128xf32, #tpu.memory_space<vmem>>, %arg8: memref<1000x128xf32, #tpu.memory_space<vmem>>) attributes {dimension_semantics = [#tpu.dimension_semantics<arbitrary>], iteration_bounds = array<i64: 10>, scalar_prefetch = 0 : i64, scratch_operands = 0 : i64, tpu.core_type = #tpu.core_type<tc>, window_params = [{transform_indices = @transform_0, window_bounds = array<i64: 1000, 128>}, {transform_indices = @transform_1, window_bounds = array<i64: 1000, 128>}, {transform_indices = @transform_2, window_bounds = array<i64: 1000, 128>}, {pipeline_mode = #tpu.pipeline_mode<synchronous>, transform_indices = @transform_3, window_bounds = array<i64: 128, 128>}, {pipeline_mode = #tpu.pipeline_mode<synchronous>, transform_indices = @transform_4, window_bounds = array<i64: 1, 128>}, {pipeline_mode = #tpu.pipeline_mode<synchronous>, transform_indices = @transform_5, window_bounds = array<i64: 128, 128>}, {pipeline_mode = #tpu.pipeline_mode<synchronous>, transform_indices = @transform_6, window_bounds = array<i64: 1, 128>}, {transform_indices = @transform_7, window_bounds = array<i64: 1000, 128>}]} {
    %get3A = arith.constant 0 : index
    %get3A_0 = arith.constant 0 : index
    %get3A_1 = vector.load %arg1[%get3A, %get3A_0] : memref<1000x128xf32, #tpu.memory_space<vmem>>, vector<1000x128xf32>
    %get3A_2 = arith.constant 0 : index
    %get3A_3 = arith.constant 0 : index
    %get3A_4 = vector.load %arg2[%get3A_2, %get3A_3] : memref<1000x128xf32, #tpu.memory_space<vmem>>, vector<1000x128xf32>
    %add3A = arith.addf %get3A_1, %get3A_4 : vector<1000x128xf32>
    %get3A_5 = arith.constant 0 : index
    %get3A_6 = arith.constant 0 : index
    %get3A_7 = vector.load %arg3[%get3A_5, %get3A_6] : memref<1000x128xf32, #tpu.memory_space<vmem>>, vector<1000x128xf32>
    %add3A_8 = arith.addf %add3A, %get3A_7 : vector<1000x128xf32>
    %get3A_9 = arith.constant 0 : index
    %get3A_10 = arith.constant 0 : index
    %get3A_11 = vector.load %arg4[%get3A_9, %get3A_10] : memref<128x128xf32, #tpu.memory_space<vmem>>, vector<128x128xf32>
    %dot_general3A = arith.constant dense<0.000000e+00> : vector<1000x128xf32>
    %dot_general3A_12 = tpu.matmul %add3A_8, %get3A_11, %dot_general3A {dimension_numbers = #tpu.dot_dimension_numbers<[1], [0], [0], [1], [0, 0, 1, 1], [], []>, transpose_lhs_hint = false} : vector<1000x128xf32>, vector<128x128xf32>, vector<1000x128xf32> -> vector<1000x128xf32>
    %get3A_13 = arith.constant 0 : index
    %get3A_14 = arith.constant 0 : index
    %get3A_15 = vector.load %arg5[%get3A_13, %get3A_14] : memref<1x128xf32, #tpu.memory_space<vmem>>, vector<1x128xf32>
    %add3A_16 = vector.broadcast %get3A_15 : vector<1x128xf32> to vector<1000x128xf32>
    %add3A_17 = arith.addf %dot_general3A_12, %add3A_16 : vector<1000x128xf32>
    %max3A = arith.constant 0.000000e+00 : f32
    %max3A_18 = vector.broadcast %max3A : f32 to vector<1000x128xf32>
    %max3A_19 = arith.maximumf %add3A_17, %max3A_18 : vector<1000x128xf32>
    %get3A_20 = arith.constant 0 : index
    %get3A_21 = arith.constant 0 : index
    %get3A_22 = vector.load %arg6[%get3A_20, %get3A_21] : memref<128x128xf32, #tpu.memory_space<vmem>>, vector<128x128xf32>
    %dot_general3A_23 = arith.constant dense<0.000000e+00> : vector<1000x128xf32>
    %dot_general3A_24 = tpu.matmul %max3A_19, %get3A_22, %dot_general3A_23 {dimension_numbers = #tpu.dot_dimension_numbers<[1], [0], [0], [1], [0, 0, 1, 1], [], []>, transpose_lhs_hint = false} : vector<1000x128xf32>, vector<128x128xf32>, vector<1000x128xf32> -> vector<1000x128xf32>
    %get3A_25 = arith.constant 0 : index
    %get3A_26 = arith.constant 0 : index
    %get3A_27 = vector.load %arg7[%get3A_25, %get3A_26] : memref<1x128xf32, #tpu.memory_space<vmem>>, vector<1x128xf32>
    %add3A_28 = vector.broadcast %get3A_27 : vector<1x128xf32> to vector<1000x128xf32>
    %add3A_29 = arith.addf %dot_general3A_24, %add3A_28 : vector<1000x128xf32>
    %max3A_30 = arith.constant 0.000000e+00 : f32
    %max3A_31 = vector.broadcast %max3A_30 : f32 to vector<1000x128xf32>
    %max3A_32 = arith.maximumf %add3A_29, %max3A_31 : vector<1000x128xf32>
    %swap3A = arith.constant 0 : index
    %swap3A_33 = arith.constant 0 : index
    %swap3A_34 = vector.load %arg8[%swap3A, %swap3A_33] : memref<1000x128xf32, #tpu.memory_space<vmem>>, vector<1000x128xf32>
    tpu.vector_store %arg8[%swap3A, %swap3A_33], %max3A_32 {strides = array<i32>} : memref<1000x128xf32, #tpu.memory_space<vmem>>, vector<1000x128xf32>,
    return
  }
  func.func @transform_0(%arg0: i32) -> (i32, i32) {
    %c0_i32 = arith.constant 0 : i32
    %c0_i32_0 = arith.constant 0 : i32
    return %arg0, %c0_i32 : i32, i32
  }
  func.func @transform_1(%arg0: i32) -> (i32, i32) {
    %c0_i32 = arith.constant 0 : i32
    %c0_i32_0 = arith.constant 0 : i32
    return %arg0, %c0_i32 : i32, i32
  }
  func.func @transform_2(%arg0: i32) -> (i32, i32) {
    %c0_i32 = arith.constant 0 : i32
    %c0_i32_0 = arith.constant 0 : i32
    return %arg0, %c0_i32 : i32, i32
  }
  func.func @transform_3(%arg0: i32) -> (i32, i32) {
    %c0_i32 = arith.constant 0 : i32
    %c0_i32_0 = arith.constant 0 : i32
    %c0_i32_1 = arith.constant 0 : i32
    return %c0_i32, %c0_i32_0 : i32, i32
  }
  func.func @transform_4(%arg0: i32) -> (i32, i32) {
    %c0_i32 = arith.constant 0 : i32
    %c0_i32_0 = arith.constant 0 : i32
    %c0_i32_1 = arith.constant 0 : i32
    return %c0_i32, %c0_i32_0 : i32, i32
  }
  func.func @transform_5(%arg0: i32) -> (i32, i32) {
    %c0_i32 = arith.constant 0 : i32
    %c0_i32_0 = arith.constant 0 : i32
    %c0_i32_1 = arith.constant 0 : i32
    return %c0_i32, %c0_i32_0 : i32, i32
  }
  func.func @transform_6(%arg0: i32) -> (i32, i32) {
    %c0_i32 = arith.constant 0 : i32
    %c0_i32_0 = arith.constant 0 : i32
    %c0_i32_1 = arith.constant 0 : i32
    return %c0_i32, %c0_i32_0 : i32, i32
  }
  func.func @transform_7(%arg0: i32) -> (i32, i32) {
    %c0_i32 = arith.constant 0 : i32
    %c0_i32_0 = arith.constant 0 : i32
    return %arg0, %c0_i32 : i32, i32
  }
}

module attributes {stable_mosaic.version = 14 : i64} {
  func.func @_mlp_pool_kernel(%arg0: i32, %arg1: memref<1000x128xf32, #tpu.memory_space<vmem>>, %arg2: memref<1000x128xf32, #tpu.memory_space<vmem>>, %arg3: memref<1000x128xf32, #tpu.memory_space<vmem>>, %arg4: memref<128x128xf32, #tpu.memory_space<vmem>>, %arg5: memref<1x128xf32, #tpu.memory_space<vmem>>, %arg6: memref<128x128xf32, #tpu.memory_space<vmem>>, %arg7: memref<1x128xf32, #tpu.memory_space<vmem>>, %arg8: memref<1x1x1000xi32, #tpu.memory_space<vmem>>, %arg9: memref<64x128xf32, #tpu.memory_space<vmem>>, %arg10: memref<64x128xf32, #tpu.memory_space<vmem>>, %arg11: memref<64x128xf32, #tpu.memory_space<vmem>>) attributes {dimension_semantics = [#tpu.dimension_semantics<arbitrary>], iteration_bounds = array<i64: 10>, scalar_prefetch = 0 : i64, scratch_operands = 2 : i64, tpu.core_type = #tpu.core_type<tc>, window_params = [{transform_indices = @transform_0, window_bounds = array<i64: 1000, 128>}, {transform_indices = @transform_1, window_bounds = array<i64: 1000, 128>}, {transform_indices = @transform_2, window_bounds = array<i64: 1000, 128>}, {pipeline_mode = #tpu.pipeline_mode<synchronous>, transform_indices = @transform_3, window_bounds = array<i64: 128, 128>}, {pipeline_mode = #tpu.pipeline_mode<synchronous>, transform_indices = @transform_4, window_bounds = array<i64: 1, 128>}, {pipeline_mode = #tpu.pipeline_mode<synchronous>, transform_indices = @transform_5, window_bounds = array<i64: 128, 128>}, {pipeline_mode = #tpu.pipeline_mode<synchronous>, transform_indices = @transform_6, window_bounds = array<i64: 1, 128>}, {transform_indices = @transform_7, window_bounds = array<i64: 1, 1, 1000>}, {pipeline_mode = #tpu.pipeline_mode<synchronous>, transform_indices = @transform_8, window_bounds = array<i64: 64, 128>}]} {
    %eq3A = arith.constant 0 : i32
    %eq3A_0 = arith.cmpi eq, %arg0, %eq3A : i32
    %convert_element_type3A = arith.extui %eq3A_0 : i1 to i32
    %cond3A = arith.constant 0 : i32
    %cond3A_1 = arith.cmpi ne, %convert_element_type3A, %cond3A : i32
    scf.if %cond3A_1 {
      %broadcast_in_dim3A_64 = arith.constant 0.000000e+00 : f32
      %broadcast_in_dim3A_65 = vector.broadcast %broadcast_in_dim3A_64 : f32 to vector<64x128xf32>
      %swap3A_66 = arith.constant 0 : index
      %swap3A_67 = arith.constant 0 : index
      %swap3A_68 = vector.load %arg10[%swap3A_66, %swap3A_67] : memref<64x128xf32, #tpu.memory_space<vmem>>, vector<64x128xf32>
      tpu.vector_store %arg10[%swap3A_66, %swap3A_67], %broadcast_in_dim3A_65 {strides = array<i32>} : memref<64x128xf32, #tpu.memory_space<vmem>>, vector<64x128xf32>,
      %broadcast_in_dim3A_69 = arith.constant 0.000000e+00 : f32
      %broadcast_in_dim3A_70 = vector.broadcast %broadcast_in_dim3A_69 : f32 to vector<64x128xf32>
      %swap3A_71 = arith.constant 0 : index
      %swap3A_72 = arith.constant 0 : index
      %swap3A_73 = vector.load %arg11[%swap3A_71, %swap3A_72] : memref<64x128xf32, #tpu.memory_space<vmem>>, vector<64x128xf32>
      tpu.vector_store %arg11[%swap3A_71, %swap3A_72], %broadcast_in_dim3A_70 {strides = array<i32>} : memref<64x128xf32, #tpu.memory_space<vmem>>, vector<64x128xf32>,
    } else {
    }
    %get3A = arith.constant 0 : index
    %get3A_2 = arith.constant 0 : index
    %get3A_3 = vector.load %arg1[%get3A, %get3A_2] : memref<1000x128xf32, #tpu.memory_space<vmem>>, vector<1000x128xf32>
    %get3A_4 = arith.constant 0 : index
    %get3A_5 = arith.constant 0 : index
    %get3A_6 = vector.load %arg2[%get3A_4, %get3A_5] : memref<1000x128xf32, #tpu.memory_space<vmem>>, vector<1000x128xf32>
    %add3A = arith.addf %get3A_3, %get3A_6 : vector<1000x128xf32>
    %get3A_7 = arith.constant 0 : index
    %get3A_8 = arith.constant 0 : index
    %get3A_9 = vector.load %arg3[%get3A_7, %get3A_8] : memref<1000x128xf32, #tpu.memory_space<vmem>>, vector<1000x128xf32>
    %add3A_10 = arith.addf %add3A, %get3A_9 : vector<1000x128xf32>
    %get3A_11 = arith.constant 0 : index
    %get3A_12 = arith.constant 0 : index
    %get3A_13 = vector.load %arg4[%get3A_11, %get3A_12] : memref<128x128xf32, #tpu.memory_space<vmem>>, vector<128x128xf32>
    %dot_general3A = arith.constant dense<0.000000e+00> : vector<1000x128xf32>
    %dot_general3A_14 = tpu.matmul %add3A_10, %get3A_13, %dot_general3A {dimension_numbers = #tpu.dot_dimension_numbers<[1], [0], [0], [1], [0, 0, 1, 1], [], []>, transpose_lhs_hint = false} : vector<1000x128xf32>, vector<128x128xf32>, vector<1000x128xf32> -> vector<1000x128xf32>
    %get3A_15 = arith.constant 0 : index
    %get3A_16 = arith.constant 0 : index
    %get3A_17 = vector.load %arg5[%get3A_15, %get3A_16] : memref<1x128xf32, #tpu.memory_space<vmem>>, vector<1x128xf32>
    %add3A_18 = vector.broadcast %get3A_17 : vector<1x128xf32> to vector<1000x128xf32>
    %add3A_19 = arith.addf %dot_general3A_14, %add3A_18 : vector<1000x128xf32>
    %max3A = arith.constant 0.000000e+00 : f32
    %max3A_20 = vector.broadcast %max3A : f32 to vector<1000x128xf32>
    %max3A_21 = arith.maximumf %add3A_19, %max3A_20 : vector<1000x128xf32>
    %get3A_22 = arith.constant 0 : index
    %get3A_23 = arith.constant 0 : index
    %get3A_24 = vector.load %arg6[%get3A_22, %get3A_23] : memref<128x128xf32, #tpu.memory_space<vmem>>, vector<128x128xf32>
    %dot_general3A_25 = arith.constant dense<0.000000e+00> : vector<1000x128xf32>
    %dot_general3A_26 = tpu.matmul %max3A_21, %get3A_24, %dot_general3A_25 {dimension_numbers = #tpu.dot_dimension_numbers<[1], [0], [0], [1], [0, 0, 1, 1], [], []>, transpose_lhs_hint = false} : vector<1000x128xf32>, vector<128x128xf32>, vector<1000x128xf32> -> vector<1000x128xf32>
    %get3A_27 = arith.constant 0 : index
    %get3A_28 = arith.constant 0 : index
    %get3A_29 = vector.load %arg7[%get3A_27, %get3A_28] : memref<1x128xf32, #tpu.memory_space<vmem>>, vector<1x128xf32>
    %add3A_30 = vector.broadcast %get3A_29 : vector<1x128xf32> to vector<1000x128xf32>
    %add3A_31 = arith.addf %dot_general3A_26, %add3A_30 : vector<1000x128xf32>
    %get3A_32 = arith.constant 0 : index
    %get3A_33 = arith.constant 0 : index
    %get3A_34 = arith.constant 0 : index
    %get3A_35 = vector.load %arg8[%get3A_32, %get3A_33, %get3A_34] : memref<1x1x1000xi32, #tpu.memory_space<vmem>>, vector<1x1x1000xi32>
    %get3A_36 = vector.shape_cast %get3A_35 : vector<1x1x1000xi32> to vector<1x1000xi32>
    %iota3A = tpu.iota {dimensions = array<i32: 0>} : vector<64x1000xi32>
    %eq3A_37 = vector.broadcast %get3A_36 : vector<1x1000xi32> to vector<64x1000xi32>
    %eq3A_38 = arith.cmpi eq, %iota3A, %eq3A_37 : vector<64x1000xi32>
    %convert_element_type3A_39 = arith.extui %eq3A_38 : vector<64x1000xi1> to vector<64x1000xi32>
    %convert_element_type3A_40 = arith.sitofp %convert_element_type3A_39 : vector<64x1000xi32> to vector<64x1000xf32>
    %get3A_41 = arith.constant 0 : index
    %get3A_42 = arith.constant 0 : index
    %get3A_43 = vector.load %arg10[%get3A_41, %get3A_42] : memref<64x128xf32, #tpu.memory_space<vmem>>, vector<64x128xf32>
    %dot_general3A_44 = arith.constant dense<0.000000e+00> : vector<64x128xf32>
    %dot_general3A_45 = tpu.matmul %convert_element_type3A_40, %add3A_31, %dot_general3A_44 {dimension_numbers = #tpu.dot_dimension_numbers<[1], [0], [0], [1], [0, 0, 1, 1], [], []>, transpose_lhs_hint = false} : vector<64x1000xf32>, vector<1000x128xf32>, vector<64x128xf32> -> vector<64x128xf32>
    %add3A_46 = arith.addf %get3A_43, %dot_general3A_45 : vector<64x128xf32>
    %swap3A = arith.constant 0 : index
    %swap3A_47 = arith.constant 0 : index
    %swap3A_48 = vector.load %arg10[%swap3A, %swap3A_47] : memref<64x128xf32, #tpu.memory_space<vmem>>, vector<64x128xf32>
    tpu.vector_store %arg10[%swap3A, %swap3A_47], %add3A_46 {strides = array<i32>} : memref<64x128xf32, #tpu.memory_space<vmem>>, vector<64x128xf32>,
    %get3A_49 = arith.constant 0 : index
    %get3A_50 = arith.constant 0 : index
    %get3A_51 = vector.load %arg11[%get3A_49, %get3A_50] : memref<64x128xf32, #tpu.memory_space<vmem>>, vector<64x128xf32>
    %reduce_sum3A = arith.constant dense<0.000000e+00> : vector<64xf32>
    %reduce_sum3A_52 = vector.multi_reduction <add>, %convert_element_type3A_40, %reduce_sum3A [1] : vector<64x1000xf32> to vector<64xf32>
    %broadcast_in_dim3A = vector.shape_cast %reduce_sum3A_52 : vector<64xf32> to vector<64x1xf32>
    %broadcast_in_dim3A_53 = vector.shape_cast %broadcast_in_dim3A : vector<64x1xf32> to vector<64x1xf32>
    %broadcast_in_dim3A_54 = vector.broadcast %broadcast_in_dim3A_53 : vector<64x1xf32> to vector<64x128xf32>
    %add3A_55 = arith.addf %get3A_51, %broadcast_in_dim3A_54 : vector<64x128xf32>
    %swap3A_56 = arith.constant 0 : index
    %swap3A_57 = arith.constant 0 : index
    %swap3A_58 = vector.load %arg11[%swap3A_56, %swap3A_57] : memref<64x128xf32, #tpu.memory_space<vmem>>, vector<64x128xf32>
    tpu.vector_store %arg11[%swap3A_56, %swap3A_57], %add3A_55 {strides = array<i32>} : memref<64x128xf32, #tpu.memory_space<vmem>>, vector<64x128xf32>,
    %eq3A_59 = arith.constant 9 : i32
    %eq3A_60 = arith.cmpi eq, %arg0, %eq3A_59 : i32
    %convert_element_type3A_61 = arith.extui %eq3A_60 : i1 to i32
    %cond3A_62 = arith.constant 0 : i32
    %cond3A_63 = arith.cmpi ne, %convert_element_type3A_61, %cond3A_62 : i32
    scf.if %cond3A_63 {
      %get3A_64 = arith.constant 0 : index
      %get3A_65 = arith.constant 0 : index
      %get3A_66 = vector.load %arg10[%get3A_64, %get3A_65] : memref<64x128xf32, #tpu.memory_space<vmem>>, vector<64x128xf32>
      %get3A_67 = arith.constant 0 : index
      %get3A_68 = arith.constant 0 : index
      %get3A_69 = vector.load %arg11[%get3A_67, %get3A_68] : memref<64x128xf32, #tpu.memory_space<vmem>>, vector<64x128xf32>
      %max3A_70 = arith.constant 1.000000e+00 : f32
      %max3A_71 = vector.broadcast %max3A_70 : f32 to vector<64x128xf32>
      %max3A_72 = arith.maximumf %get3A_69, %max3A_71 : vector<64x128xf32>
      %div3A = arith.divf %get3A_66, %max3A_72 : vector<64x128xf32>
      %swap3A_73 = arith.constant 0 : index
      %swap3A_74 = arith.constant 0 : index
      %swap3A_75 = vector.load %arg9[%swap3A_73, %swap3A_74] : memref<64x128xf32, #tpu.memory_space<vmem>>, vector<64x128xf32>
      tpu.vector_store %arg9[%swap3A_73, %swap3A_74], %div3A {strides = array<i32>} : memref<64x128xf32, #tpu.memory_space<vmem>>, vector<64x128xf32>,
    } else {
    }
    return
  }
  func.func @transform_0(%arg0: i32) -> (i32, i32) {
    %c0_i32 = arith.constant 0 : i32
    %c0_i32_0 = arith.constant 0 : i32
    return %arg0, %c0_i32 : i32, i32
  }
  func.func @transform_1(%arg0: i32) -> (i32, i32) {
    %c0_i32 = arith.constant 0 : i32
    %c0_i32_0 = arith.constant 0 : i32
    return %arg0, %c0_i32 : i32, i32
  }
  func.func @transform_2(%arg0: i32) -> (i32, i32) {
    %c0_i32 = arith.constant 0 : i32
    %c0_i32_0 = arith.constant 0 : i32
    return %arg0, %c0_i32 : i32, i32
  }
  func.func @transform_3(%arg0: i32) -> (i32, i32) {
    %c0_i32 = arith.constant 0 : i32
    %c0_i32_0 = arith.constant 0 : i32
    %c0_i32_1 = arith.constant 0 : i32
    return %c0_i32, %c0_i32_0 : i32, i32
  }
  func.func @transform_4(%arg0: i32) -> (i32, i32) {
    %c0_i32 = arith.constant 0 : i32
    %c0_i32_0 = arith.constant 0 : i32
    %c0_i32_1 = arith.constant 0 : i32
    return %c0_i32, %c0_i32_0 : i32, i32
  }
  func.func @transform_5(%arg0: i32) -> (i32, i32) {
    %c0_i32 = arith.constant 0 : i32
    %c0_i32_0 = arith.constant 0 : i32
    %c0_i32_1 = arith.constant 0 : i32
    return %c0_i32, %c0_i32_0 : i32, i32
  }
  func.func @transform_6(%arg0: i32) -> (i32, i32) {
    %c0_i32 = arith.constant 0 : i32
    %c0_i32_0 = arith.constant 0 : i32
    %c0_i32_1 = arith.constant 0 : i32
    return %c0_i32, %c0_i32_0 : i32, i32
  }
  func.func @transform_7(%arg0: i32) -> (i32, i32, i32) {
    %c0_i32 = arith.constant 0 : i32
    %c0_i32_0 = arith.constant 0 : i32
    %c0_i32_1 = arith.constant 0 : i32
    return %arg0, %c0_i32, %c0_i32_0 : i32, i32, i32
  }
  func.func @transform_8(%arg0: i32) -> (i32, i32) {
    %c0_i32 = arith.constant 0 : i32
    %c0_i32_0 = arith.constant 0 : i32
    %c0_i32_1 = arith.constant 0 : i32
    return %c0_i32, %c0_i32_0 : i32, i32
  }
}

</mosaic_0001>

<sc_bundles>
// kernel: kernel.6.cloned.1.call-start
scs
__scs_entry_jumppad:
0x0: {  	(pc) =	sbr.rel $0x88, $3  }
0x1: {  	(tag) =	ssettag $0x0;
	lr =	simm.s32 $0x1  }
0x2: {  	[smem:$0x3F96] =	sst lr;
	_ =	strace $0xD0000000  }
0x3: {  	_ = 	snop  }
0x4: {  	_ = 	snop  }
0x5: {  	_ = 	snop  }
0x6: {  	_ = 	snop  }
0x7: {  	_ = 	snop  }
__scs_overlays_trampoline_lowered:
0x8: {  	[smem:$0x3FA5] =	sst s0  }
0x9: {  	[smem:$0x3FA6] =	sst s1  }
0xa: {  	[smem:$0x3FA7] =	sst s2  }
0xb: {  	[smem:$0x3FA8] =	sst s3  }
0xc: {  	[smem:$0x3FA9] =	sst s4  }
0xd: {  	[smem:$0x3FAA] =	sst s5  }
0xe: {  	[smem:$0x3FAB] =	sst s6  }
0xf: {  	[smem:$0x3FAC] =	sst s7  }
0x10: {  	[smem:$0x3FAD] =	sst s8  }
0x11: {  	[smem:$0x3FAE] =	sst s9;
	s0 =	simm.s32 @!p0 $0x0  }
0x12: {  	s1 =	sld [smem:$0x3F94];
	s0 =	simm.s32 @p0 $0x1  }
0x13: {  	[smem:$0x3FAF] =	sst s0;
	s0 =	simm.s32 @!p1 $0x0  }
0x14: {  	s2 =	sld [smem:$0x3F93];
	s0 =	simm.s32 @p1 $0x1  }
0x15: {  	[smem:$0x3FB0] =	sst s0;
	s0 =	simm.s32 @!p2 $0x0  }
0x16: {  	s3 =	sld [smem:$0x3FDB];
	s0 =	simm.s32 @p2 $0x1  }
0x17: {  	s4 =	simm.s32 $0x1BF5;
	[smem:$0x3FB2] =	sst s0  }
0x18: {  	s0 =	sld [smem:$0x3F95];
	_ =	swait.ge [sflag:s4], $0x0  }
0x19: {  	s7 =	sld [smem:$0x3F96]  }
0x1a: {  	s8 =	sadd.s32 $0xFFFFE003, lr  }
0x1b: {  	s9 =	sadd.s32 $0xFFFFFEF7, lr;
	s5 =	simm.s32 $0xFFFFFFFF;
	p2 =	slt.u32 s8, $0xFFFFF086  }
0x1c: {  	p1 =	slt.u32 s9, $0xF7A;
	s5 =	simm.s32 @!p2 $0x0  }
0x1d: {  	s5 =	simm.s32 @p1 $0x1;
	p0 =	seq.s32 s7, s2  }
0x1e: {  	s7 =	smul.u32 @!p0 $0xF7A, s2;
	p2 =	seq.s32 @!p0 s5, $0x0  }
0x1f: {  	s9 =	smul.u32 $0xF7A, s1;
	s8 =	simm.s32 @!p0 $0x1BF5;
	p2 =	por !p2, p0  }
0x20: {  	[sflag:s8] =	ssyncset.s32 @!p0 $0xFFFFF086;
	s6 =	sadd.s32 @!p0 s3, s7;
	s7 =	simm.s32 @!p0 $0x108  }
0x21: {  	s3 =	sadd.s32 s3, s9;
	s6 =	sadd.s32 @!p0 $0x88, s6;
	s7 =	simm.s32 @p2 $0x1082  }
0x22: {  	[simem:s7], [sflag:s8] =	dma.local @!p0 [hbm:s6], $0xF7A  }
0x23: {  	s9 =	sor.u32 $0xD0000000, s2;
	s6 =	simm.s32 $0x108;
	_ =	swait.ge @!p0 [sflag:s8], $0x0  }
0x24: {  	s3 =	sadd.s32 $0x88, s3;
	s6 =	simm.s32 @!p1 $0x1082;
	[sflag:s4] =	ssyncset.s32 $0xFFFFF086  }
0x25: {  	[simem:s6], [sflag:s4] =	dma.local [hbm:s3], $0xF7A  }
0x26: {  	[smem:$0x3F96] =	sst s1;
	(tag) =	ssettag s2;
	_ =	strace s9  }
0x27: {  	s1 =	sld [smem:$0x3FA6]  }
0x28: {  	s2 =	sld [smem:$0x3FA7]  }
0x29: {  	s4 =	sld [smem:$0x3FA9]  }
0x2a: {  	p0 =	seq.s32 s5, $0x0;
	s5 =	sld [smem:$0x3FAA]  }
0x2b: {  	s6 =	sld [smem:$0x3FAB]  }
0x2c: {  	s7 =	sld [smem:$0x3FAC]  }
0x2d: {  	s3 =	simm.s32 $0x108;
	s8 =	sld [smem:$0x3FAD]  }
0x2e: {  	s3 =	simm.s32 @!p0 $0x1082;
	s9 =	sld [smem:$0x3FAE]  }
0x2f: {  	lr =	sadd.s32 s0, s3;
	s0 =	sld [smem:$0x3FA5]  }
0x30: {  	s3 =	sld [smem:$0x3FA8]  }
0x31: {  	[smem:$0x3FB1] =	sst s10  }
0x32: {  	s10 =	sld [smem:$0x3FAF];
	_ =	sdelay $0x3  }
0x33: {  	p0 =	seq.s32 s10, $0x1;
	s10 =	sld [smem:$0x3FB1];
	_ =	sdelay $0x3  }
0x34: {  	[smem:$0x3FB1] =	sst s10  }
0x35: {  	s10 =	sld [smem:$0x3FB0];
	_ =	sdelay $0x3  }
0x36: {  	p1 =	seq.s32 s10, $0x1;
	s10 =	sld [smem:$0x3FB1];
	_ =	sdelay $0x3  }
0x37: {  	[smem:$0x3FB1] =	sst s10  }
0x38: {  	s10 =	sld [smem:$0x3FB2]  }
0x39: {  	_ = 	snop;
	(pc) =	sbr.ind lr, $3  }
0x3a: {  	_ = 	snop  }
0x3b: {  	_ = 	snop  }
0x3c: {  	p2 =	seq.s32 s10, $0x1;
	s10 =	sld [smem:$0x3FB1]  }
0x3d: {  	_ =	shalt  }
0x3e: {  	_ =	shalt  }
0x3f: {  	_ =	shalt  }
0x40: {  	_ =	shalt  }
0x41: {  	_ =	shalt  }
0x42: {  	_ =	shalt  }
0x43: {  	_ =	shalt  }
0x44: {  	_ =	shalt  }
0x45: {  	_ =	shalt  }
0x46: {  	_ =	shalt  }
0x47: {  	_ =	shalt  }
0x48: {  	_ =	shalt  }
0x49: {  	_ =	shalt  }
0x4a: {  	_ =	shalt  }
0x4b: {  	_ =	shalt  }
0x4c: {  	_ =	shalt  }
0x4d: {  	_ =	shalt  }
0x4e: {  	_ =	shalt  }
0x4f: {  	_ =	shalt  }
0x50: {  	_ =	shalt  }
0x51: {  	_ =	shalt  }
0x52: {  	_ =	shalt  }
0x53: {  	_ =	shalt  }
0x54: {  	_ =	shalt  }
0x55: {  	_ =	shalt  }
0x56: {  	_ =	shalt  }
0x57: {  	_ =	shalt  }
0x58: {  	_ =	shalt  }
0x59: {  	_ =	shalt  }
0x5a: {  	_ =	shalt  }
0x5b: {  	_ =	shalt  }
0x5c: {  	_ =	shalt  }
0x5d: {  	_ =	shalt  }
0x5e: {  	_ =	shalt  }
0x5f: {  	_ =	shalt  }
0x60: {  	_ =	shalt  }
0x61: {  	_ =	shalt  }
0x62: {  	_ =	shalt  }
0x63: {  	_ =	shalt  }
0x64: {  	_ =	shalt  }
0x65: {  	_ =	shalt  }
0x66: {  	_ =	shalt  }
0x67: {  	_ =	shalt  }
0x68: {  	_ =	shalt  }
0x69: {  	_ =	shalt  }
0x6a: {  	_ =	shalt  }
0x6b: {  	_ =	shalt  }
0x6c: {  	_ =	shalt  }
0x6d: {  	_ =	shalt  }
0x6e: {  	_ =	shalt  }
0x6f: {  	_ =	shalt  }
0x70: {  	_ =	shalt  }
0x71: {  	_ =	shalt  }
0x72: {  	_ =	shalt  }
0x73: {  	_ =	shalt  }
0x74: {  	_ =	shalt  }
0x75: {  	_ =	shalt  }
0x76: {  	_ =	shalt  }
0x77: {  	_ =	shalt  }
0x78: {  	_ =	shalt  }
0x79: {  	_ =	shalt  }
0x7a: {  	_ =	shalt  }
0x7b: {  	_ =	shalt  }
0x7c: {  	_ =	shalt  }
0x7d: {  	_ =	shalt  }
0x7e: {  	_ =	shalt  }
0x7f: {  	_ =	shalt  }
0x80: {  	_ =	shalt  }
0x81: {  	_ =	shalt  }
0x82: {  	_ =	shalt  }
0x83: {  	_ =	shalt  }
0x84: {  	_ =	shalt  }
0x85: {  	_ =	shalt  }
0x86: {  	_ =	shalt  }
0x87: {  	_ =	shalt  }
.Lfunc_end0:
.L_simem_size_0:
called_computation_lowered:
.L_overlay_start_0:
0x88: {  	s2 =	sld [smem:$0x3FD9]  }
0x89: {  	s3 =	sld [smem:$0x3FFE];
	_ =	sdelay $0x1  }
0x8a: {  	s1 =	srdreg.scid  }
0x8b: {  	s0 =	sand.u32 $0x1, s1  }
0x8c: {  	s17 =	sshll.u32 s0, $0xA;
	s2 =	sadd.s32 s3, s2  }
0x8d: {  	s2 =	sadd.s32 s2, s17  }
0x8e: {  	[smem:$0x3FBD] =	sst s2  }
0x8f: {  	_ = 	snop  }
0x90: {  	s2 =	sld [smem:$0x3FC9];
	(tm) =	ssettm $0x1  }
0x91: {  	s18 =	sld [smem:$0x3FFB];
	_ =	sdelay $0x3  }
0x92: {  	_ =	strace s18  }
0x93: {  	s3 =	sld [smem:$0x3FFC];
	_ =	sdelay $0x3  }
0x94: {  	_ =	strace s3  }
0x95: {  	s3 =	sld [smem:$0x3FFD];
	_ =	sdelay $0x3  }
0x96: {  	_ =	strace s3  }
0x97: {  	_ =	strace $0x8FFFFFFF  }
0x98: {  	s19 =	sld [smem:$0x3FDB];
	_ =	sdelay $0x1  }
0x99: {  	s4 =	simm.s32 $_scs_section_size  }
0x9a: {  	s5 =	simm.s32 $_size__tile_overlayer_lowered;
	s6 =	simm.s32 $_tile_overlayer_lowered  }
0x9b: {  	s22 =	simm.s32 $0x1BFF;
	s21 =	sshll.u32 s6, $0x1;
	s3 =	sadd.s32 s4, s19  }
0x9c: {  	s7 =	simm.s32 $0x0;
	s20 =	sshll.u32 s5, $0x1;
	s5 =	sadd.s32 s21, s3  }
0x9d: {  	[timem:s7], [sflag:s22] =	dma.local [hbm:s5], s20  }
0x9e: {  	_ =	swait.ge [sflag:s22], s20  }
0x9f: {  	s4 =	ssub.s32 $0x0, s20;
	[sflag:s22] =	ssyncset.done $0x0  }
0xa0: {  	[sflag:s22] =	ssyncadd.s32 s4;
	_ =	sdelay $0x1  }
0xa1: {  	s23 =	simm.s32 $0x1B8B  }
0xa2: {  	_ =	swait.ge [sflag:s23], $0x1  }
0xa3: {  	[sflag:s23] =	ssyncset.done $0x0  }
0xa4: {  	s25 =	simm.s32 $0x1B8E;
	s24 =	sld [smem:$0x3FFE];
	[sflag:s23] =	ssyncadd.s32 $0xFFFFFFFF  }
0xa5: {  	s26 =	simm.s32 $execute0_lowered;
	[smem:$0x3FD2] =	sst s25  }
0xa6: {  	s5 =	sshll.u32 s26, $0x1;
	_ =	strace $0x80000046;
	[dreg:$0x1] =	wrdreg $0xFFFFFFFF  }
0xa7: {  	s28 =	simm.s32 $_size_execute0_lowered;
	s3 =	sadd.s32 s3, s5;
	[dreg:$0x0] =	wrdreg $0x0  }
0xa8: {  	s5 =	sshll.u32 s28, $0x1;
	[dreg:$0x2] =	wrdreg s3  }
0xa9: {  	[dreg:$0x3] =	wrdreg s5  }
0xaa: {  	[dreg:$0x4] =	wrdreg $0xC0  }
0xab: {  	_ =	task [dreg:s7], $0x5FFFF  }
0xac: {  	[dreg:$0x1] =	wrdreg $0xFFFFFFFF  }
0xad: {  	[dreg:$0x0] =	wrdreg $0x60  }
0xae: {  	[dreg:$0x2] =	wrdreg s2  }
0xaf: {  	[dreg:$0x3] =	wrdreg s24  }
0xb0: {  	[dreg:$0x4] =	wrdreg $0x90000  }
0xb1: {  	[dreg:$0x5] =	wrdreg $0x9  }
0xb2: {  	_ =	task.clear_ibuf [dreg:s7], $0x6FFFF;
	_ =	strace $0x90000046  }
0xb3: {  	s29 =	simm.s32 $0x9;
	_ =	strace $0x80000048  }
0xb4: {  	_ =	swait.ge [sflag:s29], $0x1  }
0xb5: {  	[sflag:s29] =	ssyncadd.s32 $0xFFFFFFFF  }
0xb6: {  	_ =	strace $0x90000048  }
0xb7: {  	_ =	sfence  }
0xb8: {  	s30 =	sld [smem:$0x0];
	_ =	sdelay $0x2  }
0xb9: {  	s31 =	sshll.u32 s1, $0xD;
	s1 =	sshrl.u32 s1, $0x2  }
0xba: {  	s3 =	sand.u32 $0x4000, s31;
	s1 =	sadd.s32 s1, s30  }
0xbb: {  	s0 =	sor.u32 s3, s0;
	s1 =	sshll.u32 s1, $0x11  }
0xbc: {  	s0 =	sor.u32 s1, s0  }
0xbd: {  	s0 =	sadd.s32 $0x8F2B, s0  }
0xbe: {  	[sflag:s0] =	ssyncadd.remote.s32 $0x1  }
0xbf: {  	_ =	sfence.sel $0xFFFF  }
0xc0: {  	[dreg:$0x0] =	wrdreg $0xFFFFFFFF;
	(pc) =	sbr.abs _section_cstart, $3  }
0xc1: {  	[dreg:$0x1] =	wrdreg $0xFFFFFFFF  }
0xc2: {  	_ =	task.clear_ibuf [dreg:s7], $0x2FFFF;
	_ =	strace $0x9FFFFFFF  }
0xc3: {  	(tm) =	ssettm $0x7FFFFFFF  }
tec
execute0_lowered:
.L_overlay_start_1:
0x0: {  	(tag) =	ssettag $0x1  }
0x1: {  	s1 =	rddreg [dreg:$0x0]  }
0x2: {  	s5 =	rddreg [dreg:$0x1]  }
0x3: {  	s2 =	rddreg [dreg:$0x2]  }
0x4: {  	s0 =	rddreg [dreg:$0x3]  }
0x5: {  	s4 =	simm.s32 $0x0;
	s3 =	stileid.u32;
	s6 =	srdreg.scid  }
0x6: {  	s17 =	simm.s32 $0x1000;
	s18 =	simm.s32 $0x1;
	s19 =	simm.s32 $0x5000  }
0x7: {  	s20 =	simm.s32 $0x2;
	s21 =	simm.s32 $0x0;
	[smem:$0x7FF] =	sst s4  }
0x8: {  	s12 =	sadd.s32 $0x3000, s5;
	s11 =	sadd.s32 $0xD000, s5;
	s9 =	smul.u32 $0x2800, s3  }
0x9: {  	s10 =	sand.u32 $0x1, s6;
	s7 =	smul.u32 $0x50000, s3;
	s30 =	sshll.u32 s3, $0x6  }
0xa: {  	_ =	strace $0x80000047;
	s6 =	ssub.s32 $0x2, s10;
	s8 =	sshll.u32 s10, $0x4  }
0xb: {  	s16 =	smul.u32 $0x28000, s10;
	p0 =	seq.s32 s10, $0x1;
	s10 =	simm.s32 $0x67000  }
0xc: {  	s13 =	sadd.s32 s9, s5;
	s26 =	sshrl.u32 s6, $0x1;
	s8 =	sor.u32 s3, s8  }
0xd: {  	s28 =	sshrl.u32 s7, $0x2;
	s10 =	simm.s32 @!p0 $0x3F000;
	s14 =	ssub.s32 s6, s26  }
0xe: {  	s29 =	smul.u32 $0x2800, s8;
	s15 =	sadd.s32 s28, s2;
	s5 =	sadd.s32 $0x17000, s13  }
0xf: {  	s6 =	sor.u32 $0x1C05, s30;
	s9 =	sadd.s32 s9, s16;
	s10 =	sadd.s32 s10, s13  }
0x10: {  	s16 =	sor.u32 $0x400, s9;
	s9 =	smax.u32 s14, $0x1;
	s13 =	sshrl.u32 s15, $0x3  }
0x11: {  	s14 =	simm.s32 $0x5;
	s15 =	simm.s32 $0x800;
	s8 =	sshrl.u32 s29, $0x3  }
0x12: {  	s31 =	sshrl.u32 s16, $0x3;
	s16 =	simm.s32 $0x80;
	s7 =	sadd.s32 s12, s8  }
0x13: {  	s8 =	sadd.s32 s11, s8;
	s11 =	sadd.s32 s31, s11;
	s12 =	sadd.s32 s31, s12  }
.LBB2_1:
0x14: {  	[spmem:s13], [sflag:s6] =	dma.local [hbm:s5], $0x2800  }
0x15: {  	_ =	swait.ge [sflag:s14], $0x2800  }
0x16: {  	[sflag:s14] =	ssyncset.done $0x0  }
0x17: {  	[sflag:s14] =	ssyncadd.s32 $0xFFFFD800  }
0x18: {  	[tilespmem:s4], [sflag:$0x5] =	stream.linear.gather [hbm4b:s7+s4], $0x400, $0x38;
	[tilespmem:$0x1D000] =	vst v63  }
0x19: {  	_ =	swait.ge [sflag:s14], $0x400  }
0x1a: {  	[sflag:s14] =	ssyncset.done $0x0  }
0x1b: {  	[sflag:s14] =	ssyncadd.s32 $0xFFFFFC00  }
0x1c: {  	[tilespmem:s15], [sflag:$0x5] =	stream.linear.gather [hbm4b:s8+s4], $0x400, $0x38;
	[tilespmem:$0x1D000] =	vst v63  }
0x1d: {  	_ =	swait.ge [sflag:s14], $0x400  }
0x1e: {  	[sflag:s14] =	ssyncset.done $0x0  }
0x1f: {  	p0 =	por $0x0, $0x0;
	s23 =	sand.u32 $0x1, s4;
	[sflag:s14] =	ssyncadd.s32 $0xFFFFFC00  }
0x20: {  	p0 =	por p0, p0;
	s22 =	sxor.u32 $0x1, s23;
	[bflag:$0x0] =	sbarrier.arrive $0xFFFF  }
0x21: {  	[tilespmem:s17], [sflag:$0x1] =	stream.indirect.gather [hbm4b:s1+s16], $0x80, s4, s16, $0xb8;
	[tilespmem:$0x1D000] =	vst v63  }
0x22: {  	s22 =	sshll.u32 @!p0 s22, $0xA;
	s24 =	simm.s32 @!p0 $0x0  }
0x23: {  	[tilespmem:s22], [sflag:$0x3] =	stream.linear.gather @!p0 [hbm4b:s12+s24], $0x400, $0x38;
	[tilespmem:$0x1D000] =	vst v63  }
0x24: {  	s25 =	sor.u32 @!p0 $0x800, s22  }
0x25: {  	[tilespmem:s25], [sflag:$0x4] =	stream.linear.gather @!p0 [hbm4b:s11+s24], $0x400, $0x38;
	[tilespmem:$0x1D000] =	vst v63  }
0x26: {  	_ =	swait.ge [sflag:s18], $0x4000  }
0x27: {  	s23 =	sshll.u32 s23, $0xA;
	[sflag:s18] =	ssyncset.done $0x0  }
0x28: {  	s25 =	sor.u32 $0x80, s23;
	[sflag:s18] =	ssyncadd.s32 $0xFFFFC000  }
0x29: {  	[tilespmem:s19], [sflag:$0x2] =	stream.indirect.gather [hbm4b:s1+s16], $0x80, s25, s16, $0xb8;
	[tilespmem:$0x1D000] =	vst v63  }
0x2a: {  	s26 =	sor.u32 $0x800, s23  }
0x2b: {  	[spmem:s2] =	stream.indirect.scatter.add.f32 [tilespmem:s17], [sflag:$0x5], $0x80, s26, s16, $0xb8;
	[tilespmem:$0x1D000] =	vst v63  }
0x2c: {  	_ =	swait.ge [sflag:s14], $0x4000  }
0x2d: {  	[sflag:s14] =	ssyncset.done $0x0  }
0x2e: {  	[sflag:s14] =	ssyncadd.s32 $0xFFFFC000  }
0x2f: {  	_ =	swait.ge [sflag:s20], $0x4000  }
0x30: {  	[sflag:s20] =	ssyncset.done $0x0  }
0x31: {  	s29 =	sor.u32 $0x100, s23;
	[sflag:s20] =	ssyncadd.s32 $0xFFFFC000  }
0x32: {  	[tilespmem:s17], [sflag:$0x1] =	stream.indirect.gather [hbm4b:s1+s16], $0x80, s29, s16, $0xb8;
	[tilespmem:$0x1D000] =	vst v63  }
0x33: {  	s30 =	sor.u32 $0x880, s23  }
0x34: {  	[spmem:s2] =	stream.indirect.scatter.add.f32 [tilespmem:s19], [sflag:$0x5], $0x80, s30, s16, $0xb8;
	[tilespmem:$0x1D000] =	vst v63  }
0x35: {  	_ =	swait.ge [sflag:s14], $0x4000  }
0x36: {  	[sflag:s14] =	ssyncset.done $0x0  }
0x37: {  	[sflag:s14] =	ssyncadd.s32 $0xFFFFC000  }
0x38: {  	_ =	swait.ge [sflag:s18], $0x4000  }
0x39: {  	[sflag:s18] =	ssyncset.done $0x0  }
0x3a: {  	s31 =	sor.u32 $0x180, s23;
	[sflag:s18] =	ssyncadd.s32 $0xFFFFC000  }
0x3b: {  	[tilespmem:s19], [sflag:$0x2] =	stream.indirect.gather [hbm4b:s1+s16], $0x80, s31, s16, $0xb8;
	[tilespmem:$0x1D000] =	vst v63  }
0x3c: {  	s25 =	sor.u32 $0x900, s23  }
0x3d: {  	[spmem:s2] =	stream.indirect.scatter.add.f32 [tilespmem:s17], [sflag:$0x5], $0x80, s25, s16, $0xb8;
	[tilespmem:$0x1D000] =	vst v63  }
0x3e: {  	_ =	swait.ge [sflag:s14], $0x4000  }
0x3f: {  	[sflag:s14] =	ssyncset.done $0x0  }
0x40: {  	[sflag:s14] =	ssyncadd.s32 $0xFFFFC000  }
0x41: {  	_ =	swait.ge [sflag:s20], $0x4000  }
0x42: {  	[sflag:s20] =	ssyncset.done $0x0  }
0x43: {  	s26 =	sor.u32 $0x200, s23;
	[sflag:s20] =	ssyncadd.s32 $0xFFFFC000  }
0x44: {  	[tilespmem:s17], [sflag:$0x1] =	stream.indirect.gather [hbm4b:s1+s16], $0x80, s26, s16, $0xb8;
	[tilespmem:$0x1D000] =	vst v63  }
0x45: {  	s29 =	sor.u32 $0x980, s23  }
0x46: {  	[spmem:s2] =	stream.indirect.scatter.add.f32 [tilespmem:s19], [sflag:$0x5], $0x80, s29, s16, $0xb8;
	[tilespmem:$0x1D000] =	vst v63  }
0x47: {  	_ =	swait.ge [sflag:s14], $0x4000  }
0x48: {  	[sflag:s14] =	ssyncset.done $0x0  }
0x49: {  	[sflag:s14] =	ssyncadd.s32 $0xFFFFC000  }
0x4a: {  	_ =	swait.ge [sflag:s18], $0x4000  }
0x4b: {  	[sflag:s18] =	ssyncset.done $0x0  }
0x4c: {  	s30 =	sor.u32 $0x280, s23;
	[sflag:s18] =	ssyncadd.s32 $0xFFFFC000  }
0x4d: {  	[tilespmem:s19], [sflag:$0x2] =	stream.indirect.gather [hbm4b:s1+s16], $0x80, s30, s16, $0xb8;
	[tilespmem:$0x1D000] =	vst v63  }
0x4e: {  	s31 =	sor.u32 $0xA00, s23  }
0x4f: {  	[spmem:s2] =	stream.indirect.scatter.add.f32 [tilespmem:s17], [sflag:$0x5], $0x80, s31, s16, $0xb8;
	[tilespmem:$0x1D000] =	vst v63  }
0x50: {  	_ =	swait.ge [sflag:s14], $0x4000  }
0x51: {  	[sflag:s14] =	ssyncset.done $0x0  }
0x52: {  	[sflag:s14] =	ssyncadd.s32 $0xFFFFC000  }
0x53: {  	_ =	swait.ge [sflag:s20], $0x4000  }
0x54: {  	[sflag:s20] =	ssyncset.done $0x0  }
0x55: {  	s25 =	sor.u32 $0x300, s23;
	[sflag:s20] =	ssyncadd.s32 $0xFFFFC000  }
0x56: {  	[tilespmem:s17], [sflag:$0x1] =	stream.indirect.gather [hbm4b:s1+s16], $0x80, s25, s16, $0xb8;
	[tilespmem:$0x1D000] =	vst v63  }
0x57: {  	s26 =	sor.u32 $0xA80, s23  }
0x58: {  	[spmem:s2] =	stream.indirect.scatter.add.f32 [tilespmem:s19], [sflag:$0x5], $0x80, s26, s16, $0xb8;
	[tilespmem:$0x1D000] =	vst v63  }
0x59: {  	_ =	swait.ge [sflag:s14], $0x4000  }
0x5a: {  	[sflag:s14] =	ssyncset.done $0x0  }
0x5b: {  	[sflag:s14] =	ssyncadd.s32 $0xFFFFC000  }
0x5c: {  	_ =	swait.ge [sflag:s18], $0x4000  }
0x5d: {  	[sflag:s18] =	ssyncset.done $0x0  }
0x5e: {  	s29 =	sor.u32 $0x380, s23;
	[sflag:s18] =	ssyncadd.s32 $0xFFFFC000  }
0x5f: {  	[tilespmem:s19], [sflag:$0x2] =	stream.indirect.gather [hbm4b:s1+s16], $0x80, s29, s16, $0xb8;
	[tilespmem:$0x1D000] =	vst v63  }
0x60: {  	s23 =	sor.u32 $0xB00, s23  }
0x61: {  	[spmem:s2] =	stream.indirect.scatter.add.f32 [tilespmem:s17], [sflag:$0x5], $0x80, s23, s16, $0xb8;
	[tilespmem:$0x1D000] =	vst v63  }
0x62: {  	_ =	swait.ge [sflag:s14], $0x4000  }
0x63: {  	[sflag:s14] =	ssyncset.done $0x0  }
0x64: {  	[sflag:s14] =	ssyncadd.s32 $0xFFFFC000  }
0x65: {  	_ =	swait.ge [sflag:s20], $0x4000  }
0x66: {  	[sflag:s20] =	ssyncset.done $0x0  }
0x67: {  	s23 =	simm.s32 @!p0 $0x3;
	[sflag:s20] =	ssyncadd.s32 $0xFFFFC000  }
0x68: {  	_ =	swait.ge @!p0 [sflag:s23], $0x400  }
0x69: {  	[sflag:s23] =	ssyncset.done @!p0 $0x0  }
0x6a: {  	[sflag:s23] =	ssyncadd.s32 @!p0 $0xFFFFFC00;
	s23 =	simm.s32 @!p0 $0x4  }
0x6b: {  	_ =	swait.ge @!p0 [sflag:s23], $0x400  }
0x6c: {  	p6 =	por $0x0, $0x0;
	[sflag:s23] =	ssyncset.done @!p0 $0x0  }
0x6d: {  	s26 =	simm.s32 @!p0 $0x1000;
	[sflag:s23] =	ssyncadd.s32 @!p0 $0xFFFFFC00;
	s23 =	simm.s32 @!p0 $0x80  }
0x6e: {  	[tilespmem:s26], [sflag:$0x1] =	stream.indirect.gather @!p0 [hbm4b:s1+s23], $0x80, s22, s23, $0xb8;
	[tilespmem:$0x1D000] =	vst v63  }
0x6f: {  	s24 =	sadd.s32 $0x80, s11;
	s30 =	simm.s32 $0x1;
	s31 =	sor.u32 $0x800, s29  }
0x70: {  	[spmem:s2] =	stream.indirect.scatter.add.f32 [tilespmem:s19], [sflag:$0x5], $0x80, s31, s16, $0xb8;
	[tilespmem:$0x1D000] =	vst v63  }
0x71: {  	s28 =	sand.u32 $0x1, s30;
	s23 =	simm.s32 $0x2;
	_ =	swait.ge [sflag:s14], $0x4000  }
0x72: {  	p0 =	por p6, p6;
	s22 =	sadd.s32 $0x80, s12;
	[sflag:s14] =	ssyncset.done $0x0  }
.LBB2_2:
0x73: {  	p1 =	seq.s32 s23, $0x9  }
0x74: {  	s26 =	sxor.u32 $0x1, s28;
	[sflag:s14] =	ssyncadd.s32 $0xFFFFC000;
	s25 =	smov.u32 s23  }
0x75: {  	s23 =	sadd.s32 $0x1, s23;
	s29 =	simm.s32 @!p0 $0x0;
	s26 =	sshll.u32 @!p0 s26, $0xA  }
0x76: {  	[tilespmem:s26], [sflag:$0x3] =	stream.linear.gather @!p0 [hbm4b:s22+s29], $0x400, $0x38;
	[tilespmem:$0x1D000] =	vst v63  }
0x77: {  	p2 =	sne.s32 s23, $0xA;
	s30 =	sor.u32 @!p0 $0x800, s26  }
0x78: {  	[tilespmem:s30], [sflag:$0x4] =	stream.linear.gather @!p0 [hbm4b:s24+s29], $0x400, $0x38;
	[tilespmem:$0x1D000] =	vst v63  }
0x79: {  	_ =	swait.ge [sflag:s18], $0x4000  }
0x7a: {  	s28 =	sshll.u32 s28, $0xA;
	[sflag:s18] =	ssyncset.done $0x0  }
0x7b: {  	s29 =	sor.u32 $0x80, s28;
	[sflag:s18] =	ssyncadd.s32 $0xFFFFC000  }
0x7c: {  	[tilespmem:s19], [sflag:$0x2] =	stream.indirect.gather [hbm4b:s1+s16], $0x80, s29, s16, $0xb8;
	[tilespmem:$0x1D000] =	vst v63  }
0x7d: {  	s29 =	sor.u32 $0x800, s28  }
0x7e: {  	[spmem:s2] =	stream.indirect.scatter.add.f32 [tilespmem:s17], [sflag:$0x5], $0x80, s29, s16, $0xb8;
	[tilespmem:$0x1D000] =	vst v63  }
0x7f: {  	_ =	swait.ge [sflag:s14], $0x4000  }
0x80: {  	[sflag:s14] =	ssyncset.done $0x0  }
0x81: {  	[sflag:s14] =	ssyncadd.s32 $0xFFFFC000  }
0x82: {  	_ =	swait.ge [sflag:s20], $0x4000  }
0x83: {  	[sflag:s20] =	ssyncset.done $0x0  }
0x84: {  	s29 =	sor.u32 $0x100, s28;
	[sflag:s20] =	ssyncadd.s32 $0xFFFFC000  }
0x85: {  	[tilespmem:s17], [sflag:$0x1] =	stream.indirect.gather [hbm4b:s1+s16], $0x80, s29, s16, $0xb8;
	[tilespmem:$0x1D000] =	vst v63  }
0x86: {  	s29 =	sor.u32 $0x880, s28  }
0x87: {  	[spmem:s2] =	stream.indirect.scatter.add.f32 [tilespmem:s19], [sflag:$0x5], $0x80, s29, s16, $0xb8;
	[tilespmem:$0x1D000] =	vst v63  }
0x88: {  	_ =	swait.ge [sflag:s14], $0x4000  }
0x89: {  	[sflag:s14] =	ssyncset.done $0x0  }
0x8a: {  	[sflag:s14] =	ssyncadd.s32 $0xFFFFC000  }
0x8b: {  	_ =	swait.ge [sflag:s18], $0x4000  }
0x8c: {  	[sflag:s18] =	ssyncset.done $0x0  }
0x8d: {  	s29 =	sor.u32 $0x180, s28;
	[sflag:s18] =	ssyncadd.s32 $0xFFFFC000  }
0x8e: {  	[tilespmem:s19], [sflag:$0x2] =	stream.indirect.gather [hbm4b:s1+s16], $0x80, s29, s16, $0xb8;
	[tilespmem:$0x1D000] =	vst v63  }
0x8f: {  	s29 =	sor.u32 $0x900, s28  }
0x90: {  	[spmem:s2] =	stream.indirect.scatter.add.f32 [tilespmem:s17], [sflag:$0x5], $0x80, s29, s16, $0xb8;
	[tilespmem:$0x1D000] =	vst v63  }
0x91: {  	_ =	swait.ge [sflag:s14], $0x4000  }
0x92: {  	[sflag:s14] =	ssyncset.done $0x0  }
0x93: {  	[sflag:s14] =	ssyncadd.s32 $0xFFFFC000  }
0x94: {  	_ =	swait.ge [sflag:s20], $0x4000  }
0x95: {  	[sflag:s20] =	ssyncset.done $0x0  }
0x96: {  	s29 =	sor.u32 $0x200, s28;
	[sflag:s20] =	ssyncadd.s32 $0xFFFFC000  }
0x97: {  	[tilespmem:s17], [sflag:$0x1] =	stream.indirect.gather [hbm4b:s1+s16], $0x80, s29, s16, $0xb8;
	[tilespmem:$0x1D000] =	vst v63  }
0x98: {  	s29 =	sor.u32 $0x980, s28  }
0x99: {  	[spmem:s2] =	stream.indirect.scatter.add.f32 [tilespmem:s19], [sflag:$0x5], $0x80, s29, s16, $0xb8;
	[tilespmem:$0x1D000] =	vst v63  }
0x9a: {  	_ =	swait.ge [sflag:s14], $0x4000  }
0x9b: {  	[sflag:s14] =	ssyncset.done $0x0  }
0x9c: {  	[sflag:s14] =	ssyncadd.s32 $0xFFFFC000  }
0x9d: {  	_ =	swait.ge [sflag:s18], $0x4000  }
0x9e: {  	[sflag:s18] =	ssyncset.done $0x0  }
0x9f: {  	s29 =	sor.u32 $0x280, s28;
	[sflag:s18] =	ssyncadd.s32 $0xFFFFC000  }
0xa0: {  	[tilespmem:s19], [sflag:$0x2] =	stream.indirect.gather [hbm4b:s1+s16], $0x80, s29, s16, $0xb8;
	[tilespmem:$0x1D000] =	vst v63  }
0xa1: {  	s29 =	sor.u32 $0xA00, s28  }
0xa2: {  	[spmem:s2] =	stream.indirect.scatter.add.f32 [tilespmem:s17], [sflag:$0x5], $0x80, s29, s16, $0xb8;
	[tilespmem:$0x1D000] =	vst v63  }
0xa3: {  	_ =	swait.ge [sflag:s14], $0x4000  }
0xa4: {  	[sflag:s14] =	ssyncset.done $0x0  }
0xa5: {  	[sflag:s14] =	ssyncadd.s32 $0xFFFFC000  }
0xa6: {  	_ =	swait.ge [sflag:s20], $0x4000  }
0xa7: {  	[sflag:s20] =	ssyncset.done $0x0  }
0xa8: {  	s29 =	sor.u32 $0x300, s28;
	[sflag:s20] =	ssyncadd.s32 $0xFFFFC000  }
0xa9: {  	[tilespmem:s17], [sflag:$0x1] =	stream.indirect.gather [hbm4b:s1+s16], $0x80, s29, s16, $0xb8;
	[tilespmem:$0x1D000] =	vst v63  }
0xaa: {  	s29 =	sor.u32 $0xA80, s28  }
0xab: {  	[spmem:s2] =	stream.indirect.scatter.add.f32 [tilespmem:s19], [sflag:$0x5], $0x80, s29, s16, $0xb8;
	[tilespmem:$0x1D000] =	vst v63  }
0xac: {  	_ =	swait.ge [sflag:s14], $0x4000  }
0xad: {  	[sflag:s14] =	ssyncset.done $0x0  }
0xae: {  	[sflag:s14] =	ssyncadd.s32 $0xFFFFC000  }
0xaf: {  	_ =	swait.ge [sflag:s18], $0x4000  }
0xb0: {  	[sflag:s18] =	ssyncset.done $0x0  }
0xb1: {  	s29 =	sor.u32 $0x380, s28;
	[sflag:s18] =	ssyncadd.s32 $0xFFFFC000  }
0xb2: {  	[tilespmem:s19], [sflag:$0x2] =	stream.indirect.gather [hbm4b:s1+s16], $0x80, s29, s16, $0xb8;
	[tilespmem:$0x1D000] =	vst v63  }
0xb3: {  	s28 =	sor.u32 $0xB00, s28  }
0xb4: {  	[spmem:s2] =	stream.indirect.scatter.add.f32 [tilespmem:s17], [sflag:$0x5], $0x80, s28, s16, $0xb8;
	[tilespmem:$0x1D000] =	vst v63  }
0xb5: {  	_ =	swait.ge [sflag:s14], $0x4000  }
0xb6: {  	[sflag:s14] =	ssyncset.done $0x0  }
0xb7: {  	[sflag:s14] =	ssyncadd.s32 $0xFFFFC000  }
0xb8: {  	_ =	swait.ge [sflag:s20], $0x4000  }
0xb9: {  	[sflag:s20] =	ssyncset.done $0x0  }
0xba: {  	s28 =	simm.s32 @!p0 $0x3;
	[sflag:s20] =	ssyncadd.s32 $0xFFFFC000  }
0xbb: {  	_ =	swait.ge @!p0 [sflag:s28], $0x400  }
0xbc: {  	[sflag:s28] =	ssyncset.done @!p0 $0x0  }
0xbd: {  	[sflag:s28] =	ssyncadd.s32 @!p0 $0xFFFFFC00;
	s28 =	simm.s32 @!p0 $0x4  }
0xbe: {  	_ =	swait.ge @!p0 [sflag:s28], $0x400  }
0xbf: {  	[sflag:s28] =	ssyncset.done @!p0 $0x0  }
0xc0: {  	s30 =	simm.s32 @!p0 $0x1000;
	[sflag:s28] =	ssyncadd.s32 @!p0 $0xFFFFFC00;
	s28 =	simm.s32 @!p0 $0x80  }
0xc1: {  	[tilespmem:s30], [sflag:$0x1] =	stream.indirect.gather @!p0 [hbm4b:s1+s28], $0x80, s26, s28, $0xb8;
	[tilespmem:$0x1D000] =	vst v63  }
.Ltmp0:
0xc2: {  	_ = 	snop;
	(pc) =	sbr.rel @p2 .LBB2_2-.Ltmp0, $4  }
0xc3: {  	s26 =	sor.u32 $0x800, s29;
	p0 =	por p1, p1  }
0xc4: {  	[spmem:s2] =	stream.indirect.scatter.add.f32 [tilespmem:s19], [sflag:$0x5], $0x80, s26, s16, $0xb8;
	[tilespmem:$0x1D000] =	vst v63  }
0xc5: {  	s22 =	sadd.s32 $0x80, s22;
	_ =	swait.ge [sflag:s14], $0x4000  }
0xc6: {  	s24 =	sadd.s32 $0x80, s24;
	s28 =	sand.u32 $0x1, s25;
	[sflag:s14] =	ssyncset.done $0x0  }
0xc7: {  	s23 =	sxor.u32 $0x1, s28  }
0xc8: {  	[sflag:s14] =	ssyncadd.s32 $0xFFFFC000;
	s25 =	simm.s32 @!p0 $0x0;
	s23 =	sshll.u32 @!p0 s23, $0xA  }
0xc9: {  	[tilespmem:s23], [sflag:$0x3] =	stream.linear.gather @!p0 [hbm4b:s22+s25], $0x400, $0x38;
	[tilespmem:$0x1D000] =	vst v63  }
0xca: {  	s22 =	sor.u32 @!p0 $0x800, s23  }
0xcb: {  	[tilespmem:s22], [sflag:$0x4] =	stream.linear.gather @!p0 [hbm4b:s24+s25], $0x400, $0x38;
	[tilespmem:$0x1D000] =	vst v63  }
0xcc: {  	_ =	swait.ge [sflag:s18], $0x4000  }
0xcd: {  	s22 =	sshll.u32 s28, $0xA;
	[sflag:s18] =	ssyncset.done $0x0  }
0xce: {  	s30 =	sor.u32 $0x80, s22;
	[sflag:s18] =	ssyncadd.s32 $0xFFFFC000  }
0xcf: {  	[tilespmem:s19], [sflag:$0x2] =	stream.indirect.gather [hbm4b:s1+s16], $0x80, s30, s16, $0xb8;
	[tilespmem:$0x1D000] =	vst v63  }
0xd0: {  	s31 =	sor.u32 $0x800, s22  }
0xd1: {  	[spmem:s2] =	stream.indirect.scatter.add.f32 [tilespmem:s17], [sflag:$0x5], $0x80, s31, s16, $0xb8;
	[tilespmem:$0x1D000] =	vst v63  }
0xd2: {  	_ =	swait.ge [sflag:s14], $0x4000  }
0xd3: {  	[sflag:s14] =	ssyncset.done $0x0  }
0xd4: {  	[sflag:s14] =	ssyncadd.s32 $0xFFFFC000  }
0xd5: {  	_ =	swait.ge [sflag:s20], $0x4000  }
0xd6: {  	[sflag:s20] =	ssyncset.done $0x0  }
0xd7: {  	s25 =	sor.u32 $0x100, s22;
	[sflag:s20] =	ssyncadd.s32 $0xFFFFC000  }
0xd8: {  	[tilespmem:s17], [sflag:$0x1] =	stream.indirect.gather [hbm4b:s1+s16], $0x80, s25, s16, $0xb8;
	[tilespmem:$0x1D000] =	vst v63  }
0xd9: {  	s26 =	sor.u32 $0x880, s22  }
0xda: {  	[spmem:s2] =	stream.indirect.scatter.add.f32 [tilespmem:s19], [sflag:$0x5], $0x80, s26, s16, $0xb8;
	[tilespmem:$0x1D000] =	vst v63  }
0xdb: {  	_ =	swait.ge [sflag:s14], $0x4000  }
0xdc: {  	[sflag:s14] =	ssyncset.done $0x0  }
0xdd: {  	[sflag:s14] =	ssyncadd.s32 $0xFFFFC000  }
0xde: {  	_ =	swait.ge [sflag:s18], $0x4000  }
0xdf: {  	[sflag:s18] =	ssyncset.done $0x0  }
0xe0: {  	s28 =	sor.u32 $0x180, s22;
	[sflag:s18] =	ssyncadd.s32 $0xFFFFC000  }
0xe1: {  	[tilespmem:s19], [sflag:$0x2] =	stream.indirect.gather [hbm4b:s1+s16], $0x80, s28, s16, $0xb8;
	[tilespmem:$0x1D000] =	vst v63  }
0xe2: {  	s29 =	sor.u32 $0x900, s22  }
0xe3: {  	[spmem:s2] =	stream.indirect.scatter.add.f32 [tilespmem:s17], [sflag:$0x5], $0x80, s29, s16, $0xb8;
	[tilespmem:$0x1D000] =	vst v63  }
0xe4: {  	_ =	swait.ge [sflag:s14], $0x4000  }
0xe5: {  	[sflag:s14] =	ssyncset.done $0x0  }
0xe6: {  	[sflag:s14] =	ssyncadd.s32 $0xFFFFC000  }
0xe7: {  	_ =	swait.ge [sflag:s20], $0x4000  }
0xe8: {  	[sflag:s20] =	ssyncset.done $0x0  }
0xe9: {  	s30 =	sor.u32 $0x200, s22;
	[sflag:s20] =	ssyncadd.s32 $0xFFFFC000  }
0xea: {  	[tilespmem:s17], [sflag:$0x1] =	stream.indirect.gather [hbm4b:s1+s16], $0x80, s30, s16, $0xb8;
	[tilespmem:$0x1D000] =	vst v63  }
0xeb: {  	s31 =	sor.u32 $0x980, s22  }
0xec: {  	[spmem:s2] =	stream.indirect.scatter.add.f32 [tilespmem:s19], [sflag:$0x5], $0x80, s31, s16, $0xb8;
	[tilespmem:$0x1D000] =	vst v63  }
0xed: {  	_ =	swait.ge [sflag:s14], $0x4000  }
0xee: {  	[sflag:s14] =	ssyncset.done $0x0  }
0xef: {  	[sflag:s14] =	ssyncadd.s32 $0xFFFFC000  }
0xf0: {  	_ =	swait.ge [sflag:s18], $0x4000  }
0xf1: {  	[sflag:s18] =	ssyncset.done $0x0  }
0xf2: {  	s25 =	sor.u32 $0x280, s22;
	[sflag:s18] =	ssyncadd.s32 $0xFFFFC000  }
0xf3: {  	[tilespmem:s19], [sflag:$0x2] =	stream.indirect.gather [hbm4b:s1+s16], $0x80, s25, s16, $0xb8;
	[tilespmem:$0x1D000] =	vst v63  }
0xf4: {  	s26 =	sor.u32 $0xA00, s22  }
0xf5: {  	[spmem:s2] =	stream.indirect.scatter.add.f32 [tilespmem:s17], [sflag:$0x5], $0x80, s26, s16, $0xb8;
	[tilespmem:$0x1D000] =	vst v63  }
0xf6: {  	_ =	swait.ge [sflag:s14], $0x4000  }
0xf7: {  	[sflag:s14] =	ssyncset.done $0x0  }
0xf8: {  	[sflag:s14] =	ssyncadd.s32 $0xFFFFC000  }
0xf9: {  	_ =	swait.ge [sflag:s20], $0x4000  }
0xfa: {  	[sflag:s20] =	ssyncset.done $0x0  }
0xfb: {  	s28 =	sor.u32 $0x300, s22;
	[sflag:s20] =	ssyncadd.s32 $0xFFFFC000  }
0xfc: {  	[tilespmem:s17], [sflag:$0x1] =	stream.indirect.gather [hbm4b:s1+s16], $0x80, s28, s16, $0xb8;
	[tilespmem:$0x1D000] =	vst v63  }
0xfd: {  	s29 =	sor.u32 $0xA80, s22  }
0xfe: {  	[spmem:s2] =	stream.indirect.scatter.add.f32 [tilespmem:s19], [sflag:$0x5], $0x80, s29, s16, $0xb8;
	[tilespmem:$0x1D000] =	vst v63  }
0xff: {  	_ =	swait.ge [sflag:s14], $0x4000  }
0x100: {  	[sflag:s14] =	ssyncset.done $0x0  }
0x101: {  	[sflag:s14] =	ssyncadd.s32 $0xFFFFC000  }
0x102: {  	_ =	swait.ge [sflag:s18], $0x4000  }
0x103: {  	[sflag:s18] =	ssyncset.done $0x0  }
0x104: {  	s30 =	sor.u32 $0x380, s22;
	[sflag:s18] =	ssyncadd.s32 $0xFFFFC000  }
0x105: {  	[tilespmem:s19], [sflag:$0x2] =	stream.indirect.gather [hbm4b:s1+s16], $0x80, s30, s16, $0xb8;
	[tilespmem:$0x1D000] =	vst v63  }
0x106: {  	s22 =	sor.u32 $0xB00, s22  }
0x107: {  	[spmem:s2] =	stream.indirect.scatter.add.f32 [tilespmem:s17], [sflag:$0x5], $0x80, s22, s16, $0xb8;
	[tilespmem:$0x1D000] =	vst v63  }
0x108: {  	_ =	swait.ge [sflag:s14], $0x4000  }
0x109: {  	[sflag:s14] =	ssyncset.done $0x0  }
0x10a: {  	[sflag:s14] =	ssyncadd.s32 $0xFFFFC000  }
0x10b: {  	_ =	swait.ge [sflag:s20], $0x4000  }
0x10c: {  	[sflag:s20] =	ssyncset.done $0x0  }
0x10d: {  	s22 =	simm.s32 @!p0 $0x3;
	[sflag:s20] =	ssyncadd.s32 $0xFFFFC000  }
0x10e: {  	_ =	swait.ge @!p0 [sflag:s22], $0x400  }
0x10f: {  	[sflag:s22] =	ssyncset.done @!p0 $0x0  }
0x110: {  	[sflag:s22] =	ssyncadd.s32 @!p0 $0xFFFFFC00;
	s22 =	simm.s32 @!p0 $0x4  }
0x111: {  	_ =	swait.ge @!p0 [sflag:s22], $0x400  }
0x112: {  	[sflag:s22] =	ssyncset.done @!p0 $0x0  }
0x113: {  	s25 =	simm.s32 @!p0 $0x1000;
	[sflag:s22] =	ssyncadd.s32 @!p0 $0xFFFFFC00;
	s22 =	simm.s32 @!p0 $0x80  }
0x114: {  	[tilespmem:s25], [sflag:$0x1] =	stream.indirect.gather @!p0 [hbm4b:s1+s22], $0x80, s23, s22, $0xb8;
	[tilespmem:$0x1D000] =	vst v63  }
0x115: {  	s31 =	sor.u32 $0x800, s30  }
0x116: {  	[spmem:s2] =	stream.indirect.scatter.add.f32 [tilespmem:s19], [sflag:$0x5], $0x80, s31, s16, $0xb8;
	[tilespmem:$0x1D000] =	vst v63  }
0x117: {  	_ =	swait.ge [sflag:s14], $0x4000  }
0x118: {  	s21 =	sadd.s32 $0x1, s21;
	[sflag:s14] =	ssyncset.done $0x0  }
0x119: {  	p0 =	sne.s32 s21, s9;
	[sflag:s14] =	ssyncadd.s32 $0xFFFFC000  }
.Ltmp1:
0x11a: {  	[bflag:$0x0] =	sbarrier.arrive $0xFFFF;
	(pc) =	sbr.rel @p0 .LBB2_1-.Ltmp1, $4  }
0x11b: {  	[hbm:s10], [sflag:s6] =	dma.local [spmem:s13], $0x2800  }
0x11c: {  	_ =	swait.ge [sflag:s14], $0x2800  }
0x11d: {  	[sflag:s14] =	ssyncset.done $0x0  }
0x11e: {  	[sflag:s14] =	ssyncadd.s32 $0xFFFFD800  }
0x11f: {  	_ =	sfence.sel $0x180000  }
0x120: {  	[bflag:$0x0] =	sbarrier.arrive $0xFFFF  }
0x121: {  	p0 =	sne.s32 s3, $0x0;
	_ =	strace $0x90000047  }
0x122: {  	s0 =	sadd.s32 @!p0 $0x100000, s0;
	[bflag:$0x2] =	sbarrier.arrive $0xFFFF  }
0x123: {  	[sflag:s0] =	ssyncadd.tile.s32 @!p0 $0x1;
	_ =	shalt  }
.Lfunc_end2:
_tile_overlayer_lowered:
.L_overlay_start_2:
0x124: {  	(tag) =	ssettag $0x2  }
0x125: {  	s0 =	rddreg [dreg:$0x0];
	s2 =	stileid.u32  }
0x126: {  	s1 =	rddreg [dreg:$0x1];
	p0 =	sne.s32 s2, $0x0  }
0x127: {  	s3 =	rddreg [dreg:$0x2];
	[bflag:$0x3] =	sbarrier.arrive $0xFFFF;
	s2 =	simm.s32 @!p0 $0x1C05  }
0x128: {  	[timem:s3], [sflag:s2] =	dma.local @!p0 [hbm:s0], s1  }
0x129: {  	s0 =	simm.s32 @!p0 $0x5  }
0x12a: {  	_ =	swait.ge @!p0 [sflag:s0], s1  }
0x12b: {  	s1 =	ssub.s32 @!p0 $0x0, s1;
	[sflag:s0] =	ssyncset.done @!p0 $0x0  }
0x12c: {  	[sflag:s0] =	ssyncadd.s32 @!p0 s1  }
0x12d: {  	[bflag:$0x3] =	sbarrier.arrive $0xFFFF  }
0x12e: {  	_ =	shalt  }

// kernel: kernel.9.cloned.1.call-start
scs
__scs_entry_jumppad:
0x0: {  	(pc) =	sbr.rel $0x88, $3  }
0x1: {  	(tag) =	ssettag $0x0;
	lr =	simm.s32 $0x1  }
0x2: {  	[smem:$0x3F96] =	sst lr;
	_ =	strace $0xD0000000  }
0x3: {  	_ = 	snop  }
0x4: {  	_ = 	snop  }
0x5: {  	_ = 	snop  }
0x6: {  	_ = 	snop  }
0x7: {  	_ = 	snop  }
__scs_overlays_trampoline_lowered:
0x8: {  	[smem:$0x3FA5] =	sst s0  }
0x9: {  	[smem:$0x3FA6] =	sst s1  }
0xa: {  	[smem:$0x3FA7] =	sst s2  }
0xb: {  	[smem:$0x3FA8] =	sst s3  }
0xc: {  	[smem:$0x3FA9] =	sst s4  }
0xd: {  	[smem:$0x3FAA] =	sst s5  }
0xe: {  	[smem:$0x3FAB] =	sst s6  }
0xf: {  	[smem:$0x3FAC] =	sst s7  }
0x10: {  	[smem:$0x3FAD] =	sst s8  }
0x11: {  	[smem:$0x3FAE] =	sst s9;
	s0 =	simm.s32 @!p0 $0x0  }
0x12: {  	s1 =	sld [smem:$0x3F94];
	s0 =	simm.s32 @p0 $0x1  }
0x13: {  	[smem:$0x3FAF] =	sst s0;
	s0 =	simm.s32 @!p1 $0x0  }
0x14: {  	s2 =	sld [smem:$0x3F93];
	s0 =	simm.s32 @p1 $0x1  }
0x15: {  	[smem:$0x3FB0] =	sst s0;
	s0 =	simm.s32 @!p2 $0x0  }
0x16: {  	s3 =	sld [smem:$0x3FDB];
	s0 =	simm.s32 @p2 $0x1  }
0x17: {  	s4 =	simm.s32 $0x1BF5;
	[smem:$0x3FB2] =	sst s0  }
0x18: {  	s0 =	sld [smem:$0x3F95];
	_ =	swait.ge [sflag:s4], $0x0  }
0x19: {  	s7 =	sld [smem:$0x3F96]  }
0x1a: {  	s8 =	sadd.s32 $0xFFFFE003, lr  }
0x1b: {  	s9 =	sadd.s32 $0xFFFFFEF7, lr;
	s5 =	simm.s32 $0xFFFFFFFF;
	p2 =	slt.u32 s8, $0xFFFFF086  }
0x1c: {  	p1 =	slt.u32 s9, $0xF7A;
	s5 =	simm.s32 @!p2 $0x0  }
0x1d: {  	s5 =	simm.s32 @p1 $0x1;
	p0 =	seq.s32 s7, s2  }
0x1e: {  	s7 =	smul.u32 @!p0 $0xF7A, s2;
	p2 =	seq.s32 @!p0 s5, $0x0  }
0x1f: {  	s9 =	smul.u32 $0xF7A, s1;
	s8 =	simm.s32 @!p0 $0x1BF5;
	p2 =	por !p2, p0  }
0x20: {  	[sflag:s8] =	ssyncset.s32 @!p0 $0xFFFFF086;
	s6 =	sadd.s32 @!p0 s3, s7;
	s7 =	simm.s32 @!p0 $0x108  }
0x21: {  	s3 =	sadd.s32 s3, s9;
	s6 =	sadd.s32 @!p0 $0x88, s6;
	s7 =	simm.s32 @p2 $0x1082  }
0x22: {  	[simem:s7], [sflag:s8] =	dma.local @!p0 [hbm:s6], $0xF7A  }
0x23: {  	s9 =	sor.u32 $0xD0000000, s2;
	s6 =	simm.s32 $0x108;
	_ =	swait.ge @!p0 [sflag:s8], $0x0  }
0x24: {  	s3 =	sadd.s32 $0x88, s3;
	s6 =	simm.s32 @!p1 $0x1082;
	[sflag:s4] =	ssyncset.s32 $0xFFFFF086  }
0x25: {  	[simem:s6], [sflag:s4] =	dma.local [hbm:s3], $0xF7A  }
0x26: {  	[smem:$0x3F96] =	sst s1;
	(tag) =	ssettag s2;
	_ =	strace s9  }
0x27: {  	s1 =	sld [smem:$0x3FA6]  }
0x28: {  	s2 =	sld [smem:$0x3FA7]  }
0x29: {  	s4 =	sld [smem:$0x3FA9]  }
0x2a: {  	p0 =	seq.s32 s5, $0x0;
	s5 =	sld [smem:$0x3FAA]  }
0x2b: {  	s6 =	sld [smem:$0x3FAB]  }
0x2c: {  	s7 =	sld [smem:$0x3FAC]  }
0x2d: {  	s3 =	simm.s32 $0x108;
	s8 =	sld [smem:$0x3FAD]  }
0x2e: {  	s3 =	simm.s32 @!p0 $0x1082;
	s9 =	sld [smem:$0x3FAE]  }
0x2f: {  	lr =	sadd.s32 s0, s3;
	s0 =	sld [smem:$0x3FA5]  }
0x30: {  	s3 =	sld [smem:$0x3FA8]  }
0x31: {  	[smem:$0x3FB1] =	sst s10  }
0x32: {  	s10 =	sld [smem:$0x3FAF];
	_ =	sdelay $0x3  }
0x33: {  	p0 =	seq.s32 s10, $0x1;
	s10 =	sld [smem:$0x3FB1];
	_ =	sdelay $0x3  }
0x34: {  	[smem:$0x3FB1] =	sst s10  }
0x35: {  	s10 =	sld [smem:$0x3FB0];
	_ =	sdelay $0x3  }
0x36: {  	p1 =	seq.s32 s10, $0x1;
	s10 =	sld [smem:$0x3FB1];
	_ =	sdelay $0x3  }
0x37: {  	[smem:$0x3FB1] =	sst s10  }
0x38: {  	s10 =	sld [smem:$0x3FB2]  }
0x39: {  	_ = 	snop;
	(pc) =	sbr.ind lr, $3  }
0x3a: {  	_ = 	snop  }
0x3b: {  	_ = 	snop  }
0x3c: {  	p2 =	seq.s32 s10, $0x1;
	s10 =	sld [smem:$0x3FB1]  }
0x3d: {  	_ =	shalt  }
0x3e: {  	_ =	shalt  }
0x3f: {  	_ =	shalt  }
0x40: {  	_ =	shalt  }
0x41: {  	_ =	shalt  }
0x42: {  	_ =	shalt  }
0x43: {  	_ =	shalt  }
0x44: {  	_ =	shalt  }
0x45: {  	_ =	shalt  }
0x46: {  	_ =	shalt  }
0x47: {  	_ =	shalt  }
0x48: {  	_ =	shalt  }
0x49: {  	_ =	shalt  }
0x4a: {  	_ =	shalt  }
0x4b: {  	_ =	shalt  }
0x4c: {  	_ =	shalt  }
0x4d: {  	_ =	shalt  }
0x4e: {  	_ =	shalt  }
0x4f: {  	_ =	shalt  }
0x50: {  	_ =	shalt  }
0x51: {  	_ =	shalt  }
0x52: {  	_ =	shalt  }
0x53: {  	_ =	shalt  }
0x54: {  	_ =	shalt  }
0x55: {  	_ =	shalt  }
0x56: {  	_ =	shalt  }
0x57: {  	_ =	shalt  }
0x58: {  	_ =	shalt  }
0x59: {  	_ =	shalt  }
0x5a: {  	_ =	shalt  }
0x5b: {  	_ =	shalt  }
0x5c: {  	_ =	shalt  }
0x5d: {  	_ =	shalt  }
0x5e: {  	_ =	shalt  }
0x5f: {  	_ =	shalt  }
0x60: {  	_ =	shalt  }
0x61: {  	_ =	shalt  }
0x62: {  	_ =	shalt  }
0x63: {  	_ =	shalt  }
0x64: {  	_ =	shalt  }
0x65: {  	_ =	shalt  }
0x66: {  	_ =	shalt  }
0x67: {  	_ =	shalt  }
0x68: {  	_ =	shalt  }
0x69: {  	_ =	shalt  }
0x6a: {  	_ =	shalt  }
0x6b: {  	_ =	shalt  }
0x6c: {  	_ =	shalt  }
0x6d: {  	_ =	shalt  }
0x6e: {  	_ =	shalt  }
0x6f: {  	_ =	shalt  }
0x70: {  	_ =	shalt  }
0x71: {  	_ =	shalt  }
0x72: {  	_ =	shalt  }
0x73: {  	_ =	shalt  }
0x74: {  	_ =	shalt  }
0x75: {  	_ =	shalt  }
0x76: {  	_ =	shalt  }
0x77: {  	_ =	shalt  }
0x78: {  	_ =	shalt  }
0x79: {  	_ =	shalt  }
0x7a: {  	_ =	shalt  }
0x7b: {  	_ =	shalt  }
0x7c: {  	_ =	shalt  }
0x7d: {  	_ =	shalt  }
0x7e: {  	_ =	shalt  }
0x7f: {  	_ =	shalt  }
0x80: {  	_ =	shalt  }
0x81: {  	_ =	shalt  }
0x82: {  	_ =	shalt  }
0x83: {  	_ =	shalt  }
0x84: {  	_ =	shalt  }
0x85: {  	_ =	shalt  }
0x86: {  	_ =	shalt  }
0x87: {  	_ =	shalt  }
.Lfunc_end0:
.L_simem_size_0:
called_computation.1_lowered:
.L_overlay_start_0:
0x88: {  	s2 =	sld [smem:$0x3FD9]  }
0x89: {  	s3 =	sld [smem:$0x3FFE];
	_ =	sdelay $0x1  }
0x8a: {  	s1 =	srdreg.scid  }
0x8b: {  	s0 =	sand.u32 $0x1, s1  }
0x8c: {  	s16 =	sshll.u32 s0, $0xA;
	s2 =	sadd.s32 s3, s2  }
0x8d: {  	s2 =	sadd.s32 s2, s16  }
0x8e: {  	[smem:$0x3FBD] =	sst s2  }
0x8f: {  	_ = 	snop  }
0x90: {  	(tm) =	ssettm $0x1  }
0x91: {  	s17 =	sld [smem:$0x3FFB];
	_ =	sdelay $0x3  }
0x92: {  	_ =	strace s17  }
0x93: {  	s2 =	sld [smem:$0x3FFC];
	_ =	sdelay $0x3  }
0x94: {  	_ =	strace s2  }
0x95: {  	s2 =	sld [smem:$0x3FFD];
	_ =	sdelay $0x3  }
0x96: {  	_ =	strace s2  }
0x97: {  	_ =	strace $0x8FFFFFFF  }
0x98: {  	s18 =	sld [smem:$0x3FDB];
	_ =	sdelay $0x1  }
0x99: {  	s19 =	simm.s32 $_scs_section_size  }
0x9a: {  	s4 =	simm.s32 $_size__tile_overlayer_lowered;
	s5 =	simm.s32 $_tile_overlayer_lowered  }
0x9b: {  	s22 =	simm.s32 $0x1BFF;
	s21 =	sshll.u32 s5, $0x1;
	s2 =	sadd.s32 s19, s18  }
0x9c: {  	s6 =	simm.s32 $0x0;
	s20 =	sshll.u32 s4, $0x1;
	s4 =	sadd.s32 s21, s2  }
0x9d: {  	[timem:s6], [sflag:s22] =	dma.local [hbm:s4], s20  }
0x9e: {  	_ =	swait.ge [sflag:s22], s20  }
0x9f: {  	s3 =	ssub.s32 $0x0, s20;
	[sflag:s22] =	ssyncset.done $0x0  }
0xa0: {  	[sflag:s22] =	ssyncadd.s32 s3;
	_ =	sdelay $0x1  }
0xa1: {  	s23 =	simm.s32 $0x1B8B  }
0xa2: {  	_ =	swait.ge [sflag:s23], $0x1  }
0xa3: {  	[sflag:s23] =	ssyncset.done $0x0  }
0xa4: {  	s25 =	simm.s32 $0x1B8E;
	s24 =	sld [smem:$0x3FFE];
	[sflag:s23] =	ssyncadd.s32 $0xFFFFFFFF  }
0xa5: {  	s26 =	simm.s32 $execute0_lowered;
	[smem:$0x3FD2] =	sst s25  }
0xa6: {  	s4 =	sshll.u32 s26, $0x1;
	_ =	strace $0x80000049;
	[dreg:$0x1] =	wrdreg $0xFFFFFFFF  }
0xa7: {  	s28 =	simm.s32 $_size_execute0_lowered;
	s2 =	sadd.s32 s2, s4;
	[dreg:$0x0] =	wrdreg $0x0  }
0xa8: {  	s4 =	sshll.u32 s28, $0x1;
	[dreg:$0x2] =	wrdreg s2  }
0xa9: {  	[dreg:$0x3] =	wrdreg s4  }
0xaa: {  	[dreg:$0x4] =	wrdreg $0xC0  }
0xab: {  	_ =	task [dreg:s6], $0x5FFFF  }
0xac: {  	[dreg:$0x1] =	wrdreg $0xFFFFFFFF  }
0xad: {  	[dreg:$0x0] =	wrdreg $0x60  }
0xae: {  	[dreg:$0x2] =	wrdreg s24  }
0xaf: {  	[dreg:$0x3] =	wrdreg $0x90000  }
0xb0: {  	[dreg:$0x4] =	wrdreg $0x9  }
0xb1: {  	_ =	task.clear_ibuf [dreg:s6], $0x5FFFF;
	_ =	strace $0x90000049  }
0xb2: {  	s29 =	simm.s32 $0x9;
	_ =	strace $0x8000004B  }
0xb3: {  	_ =	swait.ge [sflag:s29], $0x1  }
0xb4: {  	[sflag:s29] =	ssyncadd.s32 $0xFFFFFFFF  }
0xb5: {  	_ =	strace $0x9000004B  }
0xb6: {  	_ =	sfence  }
0xb7: {  	s30 =	sld [smem:$0x0];
	_ =	sdelay $0x2  }
0xb8: {  	s31 =	sshll.u32 s1, $0xD;
	s1 =	sshrl.u32 s1, $0x2  }
0xb9: {  	s3 =	sand.u32 $0x4000, s31;
	s1 =	sadd.s32 s1, s30  }
0xba: {  	s0 =	sor.u32 s3, s0;
	s1 =	sshll.u32 s1, $0x11  }
0xbb: {  	s0 =	sor.u32 s1, s0  }
0xbc: {  	s0 =	sadd.s32 $0x8F2B, s0  }
0xbd: {  	[sflag:s0] =	ssyncadd.remote.s32 $0x1  }
0xbe: {  	_ =	sfence.sel $0xFFFF  }
0xbf: {  	[dreg:$0x0] =	wrdreg $0xFFFFFFFF;
	(pc) =	sbr.abs _section_cstart, $3  }
0xc0: {  	[dreg:$0x1] =	wrdreg $0xFFFFFFFF  }
0xc1: {  	_ =	task.clear_ibuf [dreg:s6], $0x2FFFF;
	_ =	strace $0x9FFFFFFF  }
0xc2: {  	(tm) =	ssettm $0x7FFFFFFF  }
0xc3: {  	_ =	shalt  }
tec
execute0_lowered:
.L_overlay_start_1:
0x0: {  	(tag) =	ssettag $0x1  }
0x1: {  	s5 =	rddreg [dreg:$0x0]  }
0x2: {  	s1 =	rddreg [dreg:$0x1]  }
0x3: {  	s0 =	rddreg [dreg:$0x2];
	s2 =	simm.s32 $0x0  }
0x4: {  	s3 =	stileid.u32;
	s6 =	srdreg.scid;
	s17 =	simm.s32 $0x1000  }
0x5: {  	s18 =	simm.s32 $0x1;
	s19 =	simm.s32 $0x5000;
	s20 =	simm.s32 $0x2  }
0x6: {  	s21 =	simm.s32 $0x0;
	[smem:$0x7FF] =	sst s2;
	s4 =	sadd.s32 $0x3F000, s5  }
0x7: {  	s12 =	sadd.s32 $0x3000, s5;
	s11 =	sadd.s32 $0xD000, s5;
	s9 =	smul.u32 $0x2800, s3  }
0x8: {  	s10 =	sand.u32 $0x1, s6;
	s7 =	smul.u32 $0x50000, s3;
	s30 =	sshll.u32 s3, $0x6  }
0x9: {  	_ =	strace $0x8000004A;
	s6 =	ssub.s32 $0x2, s10;
	s8 =	sshll.u32 s10, $0x4  }
0xa: {  	s16 =	smul.u32 $0x28000, s10;
	p0 =	seq.s32 s10, $0x1;
	s10 =	simm.s32 $0x8E200  }
0xb: {  	s13 =	sadd.s32 s9, s5;
	s26 =	sshrl.u32 s6, $0x1;
	s8 =	sor.u32 s3, s8  }
0xc: {  	s28 =	sshrl.u32 s7, $0x2;
	s10 =	simm.s32 @!p0 $0x66200;
	s14 =	ssub.s32 s6, s26  }
0xd: {  	s29 =	smul.u32 $0x2800, s8;
	s15 =	sadd.s32 s28, s1;
	s5 =	sadd.s32 $0x17000, s13  }
0xe: {  	s6 =	sor.u32 $0x1C05, s30;
	s9 =	sadd.s32 s9, s16;
	s10 =	sadd.s32 s10, s13  }
0xf: {  	s16 =	sor.u32 $0x400, s9;
	s9 =	smax.u32 s14, $0x1;
	s13 =	sshrl.u32 s15, $0x3  }
0x10: {  	s14 =	simm.s32 $0x5;
	s15 =	simm.s32 $0x800;
	s8 =	sshrl.u32 s29, $0x3  }
0x11: {  	s31 =	sshrl.u32 s16, $0x3;
	s16 =	simm.s32 $0x80;
	s7 =	sadd.s32 s12, s8  }
0x12: {  	s8 =	sadd.s32 s11, s8;
	s11 =	sadd.s32 s31, s11;
	s12 =	sadd.s32 s31, s12  }
.LBB2_1:
0x13: {  	[spmem:s13], [sflag:s6] =	dma.local [hbm:s5], $0x2800  }
0x14: {  	_ =	swait.ge [sflag:s14], $0x2800  }
0x15: {  	[sflag:s14] =	ssyncset.done $0x0  }
0x16: {  	[sflag:s14] =	ssyncadd.s32 $0xFFFFD800  }
0x17: {  	[tilespmem:s2], [sflag:$0x5] =	stream.linear.gather [hbm4b:s7+s2], $0x400, $0x38;
	[tilespmem:$0x1D000] =	vst v63  }
0x18: {  	_ =	swait.ge [sflag:s14], $0x400  }
0x19: {  	[sflag:s14] =	ssyncset.done $0x0  }
0x1a: {  	[sflag:s14] =	ssyncadd.s32 $0xFFFFFC00  }
0x1b: {  	[tilespmem:s15], [sflag:$0x5] =	stream.linear.gather [hbm4b:s8+s2], $0x400, $0x38;
	[tilespmem:$0x1D000] =	vst v63  }
0x1c: {  	_ =	swait.ge [sflag:s14], $0x400  }
0x1d: {  	[sflag:s14] =	ssyncset.done $0x0  }
0x1e: {  	p0 =	por $0x0, $0x0;
	s23 =	sand.u32 $0x1, s2;
	[sflag:s14] =	ssyncadd.s32 $0xFFFFFC00  }
0x1f: {  	p0 =	por p0, p0;
	s22 =	sxor.u32 $0x1, s23;
	[bflag:$0x0] =	sbarrier.arrive $0xFFFF  }
0x20: {  	[tilespmem:s17], [sflag:$0x1] =	stream.indirect.gather [hbm4b:s4+s16], $0x80, s2, s16, $0xb8;
	[tilespmem:$0x1D000] =	vst v63  }
0x21: {  	s22 =	sshll.u32 @!p0 s22, $0xA;
	s24 =	simm.s32 @!p0 $0x0  }
0x22: {  	[tilespmem:s22], [sflag:$0x3] =	stream.linear.gather @!p0 [hbm4b:s12+s24], $0x400, $0x38;
	[tilespmem:$0x1D000] =	vst v63  }
0x23: {  	s25 =	sor.u32 @!p0 $0x800, s22  }
0x24: {  	[tilespmem:s25], [sflag:$0x4] =	stream.linear.gather @!p0 [hbm4b:s11+s24], $0x400, $0x38;
	[tilespmem:$0x1D000] =	vst v63  }
0x25: {  	_ =	swait.ge [sflag:s18], $0x4000  }
0x26: {  	s23 =	sshll.u32 s23, $0xA;
	[sflag:s18] =	ssyncset.done $0x0  }
0x27: {  	s25 =	sor.u32 $0x80, s23;
	[sflag:s18] =	ssyncadd.s32 $0xFFFFC000  }
0x28: {  	[tilespmem:s19], [sflag:$0x2] =	stream.indirect.gather [hbm4b:s4+s16], $0x80, s25, s16, $0xb8;
	[tilespmem:$0x1D000] =	vst v63  }
0x29: {  	s26 =	sor.u32 $0x800, s23  }
0x2a: {  	[spmem:s1] =	stream.indirect.scatter.add.f32 [tilespmem:s17], [sflag:$0x5], $0x80, s26, s16, $0xb8;
	[tilespmem:$0x1D000] =	vst v63  }
0x2b: {  	_ =	swait.ge [sflag:s14], $0x4000  }
0x2c: {  	[sflag:s14] =	ssyncset.done $0x0  }
0x2d: {  	[sflag:s14] =	ssyncadd.s32 $0xFFFFC000  }
0x2e: {  	_ =	swait.ge [sflag:s20], $0x4000  }
0x2f: {  	[sflag:s20] =	ssyncset.done $0x0  }
0x30: {  	s29 =	sor.u32 $0x100, s23;
	[sflag:s20] =	ssyncadd.s32 $0xFFFFC000  }
0x31: {  	[tilespmem:s17], [sflag:$0x1] =	stream.indirect.gather [hbm4b:s4+s16], $0x80, s29, s16, $0xb8;
	[tilespmem:$0x1D000] =	vst v63  }
0x32: {  	s30 =	sor.u32 $0x880, s23  }
0x33: {  	[spmem:s1] =	stream.indirect.scatter.add.f32 [tilespmem:s19], [sflag:$0x5], $0x80, s30, s16, $0xb8;
	[tilespmem:$0x1D000] =	vst v63  }
0x34: {  	_ =	swait.ge [sflag:s14], $0x4000  }
0x35: {  	[sflag:s14] =	ssyncset.done $0x0  }
0x36: {  	[sflag:s14] =	ssyncadd.s32 $0xFFFFC000  }
0x37: {  	_ =	swait.ge [sflag:s18], $0x4000  }
0x38: {  	[sflag:s18] =	ssyncset.done $0x0  }
0x39: {  	s31 =	sor.u32 $0x180, s23;
	[sflag:s18] =	ssyncadd.s32 $0xFFFFC000  }
0x3a: {  	[tilespmem:s19], [sflag:$0x2] =	stream.indirect.gather [hbm4b:s4+s16], $0x80, s31, s16, $0xb8;
	[tilespmem:$0x1D000] =	vst v63  }
0x3b: {  	s25 =	sor.u32 $0x900, s23  }
0x3c: {  	[spmem:s1] =	stream.indirect.scatter.add.f32 [tilespmem:s17], [sflag:$0x5], $0x80, s25, s16, $0xb8;
	[tilespmem:$0x1D000] =	vst v63  }
0x3d: {  	_ =	swait.ge [sflag:s14], $0x4000  }
0x3e: {  	[sflag:s14] =	ssyncset.done $0x0  }
0x3f: {  	[sflag:s14] =	ssyncadd.s32 $0xFFFFC000  }
0x40: {  	_ =	swait.ge [sflag:s20], $0x4000  }
0x41: {  	[sflag:s20] =	ssyncset.done $0x0  }
0x42: {  	s26 =	sor.u32 $0x200, s23;
	[sflag:s20] =	ssyncadd.s32 $0xFFFFC000  }
0x43: {  	[tilespmem:s17], [sflag:$0x1] =	stream.indirect.gather [hbm4b:s4+s16], $0x80, s26, s16, $0xb8;
	[tilespmem:$0x1D000] =	vst v63  }
0x44: {  	s29 =	sor.u32 $0x980, s23  }
0x45: {  	[spmem:s1] =	stream.indirect.scatter.add.f32 [tilespmem:s19], [sflag:$0x5], $0x80, s29, s16, $0xb8;
	[tilespmem:$0x1D000] =	vst v63  }
0x46: {  	_ =	swait.ge [sflag:s14], $0x4000  }
0x47: {  	[sflag:s14] =	ssyncset.done $0x0  }
0x48: {  	[sflag:s14] =	ssyncadd.s32 $0xFFFFC000  }
0x49: {  	_ =	swait.ge [sflag:s18], $0x4000  }
0x4a: {  	[sflag:s18] =	ssyncset.done $0x0  }
0x4b: {  	s30 =	sor.u32 $0x280, s23;
	[sflag:s18] =	ssyncadd.s32 $0xFFFFC000  }
0x4c: {  	[tilespmem:s19], [sflag:$0x2] =	stream.indirect.gather [hbm4b:s4+s16], $0x80, s30, s16, $0xb8;
	[tilespmem:$0x1D000] =	vst v63  }
0x4d: {  	s31 =	sor.u32 $0xA00, s23  }
0x4e: {  	[spmem:s1] =	stream.indirect.scatter.add.f32 [tilespmem:s17], [sflag:$0x5], $0x80, s31, s16, $0xb8;
	[tilespmem:$0x1D000] =	vst v63  }
0x4f: {  	_ =	swait.ge [sflag:s14], $0x4000  }
0x50: {  	[sflag:s14] =	ssyncset.done $0x0  }
0x51: {  	[sflag:s14] =	ssyncadd.s32 $0xFFFFC000  }
0x52: {  	_ =	swait.ge [sflag:s20], $0x4000  }
0x53: {  	[sflag:s20] =	ssyncset.done $0x0  }
0x54: {  	s25 =	sor.u32 $0x300, s23;
	[sflag:s20] =	ssyncadd.s32 $0xFFFFC000  }
0x55: {  	[tilespmem:s17], [sflag:$0x1] =	stream.indirect.gather [hbm4b:s4+s16], $0x80, s25, s16, $0xb8;
	[tilespmem:$0x1D000] =	vst v63  }
0x56: {  	s26 =	sor.u32 $0xA80, s23  }
0x57: {  	[spmem:s1] =	stream.indirect.scatter.add.f32 [tilespmem:s19], [sflag:$0x5], $0x80, s26, s16, $0xb8;
	[tilespmem:$0x1D000] =	vst v63  }
0x58: {  	_ =	swait.ge [sflag:s14], $0x4000  }
0x59: {  	[sflag:s14] =	ssyncset.done $0x0  }
0x5a: {  	[sflag:s14] =	ssyncadd.s32 $0xFFFFC000  }
0x5b: {  	_ =	swait.ge [sflag:s18], $0x4000  }
0x5c: {  	[sflag:s18] =	ssyncset.done $0x0  }
0x5d: {  	s29 =	sor.u32 $0x380, s23;
	[sflag:s18] =	ssyncadd.s32 $0xFFFFC000  }
0x5e: {  	[tilespmem:s19], [sflag:$0x2] =	stream.indirect.gather [hbm4b:s4+s16], $0x80, s29, s16, $0xb8;
	[tilespmem:$0x1D000] =	vst v63  }
0x5f: {  	s23 =	sor.u32 $0xB00, s23  }
0x60: {  	[spmem:s1] =	stream.indirect.scatter.add.f32 [tilespmem:s17], [sflag:$0x5], $0x80, s23, s16, $0xb8;
	[tilespmem:$0x1D000] =	vst v63  }
0x61: {  	_ =	swait.ge [sflag:s14], $0x4000  }
0x62: {  	[sflag:s14] =	ssyncset.done $0x0  }
0x63: {  	[sflag:s14] =	ssyncadd.s32 $0xFFFFC000  }
0x64: {  	_ =	swait.ge [sflag:s20], $0x4000  }
0x65: {  	[sflag:s20] =	ssyncset.done $0x0  }
0x66: {  	s23 =	simm.s32 @!p0 $0x3;
	[sflag:s20] =	ssyncadd.s32 $0xFFFFC000  }
0x67: {  	_ =	swait.ge @!p0 [sflag:s23], $0x400  }
0x68: {  	[sflag:s23] =	ssyncset.done @!p0 $0x0  }
0x69: {  	[sflag:s23] =	ssyncadd.s32 @!p0 $0xFFFFFC00;
	s23 =	simm.s32 @!p0 $0x4  }
0x6a: {  	_ =	swait.ge @!p0 [sflag:s23], $0x400  }
0x6b: {  	p6 =	por $0x0, $0x0;
	[sflag:s23] =	ssyncset.done @!p0 $0x0  }
0x6c: {  	s26 =	simm.s32 @!p0 $0x1000;
	[sflag:s23] =	ssyncadd.s32 @!p0 $0xFFFFFC00;
	s23 =	simm.s32 @!p0 $0x80  }
0x6d: {  	[tilespmem:s26], [sflag:$0x1] =	stream.indirect.gather @!p0 [hbm4b:s4+s23], $0x80, s22, s23, $0xb8;
	[tilespmem:$0x1D000] =	vst v63  }
0x6e: {  	s24 =	sadd.s32 $0x80, s11;
	s30 =	simm.s32 $0x1;
	s31 =	sor.u32 $0x800, s29  }
0x6f: {  	[spmem:s1] =	stream.indirect.scatter.add.f32 [tilespmem:s19], [sflag:$0x5], $0x80, s31, s16, $0xb8;
	[tilespmem:$0x1D000] =	vst v63  }
0x70: {  	s28 =	sand.u32 $0x1, s30;
	s23 =	simm.s32 $0x2;
	_ =	swait.ge [sflag:s14], $0x4000  }
0x71: {  	p0 =	por p6, p6;
	s22 =	sadd.s32 $0x80, s12;
	[sflag:s14] =	ssyncset.done $0x0  }
.LBB2_2:
0x72: {  	p1 =	seq.s32 s23, $0x9  }
0x73: {  	s26 =	sxor.u32 $0x1, s28;
	[sflag:s14] =	ssyncadd.s32 $0xFFFFC000;
	s25 =	smov.u32 s23  }
0x74: {  	s23 =	sadd.s32 $0x1, s23;
	s29 =	simm.s32 @!p0 $0x0;
	s26 =	sshll.u32 @!p0 s26, $0xA  }
0x75: {  	[tilespmem:s26], [sflag:$0x3] =	stream.linear.gather @!p0 [hbm4b:s22+s29], $0x400, $0x38;
	[tilespmem:$0x1D000] =	vst v63  }
0x76: {  	p2 =	sne.s32 s23, $0xA;
	s30 =	sor.u32 @!p0 $0x800, s26  }
0x77: {  	[tilespmem:s30], [sflag:$0x4] =	stream.linear.gather @!p0 [hbm4b:s24+s29], $0x400, $0x38;
	[tilespmem:$0x1D000] =	vst v63  }
0x78: {  	_ =	swait.ge [sflag:s18], $0x4000  }
0x79: {  	s28 =	sshll.u32 s28, $0xA;
	[sflag:s18] =	ssyncset.done $0x0  }
0x7a: {  	s29 =	sor.u32 $0x80, s28;
	[sflag:s18] =	ssyncadd.s32 $0xFFFFC000  }
0x7b: {  	[tilespmem:s19], [sflag:$0x2] =	stream.indirect.gather [hbm4b:s4+s16], $0x80, s29, s16, $0xb8;
	[tilespmem:$0x1D000] =	vst v63  }
0x7c: {  	s29 =	sor.u32 $0x800, s28  }
0x7d: {  	[spmem:s1] =	stream.indirect.scatter.add.f32 [tilespmem:s17], [sflag:$0x5], $0x80, s29, s16, $0xb8;
	[tilespmem:$0x1D000] =	vst v63  }
0x7e: {  	_ =	swait.ge [sflag:s14], $0x4000  }
0x7f: {  	[sflag:s14] =	ssyncset.done $0x0  }
0x80: {  	[sflag:s14] =	ssyncadd.s32 $0xFFFFC000  }
0x81: {  	_ =	swait.ge [sflag:s20], $0x4000  }
0x82: {  	[sflag:s20] =	ssyncset.done $0x0  }
0x83: {  	s29 =	sor.u32 $0x100, s28;
	[sflag:s20] =	ssyncadd.s32 $0xFFFFC000  }
0x84: {  	[tilespmem:s17], [sflag:$0x1] =	stream.indirect.gather [hbm4b:s4+s16], $0x80, s29, s16, $0xb8;
	[tilespmem:$0x1D000] =	vst v63  }
0x85: {  	s29 =	sor.u32 $0x880, s28  }
0x86: {  	[spmem:s1] =	stream.indirect.scatter.add.f32 [tilespmem:s19], [sflag:$0x5], $0x80, s29, s16, $0xb8;
	[tilespmem:$0x1D000] =	vst v63  }
0x87: {  	_ =	swait.ge [sflag:s14], $0x4000  }
0x88: {  	[sflag:s14] =	ssyncset.done $0x0  }
0x89: {  	[sflag:s14] =	ssyncadd.s32 $0xFFFFC000  }
0x8a: {  	_ =	swait.ge [sflag:s18], $0x4000  }
0x8b: {  	[sflag:s18] =	ssyncset.done $0x0  }
0x8c: {  	s29 =	sor.u32 $0x180, s28;
	[sflag:s18] =	ssyncadd.s32 $0xFFFFC000  }
0x8d: {  	[tilespmem:s19], [sflag:$0x2] =	stream.indirect.gather [hbm4b:s4+s16], $0x80, s29, s16, $0xb8;
	[tilespmem:$0x1D000] =	vst v63  }
0x8e: {  	s29 =	sor.u32 $0x900, s28  }
0x8f: {  	[spmem:s1] =	stream.indirect.scatter.add.f32 [tilespmem:s17], [sflag:$0x5], $0x80, s29, s16, $0xb8;
	[tilespmem:$0x1D000] =	vst v63  }
0x90: {  	_ =	swait.ge [sflag:s14], $0x4000  }
0x91: {  	[sflag:s14] =	ssyncset.done $0x0  }
0x92: {  	[sflag:s14] =	ssyncadd.s32 $0xFFFFC000  }
0x93: {  	_ =	swait.ge [sflag:s20], $0x4000  }
0x94: {  	[sflag:s20] =	ssyncset.done $0x0  }
0x95: {  	s29 =	sor.u32 $0x200, s28;
	[sflag:s20] =	ssyncadd.s32 $0xFFFFC000  }
0x96: {  	[tilespmem:s17], [sflag:$0x1] =	stream.indirect.gather [hbm4b:s4+s16], $0x80, s29, s16, $0xb8;
	[tilespmem:$0x1D000] =	vst v63  }
0x97: {  	s29 =	sor.u32 $0x980, s28  }
0x98: {  	[spmem:s1] =	stream.indirect.scatter.add.f32 [tilespmem:s19], [sflag:$0x5], $0x80, s29, s16, $0xb8;
	[tilespmem:$0x1D000] =	vst v63  }
0x99: {  	_ =	swait.ge [sflag:s14], $0x4000  }
0x9a: {  	[sflag:s14] =	ssyncset.done $0x0  }
0x9b: {  	[sflag:s14] =	ssyncadd.s32 $0xFFFFC000  }
0x9c: {  	_ =	swait.ge [sflag:s18], $0x4000  }
0x9d: {  	[sflag:s18] =	ssyncset.done $0x0  }
0x9e: {  	s29 =	sor.u32 $0x280, s28;
	[sflag:s18] =	ssyncadd.s32 $0xFFFFC000  }
0x9f: {  	[tilespmem:s19], [sflag:$0x2] =	stream.indirect.gather [hbm4b:s4+s16], $0x80, s29, s16, $0xb8;
	[tilespmem:$0x1D000] =	vst v63  }
0xa0: {  	s29 =	sor.u32 $0xA00, s28  }
0xa1: {  	[spmem:s1] =	stream.indirect.scatter.add.f32 [tilespmem:s17], [sflag:$0x5], $0x80, s29, s16, $0xb8;
	[tilespmem:$0x1D000] =	vst v63  }
0xa2: {  	_ =	swait.ge [sflag:s14], $0x4000  }
0xa3: {  	[sflag:s14] =	ssyncset.done $0x0  }
0xa4: {  	[sflag:s14] =	ssyncadd.s32 $0xFFFFC000  }
0xa5: {  	_ =	swait.ge [sflag:s20], $0x4000  }
0xa6: {  	[sflag:s20] =	ssyncset.done $0x0  }
0xa7: {  	s29 =	sor.u32 $0x300, s28;
	[sflag:s20] =	ssyncadd.s32 $0xFFFFC000  }
0xa8: {  	[tilespmem:s17], [sflag:$0x1] =	stream.indirect.gather [hbm4b:s4+s16], $0x80, s29, s16, $0xb8;
	[tilespmem:$0x1D000] =	vst v63  }
0xa9: {  	s29 =	sor.u32 $0xA80, s28  }
0xaa: {  	[spmem:s1] =	stream.indirect.scatter.add.f32 [tilespmem:s19], [sflag:$0x5], $0x80, s29, s16, $0xb8;
	[tilespmem:$0x1D000] =	vst v63  }
0xab: {  	_ =	swait.ge [sflag:s14], $0x4000  }
0xac: {  	[sflag:s14] =	ssyncset.done $0x0  }
0xad: {  	[sflag:s14] =	ssyncadd.s32 $0xFFFFC000  }
0xae: {  	_ =	swait.ge [sflag:s18], $0x4000  }
0xaf: {  	[sflag:s18] =	ssyncset.done $0x0  }
0xb0: {  	s29 =	sor.u32 $0x380, s28;
	[sflag:s18] =	ssyncadd.s32 $0xFFFFC000  }
0xb1: {  	[tilespmem:s19], [sflag:$0x2] =	stream.indirect.gather [hbm4b:s4+s16], $0x80, s29, s16, $0xb8;
	[tilespmem:$0x1D000] =	vst v63  }
0xb2: {  	s28 =	sor.u32 $0xB00, s28  }
0xb3: {  	[spmem:s1] =	stream.indirect.scatter.add.f32 [tilespmem:s17], [sflag:$0x5], $0x80, s28, s16, $0xb8;
	[tilespmem:$0x1D000] =	vst v63  }
0xb4: {  	_ =	swait.ge [sflag:s14], $0x4000  }
0xb5: {  	[sflag:s14] =	ssyncset.done $0x0  }
0xb6: {  	[sflag:s14] =	ssyncadd.s32 $0xFFFFC000  }
0xb7: {  	_ =	swait.ge [sflag:s20], $0x4000  }
0xb8: {  	[sflag:s20] =	ssyncset.done $0x0  }
0xb9: {  	s28 =	simm.s32 @!p0 $0x3;
	[sflag:s20] =	ssyncadd.s32 $0xFFFFC000  }
0xba: {  	_ =	swait.ge @!p0 [sflag:s28], $0x400  }
0xbb: {  	[sflag:s28] =	ssyncset.done @!p0 $0x0  }
0xbc: {  	[sflag:s28] =	ssyncadd.s32 @!p0 $0xFFFFFC00;
	s28 =	simm.s32 @!p0 $0x4  }
0xbd: {  	_ =	swait.ge @!p0 [sflag:s28], $0x400  }
0xbe: {  	[sflag:s28] =	ssyncset.done @!p0 $0x0  }
0xbf: {  	s30 =	simm.s32 @!p0 $0x1000;
	[sflag:s28] =	ssyncadd.s32 @!p0 $0xFFFFFC00;
	s28 =	simm.s32 @!p0 $0x80  }
0xc0: {  	[tilespmem:s30], [sflag:$0x1] =	stream.indirect.gather @!p0 [hbm4b:s4+s28], $0x80, s26, s28, $0xb8;
	[tilespmem:$0x1D000] =	vst v63  }
.Ltmp0:
0xc1: {  	_ = 	snop;
	(pc) =	sbr.rel @p2 .LBB2_2-.Ltmp0, $4  }
0xc2: {  	s26 =	sor.u32 $0x800, s29;
	p0 =	por p1, p1  }
0xc3: {  	[spmem:s1] =	stream.indirect.scatter.add.f32 [tilespmem:s19], [sflag:$0x5], $0x80, s26, s16, $0xb8;
	[tilespmem:$0x1D000] =	vst v63  }
0xc4: {  	s22 =	sadd.s32 $0x80, s22;
	_ =	swait.ge [sflag:s14], $0x4000  }
0xc5: {  	s24 =	sadd.s32 $0x80, s24;
	s28 =	sand.u32 $0x1, s25;
	[sflag:s14] =	ssyncset.done $0x0  }
0xc6: {  	s23 =	sxor.u32 $0x1, s28  }
0xc7: {  	[sflag:s14] =	ssyncadd.s32 $0xFFFFC000;
	s25 =	simm.s32 @!p0 $0x0;
	s23 =	sshll.u32 @!p0 s23, $0xA  }
0xc8: {  	[tilespmem:s23], [sflag:$0x3] =	stream.linear.gather @!p0 [hbm4b:s22+s25], $0x400, $0x38;
	[tilespmem:$0x1D000] =	vst v63  }
0xc9: {  	s22 =	sor.u32 @!p0 $0x800, s23  }
0xca: {  	[tilespmem:s22], [sflag:$0x4] =	stream.linear.gather @!p0 [hbm4b:s24+s25], $0x400, $0x38;
	[tilespmem:$0x1D000] =	vst v63  }
0xcb: {  	_ =	swait.ge [sflag:s18], $0x4000  }
0xcc: {  	s22 =	sshll.u32 s28, $0xA;
	[sflag:s18] =	ssyncset.done $0x0  }
0xcd: {  	s30 =	sor.u32 $0x80, s22;
	[sflag:s18] =	ssyncadd.s32 $0xFFFFC000  }
0xce: {  	[tilespmem:s19], [sflag:$0x2] =	stream.indirect.gather [hbm4b:s4+s16], $0x80, s30, s16, $0xb8;
	[tilespmem:$0x1D000] =	vst v63  }
0xcf: {  	s31 =	sor.u32 $0x800, s22  }
0xd0: {  	[spmem:s1] =	stream.indirect.scatter.add.f32 [tilespmem:s17], [sflag:$0x5], $0x80, s31, s16, $0xb8;
	[tilespmem:$0x1D000] =	vst v63  }
0xd1: {  	_ =	swait.ge [sflag:s14], $0x4000  }
0xd2: {  	[sflag:s14] =	ssyncset.done $0x0  }
0xd3: {  	[sflag:s14] =	ssyncadd.s32 $0xFFFFC000  }
0xd4: {  	_ =	swait.ge [sflag:s20], $0x4000  }
0xd5: {  	[sflag:s20] =	ssyncset.done $0x0  }
0xd6: {  	s25 =	sor.u32 $0x100, s22;
	[sflag:s20] =	ssyncadd.s32 $0xFFFFC000  }
0xd7: {  	[tilespmem:s17], [sflag:$0x1] =	stream.indirect.gather [hbm4b:s4+s16], $0x80, s25, s16, $0xb8;
	[tilespmem:$0x1D000] =	vst v63  }
0xd8: {  	s26 =	sor.u32 $0x880, s22  }
0xd9: {  	[spmem:s1] =	stream.indirect.scatter.add.f32 [tilespmem:s19], [sflag:$0x5], $0x80, s26, s16, $0xb8;
	[tilespmem:$0x1D000] =	vst v63  }
0xda: {  	_ =	swait.ge [sflag:s14], $0x4000  }
0xdb: {  	[sflag:s14] =	ssyncset.done $0x0  }
0xdc: {  	[sflag:s14] =	ssyncadd.s32 $0xFFFFC000  }
0xdd: {  	_ =	swait.ge [sflag:s18], $0x4000  }
0xde: {  	[sflag:s18] =	ssyncset.done $0x0  }
0xdf: {  	s28 =	sor.u32 $0x180, s22;
	[sflag:s18] =	ssyncadd.s32 $0xFFFFC000  }
0xe0: {  	[tilespmem:s19], [sflag:$0x2] =	stream.indirect.gather [hbm4b:s4+s16], $0x80, s28, s16, $0xb8;
	[tilespmem:$0x1D000] =	vst v63  }
0xe1: {  	s29 =	sor.u32 $0x900, s22  }
0xe2: {  	[spmem:s1] =	stream.indirect.scatter.add.f32 [tilespmem:s17], [sflag:$0x5], $0x80, s29, s16, $0xb8;
	[tilespmem:$0x1D000] =	vst v63  }
0xe3: {  	_ =	swait.ge [sflag:s14], $0x4000  }
0xe4: {  	[sflag:s14] =	ssyncset.done $0x0  }
0xe5: {  	[sflag:s14] =	ssyncadd.s32 $0xFFFFC000  }
0xe6: {  	_ =	swait.ge [sflag:s20], $0x4000  }
0xe7: {  	[sflag:s20] =	ssyncset.done $0x0  }
0xe8: {  	s30 =	sor.u32 $0x200, s22;
	[sflag:s20] =	ssyncadd.s32 $0xFFFFC000  }
0xe9: {  	[tilespmem:s17], [sflag:$0x1] =	stream.indirect.gather [hbm4b:s4+s16], $0x80, s30, s16, $0xb8;
	[tilespmem:$0x1D000] =	vst v63  }
0xea: {  	s31 =	sor.u32 $0x980, s22  }
0xeb: {  	[spmem:s1] =	stream.indirect.scatter.add.f32 [tilespmem:s19], [sflag:$0x5], $0x80, s31, s16, $0xb8;
	[tilespmem:$0x1D000] =	vst v63  }
0xec: {  	_ =	swait.ge [sflag:s14], $0x4000  }
0xed: {  	[sflag:s14] =	ssyncset.done $0x0  }
0xee: {  	[sflag:s14] =	ssyncadd.s32 $0xFFFFC000  }
0xef: {  	_ =	swait.ge [sflag:s18], $0x4000  }
0xf0: {  	[sflag:s18] =	ssyncset.done $0x0  }
0xf1: {  	s25 =	sor.u32 $0x280, s22;
	[sflag:s18] =	ssyncadd.s32 $0xFFFFC000  }
0xf2: {  	[tilespmem:s19], [sflag:$0x2] =	stream.indirect.gather [hbm4b:s4+s16], $0x80, s25, s16, $0xb8;
	[tilespmem:$0x1D000] =	vst v63  }
0xf3: {  	s26 =	sor.u32 $0xA00, s22  }
0xf4: {  	[spmem:s1] =	stream.indirect.scatter.add.f32 [tilespmem:s17], [sflag:$0x5], $0x80, s26, s16, $0xb8;
	[tilespmem:$0x1D000] =	vst v63  }
0xf5: {  	_ =	swait.ge [sflag:s14], $0x4000  }
0xf6: {  	[sflag:s14] =	ssyncset.done $0x0  }
0xf7: {  	[sflag:s14] =	ssyncadd.s32 $0xFFFFC000  }
0xf8: {  	_ =	swait.ge [sflag:s20], $0x4000  }
0xf9: {  	[sflag:s20] =	ssyncset.done $0x0  }
0xfa: {  	s28 =	sor.u32 $0x300, s22;
	[sflag:s20] =	ssyncadd.s32 $0xFFFFC000  }
0xfb: {  	[tilespmem:s17], [sflag:$0x1] =	stream.indirect.gather [hbm4b:s4+s16], $0x80, s28, s16, $0xb8;
	[tilespmem:$0x1D000] =	vst v63  }
0xfc: {  	s29 =	sor.u32 $0xA80, s22  }
0xfd: {  	[spmem:s1] =	stream.indirect.scatter.add.f32 [tilespmem:s19], [sflag:$0x5], $0x80, s29, s16, $0xb8;
	[tilespmem:$0x1D000] =	vst v63  }
0xfe: {  	_ =	swait.ge [sflag:s14], $0x4000  }
0xff: {  	[sflag:s14] =	ssyncset.done $0x0  }
0x100: {  	[sflag:s14] =	ssyncadd.s32 $0xFFFFC000  }
0x101: {  	_ =	swait.ge [sflag:s18], $0x4000  }
0x102: {  	[sflag:s18] =	ssyncset.done $0x0  }
0x103: {  	s30 =	sor.u32 $0x380, s22;
	[sflag:s18] =	ssyncadd.s32 $0xFFFFC000  }
0x104: {  	[tilespmem:s19], [sflag:$0x2] =	stream.indirect.gather [hbm4b:s4+s16], $0x80, s30, s16, $0xb8;
	[tilespmem:$0x1D000] =	vst v63  }
0x105: {  	s22 =	sor.u32 $0xB00, s22  }
0x106: {  	[spmem:s1] =	stream.indirect.scatter.add.f32 [tilespmem:s17], [sflag:$0x5], $0x80, s22, s16, $0xb8;
	[tilespmem:$0x1D000] =	vst v63  }
0x107: {  	_ =	swait.ge [sflag:s14], $0x4000  }
0x108: {  	[sflag:s14] =	ssyncset.done $0x0  }
0x109: {  	[sflag:s14] =	ssyncadd.s32 $0xFFFFC000  }
0x10a: {  	_ =	swait.ge [sflag:s20], $0x4000  }
0x10b: {  	[sflag:s20] =	ssyncset.done $0x0  }
0x10c: {  	s22 =	simm.s32 @!p0 $0x3;
	[sflag:s20] =	ssyncadd.s32 $0xFFFFC000  }
0x10d: {  	_ =	swait.ge @!p0 [sflag:s22], $0x400  }
0x10e: {  	[sflag:s22] =	ssyncset.done @!p0 $0x0  }
0x10f: {  	[sflag:s22] =	ssyncadd.s32 @!p0 $0xFFFFFC00;
	s22 =	simm.s32 @!p0 $0x4  }
0x110: {  	_ =	swait.ge @!p0 [sflag:s22], $0x400  }
0x111: {  	[sflag:s22] =	ssyncset.done @!p0 $0x0  }
0x112: {  	s25 =	simm.s32 @!p0 $0x1000;
	[sflag:s22] =	ssyncadd.s32 @!p0 $0xFFFFFC00;
	s22 =	simm.s32 @!p0 $0x80  }
0x113: {  	[tilespmem:s25], [sflag:$0x1] =	stream.indirect.gather @!p0 [hbm4b:s4+s22], $0x80, s23, s22, $0xb8;
	[tilespmem:$0x1D000] =	vst v63  }
0x114: {  	s31 =	sor.u32 $0x800, s30  }
0x115: {  	[spmem:s1] =	stream.indirect.scatter.add.f32 [tilespmem:s19], [sflag:$0x5], $0x80, s31, s16, $0xb8;
	[tilespmem:$0x1D000] =	vst v63  }
0x116: {  	_ =	swait.ge [sflag:s14], $0x4000  }
0x117: {  	s21 =	sadd.s32 $0x1, s21;
	[sflag:s14] =	ssyncset.done $0x0  }
0x118: {  	p0 =	sne.s32 s21, s9;
	[sflag:s14] =	ssyncadd.s32 $0xFFFFC000  }
.Ltmp1:
0x119: {  	[bflag:$0x0] =	sbarrier.arrive $0xFFFF;
	(pc) =	sbr.rel @p0 .LBB2_1-.Ltmp1, $4  }
0x11a: {  	[hbm:s10], [sflag:s6] =	dma.local [spmem:s13], $0x2800  }
0x11b: {  	_ =	swait.ge [sflag:s14], $0x2800  }
0x11c: {  	[sflag:s14] =	ssyncset.done $0x0  }
0x11d: {  	[sflag:s14] =	ssyncadd.s32 $0xFFFFD800  }
0x11e: {  	_ =	sfence.sel $0x180000  }
0x11f: {  	[bflag:$0x0] =	sbarrier.arrive $0xFFFF  }
0x120: {  	p0 =	sne.s32 s3, $0x0;
	_ =	strace $0x9000004A  }
0x121: {  	s0 =	sadd.s32 @!p0 $0x100000, s0;
	[bflag:$0x2] =	sbarrier.arrive $0xFFFF  }
0x122: {  	[sflag:s0] =	ssyncadd.tile.s32 @!p0 $0x1;
	_ =	shalt  }
.Lfunc_end2:
_tile_overlayer_lowered:
.L_overlay_start_2:
0x123: {  	(tag) =	ssettag $0x2  }
0x124: {  	s0 =	rddreg [dreg:$0x0];
	s2 =	stileid.u32  }
0x125: {  	s1 =	rddreg [dreg:$0x1];
	p0 =	sne.s32 s2, $0x0  }
0x126: {  	s3 =	rddreg [dreg:$0x2];
	[bflag:$0x3] =	sbarrier.arrive $0xFFFF;
	s2 =	simm.s32 @!p0 $0x1C05  }
0x127: {  	[timem:s3], [sflag:s2] =	dma.local @!p0 [hbm:s0], s1  }
0x128: {  	s0 =	simm.s32 @!p0 $0x5  }
0x129: {  	_ =	swait.ge @!p0 [sflag:s0], s1  }
0x12a: {  	s1 =	ssub.s32 @!p0 $0x0, s1;
	[sflag:s0] =	ssyncset.done @!p0 $0x0  }
0x12b: {  	[sflag:s0] =	ssyncadd.s32 @!p0 s1  }
0x12c: {  	[bflag:$0x3] =	sbarrier.arrive $0xFFFF  }
0x12d: {  	_ =	shalt  }

</sc_bundles>
